<compile_context>
chip_gen: v7x
topology: tpu7x:2x2x1
jax: 0.10.2.dev20260603
libtpu: 0.0.44.dev20260713+nightly
codegen_flags: <defaults>
</compile_context>

<pallas_src>
import functools

import jax
import jax.numpy as jnp
from jax import lax
from jax.experimental import pallas as pl
from jax.experimental.pallas import tpu as pltpu
from jax.experimental.pallas import tpu_sc as plsc

NN = 10000
EE = 320000
DIN = 128
HID = 32
NCLS = 40

NC = 2
NS = 16
NW = NC * NS
CH = 128
KCH = 80
EPT = CH * KCH
EPAD = EPT * NW
NPAD = 10240
RPS = NPAD // NS

_mesh = plsc.VectorSubcoreMesh(core_axis_name="c", subcore_axis_name="s")
_sc_params = pltpu.CompilerParams(use_tc_tiling_on_sc=False)



@functools.partial(
    pl.kernel,
    out_type=jax.ShapeDtypeStruct((NC * NPAD,), jnp.float32),
    mesh=_mesh,
    compiler_params=_sc_params,
    scratch_types=[
        pltpu.VMEM((KCH, CH), jnp.int32),
        pltpu.VMEM((CH,), jnp.float32),
        pltpu.VMEM_SHARED((NPAD,), jnp.float32),
        pltpu.SemaphoreType.DMA,
    ],
)
def _sc_degree(srcT_hbm, ones_hbm, zeros1_hbm, out_hbm,
               src_v, ones_v, deg_sh, sem):
    cid = lax.axis_index("c")
    sid = lax.axis_index("s")
    wid = sid * NC + cid
    pltpu.sync_copy(srcT_hbm.at[wid], src_v)
    pltpu.sync_copy(ones_hbm, ones_v)
    pltpu.sync_copy(zeros1_hbm.at[pl.ds(sid * RPS, RPS)],
                    deg_sh.at[pl.ds(sid * RPS, RPS)])
    plsc.subcore_barrier()

    @pl.loop(0, KCH, step=4)
    def _chunk(j):
        for p in range(4):
            pltpu.async_copy(ones_v, deg_sh.at[src_v.at[j + p]], sem, add=True)
        for p in range(4):
            pltpu.make_async_copy(ones_v, deg_sh.at[src_v.at[j]], sem).wait()

    plsc.subcore_barrier()
    pltpu.sync_copy(deg_sh.at[pl.ds(sid * RPS, RPS)],
                    out_hbm.at[pl.ds(cid * NPAD + sid * RPS, RPS)])


@functools.partial(
    pl.kernel,
    out_type=jax.ShapeDtypeStruct((NC, NPAD, HID), jnp.float32),
    mesh=_mesh,
    compiler_params=_sc_params,
    scratch_types=[
        pltpu.VMEM((KCH, CH), jnp.int32),
        pltpu.VMEM((KCH, CH), jnp.int32),
        pltpu.VMEM((8, CH, HID), jnp.float32),
        pltpu.VMEM_SHARED((NPAD, HID), jnp.float32),
        pltpu.VMEM_SHARED((NPAD, HID), jnp.float32),
        pltpu.SemaphoreType.DMA,
        pltpu.SemaphoreType.DMA,
        pltpu.SemaphoreType.DMA,
        pltpu.SemaphoreType.DMA,
        pltpu.SemaphoreType.DMA,
        pltpu.SemaphoreType.DMA,
        pltpu.SemaphoreType.DMA,
        pltpu.SemaphoreType.DMA,
        pltpu.SemaphoreType.DMA,
        pltpu.SemaphoreType.DMA,
        pltpu.SemaphoreType.DMA,
        pltpu.SemaphoreType.DMA,
        pltpu.SemaphoreType.DMA,
        pltpu.SemaphoreType.DMA,
        pltpu.SemaphoreType.DMA,
        pltpu.SemaphoreType.DMA,
    ],
)
def _sc_propagate(z_hbm, srcT_hbm, dstT_hbm, zeros_hbm, out_hbm,
                  src_v, dst_v, rows_v, acc_sh, z_sh,
                  g0, g1, g2, g3, g4, g5, g6, g7,
                  s0, s1, s2, s3, s4, s5, s6, s7):
    gs = (g0, g1, g2, g3, g4, g5, g6, g7)
    ss = (s0, s1, s2, s3, s4, s5, s6, s7)
    cid = lax.axis_index("c")
    sid = lax.axis_index("s")
    wid = sid * NC + cid
    pltpu.sync_copy(srcT_hbm.at[wid], src_v)
    pltpu.sync_copy(dstT_hbm.at[wid], dst_v)
    pltpu.sync_copy(zeros_hbm.at[pl.ds(sid * RPS, RPS)],
                    acc_sh.at[pl.ds(sid * RPS, RPS)])
    pltpu.sync_copy(z_hbm.at[pl.ds(sid * RPS, RPS)],
                    z_sh.at[pl.ds(sid * RPS, RPS)])
    plsc.subcore_barrier()

    for c0 in range(4):
        pltpu.async_copy(z_sh.at[src_v.at[c0]], rows_v.at[c0], gs[c0])

    @pl.loop(0, KCH, step=8)
    def _oct(j):
        for p in range(8):
            c = j + p
            b = p
            b2 = (p + 4) % 8
            pltpu.make_async_copy(z_sh.at[src_v.at[c]], rows_v.at[b],
                                  gs[b]).wait()
            pltpu.async_copy(rows_v.at[b], acc_sh.at[dst_v.at[c]], ss[b],
                             add=True)

            @pl.when(c >= 4)
            def _drain():
                pltpu.make_async_copy(rows_v.at[b2],
                                      acc_sh.at[dst_v.at[c - 4]],
                                      ss[b2]).wait()

            @pl.when(c + 4 < KCH)
            def _prefetch():
                pltpu.async_copy(z_sh.at[src_v.at[c + 4]], rows_v.at[b2],
                                 gs[b2])

    for c in range(KCH - 4, KCH):
        b = c % 8
        pltpu.make_async_copy(rows_v.at[b], acc_sh.at[dst_v.at[c]],
                              ss[b]).wait()
    plsc.subcore_barrier()
    pltpu.sync_copy(acc_sh.at[pl.ds(sid * RPS, RPS)],
                    out_hbm.at[cid, pl.ds(sid * RPS, RPS)])



def _tc1a_body(x_ref, w0_ref, w1_ref, b1_ref, xw0b_ref, u1_ref):
    x = x_ref[...]
    xw0b_ref[...] = (
        jnp.dot(x, w0_ref[...], preferred_element_type=jnp.float32) + b1_ref[...]
    )
    u1_ref[...] = jnp.dot(x, w1_ref[...], preferred_element_type=jnp.float32)


def _tc1b_body(u1_ref, deg_ref, z1_ref, dis_ref):
    deg = deg_ref[pl.ds(0, NPAD)] + deg_ref[pl.ds(NPAD, NPAD)]
    dis = jnp.where(deg > 0, lax.rsqrt(jnp.maximum(deg, 1e-12)),
                    0.0).reshape(NPAD, 1)
    dis_ref[...] = dis
    z1 = dis[:NN] * u1_ref[...]
    z1_ref[...] = jnp.pad(z1, ((0, NPAD - NN), (0, 0)))


def _tc2_body(xw0b_ref, acc_ref, dis_ref, w02_ref, b2_ref,
              h_ref, z2_ref, hw0b_ref):
    dis = dis_ref[...]
    acc = acc_ref[0] + acc_ref[1]
    h = jnp.maximum(xw0b_ref[...] - (dis * acc)[:NN], 0.0)
    h_ref[...] = h
    z2_ref[...] = jnp.pad(dis[:NN] * h, ((0, NPAD - NN), (0, 0)))
    hw0b_ref[...] = (
        jnp.dot(h, w02_ref[...], preferred_element_type=jnp.float32)
        + b2_ref[...]
    )


def _tc3_body(hw0b_ref, acc_ref, dis_ref, w12_ref, logp_ref):
    dis = dis_ref[...]
    acc = acc_ref[0] + acc_ref[1]
    logits = hw0b_ref[...] - jnp.dot(
        (dis * acc)[:NN], w12_ref[...], preferred_element_type=jnp.float32
    )
    m = jnp.max(logits, axis=1, keepdims=True)
    lse = m + jnp.log(jnp.sum(jnp.exp(logits - m), axis=1, keepdims=True))
    logp_ref[...] = logits - lse


def kernel(x, edge_index, W0_1, W1_1, b1, W0_2, W1_2, b2):
    src = edge_index[0].astype(jnp.int32)
    dst = edge_index[1].astype(jnp.int32)
    pad = jnp.full((EPAD - EE,), NN, jnp.int32)
    srcT = jnp.concatenate([src, pad]).reshape(NW, KCH, CH)
    dstT = jnp.concatenate([dst, pad]).reshape(NW, KCH, CH)
    zeros2d = jnp.zeros((NPAD, HID), jnp.float32)
    zeros1d = jnp.zeros((NPAD,), jnp.float32)
    ones1d = jnp.ones((CH,), jnp.float32)

    deg_p = _sc_degree(srcT, ones1d, zeros1d)

    xw0b, u1 = pl.pallas_call(
        _tc1a_body,
        out_shape=(
            jax.ShapeDtypeStruct((NN, HID), jnp.float32),
            jax.ShapeDtypeStruct((NN, HID), jnp.float32),
        ),
    )(x, W0_1, W1_1, b1.reshape(1, HID))

    z1, dis_col = pl.pallas_call(
        _tc1b_body,
        out_shape=(
            jax.ShapeDtypeStruct((NPAD, HID), jnp.float32),
            jax.ShapeDtypeStruct((NPAD, 1), jnp.float32),
        ),
    )(u1, deg_p)

    acc1 = _sc_propagate(z1, srcT, dstT, zeros2d)

    h, z2, hw0b = pl.pallas_call(
        _tc2_body,
        out_shape=(
            jax.ShapeDtypeStruct((NN, HID), jnp.float32),
            jax.ShapeDtypeStruct((NPAD, HID), jnp.float32),
            jax.ShapeDtypeStruct((NN, NCLS), jnp.float32),
        ),
    )(xw0b, acc1, dis_col, W0_2, b2.reshape(1, NCLS))

    acc2 = _sc_propagate(z2, srcT, dstT, zeros2d)

    logp = pl.pallas_call(
        _tc3_body,
        out_shape=jax.ShapeDtypeStruct((NN, NCLS), jnp.float32),
    )(hw0b, acc2, dis_col, W1_2)

    return (logp, h)

# --- scband reference (transcript-rebuilt; emitter-appended) ---
"""Pipeline reference for scband-cheb-net-43061342110390 (READ-ONLY COPY).

The authoritative reference and input builder live on the scoring server;
editing this copy changes nothing except your own understanding.
"""

import jax, jax.numpy as jnp
import numpy as np

N = 10000
E = 320000
D_IN = 128
HID = 32
N_CLASSES = 40


def setup_inputs(seed: int = 0) -> dict:
    key = jax.random.key(seed)
    ks = jax.random.split(key, 8)
    x = jax.random.normal(ks[0], (N, D_IN), dtype=jnp.float32)
    edge_index = jax.random.randint(ks[1], (2, E), 0, N)
    # ChebConv K=2 weights: one linear per Chebyshev order (glorot-style init)
    s1 = float(np.sqrt(6.0 / (D_IN + HID)))
    W0_1 = jax.random.uniform(ks[2], (D_IN, HID), minval=-s1, maxval=s1, dtype=jnp.float32)
    W1_1 = jax.random.uniform(ks[3], (D_IN, HID), minval=-s1, maxval=s1, dtype=jnp.float32)
    b1 = jnp.zeros((HID,), dtype=jnp.float32)
    s2 = float(np.sqrt(6.0 / (HID + N_CLASSES)))
    W0_2 = jax.random.uniform(ks[4], (HID, N_CLASSES), minval=-s2, maxval=s2, dtype=jnp.float32)
    W1_2 = jax.random.uniform(ks[5], (HID, N_CLASSES), minval=-s2, maxval=s2, dtype=jnp.float32)
    b2 = jnp.zeros((N_CLASSES,), dtype=jnp.float32)
    return {"x": x, "edge_index": edge_index, "W0_1": W0_1, "W1_1": W1_1, "b1": b1,
            "W0_2": W0_2, "W1_2": W1_2, "b2": b2}


def _cheb_propagate(x, edge_index, num_nodes):
    # scaled Laplacian (lambda_max=2, sym norm, self-loop fill -1):
    # L_hat = L - I = -D^{-1/2} A D^{-1/2}; diagonal term is exactly 0.
    src = edge_index[0]
    dst = edge_index[1]
    ones = jnp.ones((src.shape[0],), dtype=x.dtype)
    deg = jax.ops.segment_sum(ones, src, num_segments=num_nodes)
    deg_inv_sqrt = jnp.where(deg > 0, jax.lax.rsqrt(jnp.maximum(deg, 1e-12)), 0.0)
    norm = -deg_inv_sqrt[src] * deg_inv_sqrt[dst]
    msgs = norm[:, None] * jnp.take(x, src, axis=0)
    return jax.ops.segment_sum(msgs, dst, num_segments=num_nodes)


def _cheb_conv_k2(x, edge_index, W0, W1, b, num_nodes):
    Tx0 = x
    out = Tx0 @ W0
    Tx1 = _cheb_propagate(x, edge_index, num_nodes)
    out = out + Tx1 @ W1
    return out + b


def reference(x, edge_index, W0_1, W1_1, b1, W0_2, W1_2, b2):
    h = _cheb_conv_k2(x, edge_index, W0_1, W1_1, b1, N)
    h = jax.nn.relu(h)
    x_latent = h
    # dropout is identity in eval mode
    logits = _cheb_conv_k2(h, edge_index, W0_2, W1_2, b2, N)
    logp = logits - jax.scipy.special.logsumexp(logits, axis=1, keepdims=True)
    return (logp, x_latent)

if __name__ == "__main__":
    import jax
    _d = setup_inputs()
    print(jax.jit(kernel)(*tuple(_d.values())))

</pallas_src>

<mosaic_0001>
#map = affine_map<(d0, d1) -> (0, 0, 0)>
#map1 = affine_map<(d0, d1) -> (0)>
module attributes {stable_mosaic.version = 14 : i64} {
  func.func @_sc_degree(%arg0: i32, %arg1: i32, %arg2: memref<32x80x128xi32, #tpu.memory_space<hbm>>, %arg3: memref<128xf32, #tpu.memory_space<hbm>>, %arg4: memref<10240xf32, #tpu.memory_space<hbm>>, %arg5: memref<20480xf32, #tpu.memory_space<hbm>>, %arg6: memref<80x128xi32, #tpu.memory_space<vmem>>, %arg7: memref<128xf32, #tpu.memory_space<vmem>>, %arg8: memref<10240xf32, #tpu.memory_space<vmem_shared>>, %arg9: memref<!tpu.dma_semaphore, #tpu.memory_space<semaphore_mem>>) attributes {dimension_semantics = [#tpu.dimension_semantics<core_parallel>, #tpu.dimension_semantics<subcore_parallel>], iteration_bounds = array<i64: 2, 16>, scalar_prefetch = 0 : i64, scratch_operands = 4 : i64, tpu.core_type = #tpu.core_type<sc_vector_subcore>, window_params = [{transform_indices = #map}, {transform_indices = #map1}, {transform_indices = #map1}, {transform_indices = #map1}]} {
    %mul3A = arith.constant 2 : i32
    %mul3A_0 = arith.muli %arg1, %mul3A : i32
    %add3A = arith.addi %mul3A_0, %arg0 : i32
    "tpu.region"() ({
      %run_scoped3A = tpu.sem_alloc : memref<!tpu.dma_semaphore, #tpu.memory_space<semaphore_mem>>
      %dma_start3A = arith.constant 0 : i32
      %dma_start3A_17 = arith.constant 0 : i32
      %dma_start3A_18 = tpu.memref_slice %arg2[%add3A, %dma_start3A, %dma_start3A_17] : memref<32x80x128xi32, #tpu.memory_space<hbm>> -> memref<1x80x128xi32, #tpu.memory_space<hbm>>
      %dma_start3A_19 = tpu.memref_squeeze %dma_start3A_18 : memref<1x80x128xi32, #tpu.memory_space<hbm>> -> memref<80x128xi32, #tpu.memory_space<hbm>>
      %dma_start3A_20 = arith.constant 0 : i32
      %dma_start3A_21 = arith.constant 0 : i32
      %dma_start3A_22 = tpu.memref_slice %arg2[%add3A, %dma_start3A_20, %dma_start3A_21] : memref<32x80x128xi32, #tpu.memory_space<hbm>> -> memref<1x80x128xi32, #tpu.memory_space<hbm>>
      %dma_start3A_23 = tpu.memref_squeeze %dma_start3A_22 : memref<1x80x128xi32, #tpu.memory_space<hbm>> -> memref<80x128xi32, #tpu.memory_space<hbm>>
      tpu.enqueue_dma source(%dma_start3A_23 : memref<80x128xi32, #tpu.memory_space<hbm>>) target(%arg6 : memref<80x128xi32, #tpu.memory_space<vmem>>) target_semaphore(%run_scoped3A : memref<!tpu.dma_semaphore, #tpu.memory_space<semaphore_mem>>)
      %dma_wait3A = arith.constant 0 : i32
      %dma_wait3A_24 = arith.constant 0 : i32
      %dma_wait3A_25 = tpu.memref_slice %arg2[%add3A, %dma_wait3A, %dma_wait3A_24] : memref<32x80x128xi32, #tpu.memory_space<hbm>> -> memref<1x80x128xi32, #tpu.memory_space<hbm>>
      %dma_wait3A_26 = tpu.memref_squeeze %dma_wait3A_25 : memref<1x80x128xi32, #tpu.memory_space<hbm>> -> memref<80x128xi32, #tpu.memory_space<hbm>>
      %dma_wait3A_27 = arith.constant 0 : i32
      %dma_wait3A_28 = arith.constant 0 : i32
      %dma_wait3A_29 = tpu.memref_slice %arg2[%add3A, %dma_wait3A_27, %dma_wait3A_28] : memref<32x80x128xi32, #tpu.memory_space<hbm>> -> memref<1x80x128xi32, #tpu.memory_space<hbm>>
      %dma_wait3A_30 = tpu.memref_squeeze %dma_wait3A_29 : memref<1x80x128xi32, #tpu.memory_space<hbm>> -> memref<80x128xi32, #tpu.memory_space<hbm>>
      tpu.wait_dma2 semaphore(%run_scoped3A : memref<!tpu.dma_semaphore, #tpu.memory_space<semaphore_mem>>) src(%dma_wait3A_30 : memref<80x128xi32, #tpu.memory_space<hbm>>) dst(%arg6 : memref<80x128xi32, #tpu.memory_space<vmem>>)
      tpu.yield
    }) : () -> ()
    "tpu.region"() ({
      %run_scoped3A = tpu.sem_alloc : memref<!tpu.dma_semaphore, #tpu.memory_space<semaphore_mem>>
      tpu.enqueue_dma source(%arg3 : memref<128xf32, #tpu.memory_space<hbm>>) target(%arg7 : memref<128xf32, #tpu.memory_space<vmem>>) target_semaphore(%run_scoped3A : memref<!tpu.dma_semaphore, #tpu.memory_space<semaphore_mem>>)
      tpu.wait_dma2 semaphore(%run_scoped3A : memref<!tpu.dma_semaphore, #tpu.memory_space<semaphore_mem>>) src(%arg3 : memref<128xf32, #tpu.memory_space<hbm>>) dst(%arg7 : memref<128xf32, #tpu.memory_space<vmem>>)
      tpu.yield
    }) : () -> ()
    %mul3A_1 = arith.constant 640 : i32
    %mul3A_2 = arith.muli %arg1, %mul3A_1 : i32
    %mul3A_3 = arith.constant 640 : i32
    %mul3A_4 = arith.muli %arg1, %mul3A_3 : i32
    "tpu.region"() ({
      %run_scoped3A = tpu.sem_alloc : memref<!tpu.dma_semaphore, #tpu.memory_space<semaphore_mem>>
      %dma_start3A = tpu.memref_slice %arg8[%mul3A_4] : memref<10240xf32, #tpu.memory_space<vmem_shared>> -> memref<640xf32, #tpu.memory_space<vmem_shared>>
      %dma_start3A_17 = tpu.memref_slice %arg4[%mul3A_2] : memref<10240xf32, #tpu.memory_space<hbm>> -> memref<640xf32, #tpu.memory_space<hbm>>
      tpu.enqueue_dma source(%dma_start3A_17 : memref<640xf32, #tpu.memory_space<hbm>>) target(%dma_start3A : memref<640xf32, #tpu.memory_space<vmem_shared>>) target_semaphore(%run_scoped3A : memref<!tpu.dma_semaphore, #tpu.memory_space<semaphore_mem>>)
      %dma_wait3A = tpu.memref_slice %arg8[%mul3A_4] : memref<10240xf32, #tpu.memory_space<vmem_shared>> -> memref<640xf32, #tpu.memory_space<vmem_shared>>
      %dma_wait3A_18 = tpu.memref_slice %arg4[%mul3A_2] : memref<10240xf32, #tpu.memory_space<hbm>> -> memref<640xf32, #tpu.memory_space<hbm>>
      tpu.wait_dma2 semaphore(%run_scoped3A : memref<!tpu.dma_semaphore, #tpu.memory_space<semaphore_mem>>) src(%dma_wait3A_18 : memref<640xf32, #tpu.memory_space<hbm>>) dst(%dma_wait3A : memref<640xf32, #tpu.memory_space<vmem_shared>>)
      tpu.yield
    }) : () -> ()
    %barrier3A = arith.constant 0 : index
    tpu.barrier barrier_id(%barrier3A)
    %scan3A = arith.constant 0 : i32
    %scan3A_5 = arith.constant 20 : i32
    %scan3A_6 = arith.addi %scan3A, %scan3A_5 : i32
    %scan3A_7 = arith.constant 1 : i32
    scf.for %scan3A_17 = %scan3A to %scan3A_6 step %scan3A_7  : i32 {
      %mul3A_18 = arith.constant 4 : i32
      %mul3A_19 = arith.muli %scan3A_17, %mul3A_18 : i32
      %add3A_20 = arith.constant 0 : i32
      %add3A_21 = arith.addi %add3A_20, %mul3A_19 : i32
      %add3A_22 = arith.constant 0 : i32
      %add3A_23 = arith.addi %add3A_21, %add3A_22 : i32
      %dma_start3A = arith.constant 0 : i32
      %dma_start3A_24 = tpu.memref_slice %arg6[%add3A_23, %dma_start3A] : memref<80x128xi32, #tpu.memory_space<vmem>> -> memref<1x128xi32, #tpu.memory_space<vmem>>
      %dma_start3A_25 = tpu.memref_squeeze %dma_start3A_24 : memref<1x128xi32, #tpu.memory_space<vmem>> -> memref<128xi32, #tpu.memory_space<vmem>>
      %dma_start3A_26 = arith.constant 0 : i32
      %dma_start3A_27 = tpu.memref_slice %arg8[%dma_start3A_26] : memref<10240xf32, #tpu.memory_space<vmem_shared>> -> memref<10240xf32, #tpu.memory_space<vmem_shared>>
      tpu.enqueue_indirect_dma source(%arg7 : memref<128xf32, #tpu.memory_space<vmem>>) target(%dma_start3A_27 : memref<10240xf32, #tpu.memory_space<vmem_shared>>) offsets(%dma_start3A_25 : memref<128xi32, #tpu.memory_space<vmem>>) semaphore(%arg9 : memref<!tpu.dma_semaphore, #tpu.memory_space<semaphore_mem>>) {add = true}
      %add3A_28 = arith.constant 1 : i32
      %add3A_29 = arith.addi %add3A_21, %add3A_28 : i32
      %dma_start3A_30 = arith.constant 0 : i32
      %dma_start3A_31 = tpu.memref_slice %arg6[%add3A_29, %dma_start3A_30] : memref<80x128xi32, #tpu.memory_space<vmem>> -> memref<1x128xi32, #tpu.memory_space<vmem>>
      %dma_start3A_32 = tpu.memref_squeeze %dma_start3A_31 : memref<1x128xi32, #tpu.memory_space<vmem>> -> memref<128xi32, #tpu.memory_space<vmem>>
      %dma_start3A_33 = arith.constant 0 : i32
      %dma_start3A_34 = tpu.memref_slice %arg8[%dma_start3A_33] : memref<10240xf32, #tpu.memory_space<vmem_shared>> -> memref<10240xf32, #tpu.memory_space<vmem_shared>>
      tpu.enqueue_indirect_dma source(%arg7 : memref<128xf32, #tpu.memory_space<vmem>>) target(%dma_start3A_34 : memref<10240xf32, #tpu.memory_space<vmem_shared>>) offsets(%dma_start3A_32 : memref<128xi32, #tpu.memory_space<vmem>>) semaphore(%arg9 : memref<!tpu.dma_semaphore, #tpu.memory_space<semaphore_mem>>) {add = true}
      %add3A_35 = arith.constant 2 : i32
      %add3A_36 = arith.addi %add3A_21, %add3A_35 : i32
      %dma_start3A_37 = arith.constant 0 : i32
      %dma_start3A_38 = tpu.memref_slice %arg6[%add3A_36, %dma_start3A_37] : memref<80x128xi32, #tpu.memory_space<vmem>> -> memref<1x128xi32, #tpu.memory_space<vmem>>
      %dma_start3A_39 = tpu.memref_squeeze %dma_start3A_38 : memref<1x128xi32, #tpu.memory_space<vmem>> -> memref<128xi32, #tpu.memory_space<vmem>>
      %dma_start3A_40 = arith.constant 0 : i32
      %dma_start3A_41 = tpu.memref_slice %arg8[%dma_start3A_40] : memref<10240xf32, #tpu.memory_space<vmem_shared>> -> memref<10240xf32, #tpu.memory_space<vmem_shared>>
      tpu.enqueue_indirect_dma source(%arg7 : memref<128xf32, #tpu.memory_space<vmem>>) target(%dma_start3A_41 : memref<10240xf32, #tpu.memory_space<vmem_shared>>) offsets(%dma_start3A_39 : memref<128xi32, #tpu.memory_space<vmem>>) semaphore(%arg9 : memref<!tpu.dma_semaphore, #tpu.memory_space<semaphore_mem>>) {add = true}
      %add3A_42 = arith.constant 3 : i32
      %add3A_43 = arith.addi %add3A_21, %add3A_42 : i32
      %dma_start3A_44 = arith.constant 0 : i32
      %dma_start3A_45 = tpu.memref_slice %arg6[%add3A_43, %dma_start3A_44] : memref<80x128xi32, #tpu.memory_space<vmem>> -> memref<1x128xi32, #tpu.memory_space<vmem>>
      %dma_start3A_46 = tpu.memref_squeeze %dma_start3A_45 : memref<1x128xi32, #tpu.memory_space<vmem>> -> memref<128xi32, #tpu.memory_space<vmem>>
      %dma_start3A_47 = arith.constant 0 : i32
      %dma_start3A_48 = tpu.memref_slice %arg8[%dma_start3A_47] : memref<10240xf32, #tpu.memory_space<vmem_shared>> -> memref<10240xf32, #tpu.memory_space<vmem_shared>>
      tpu.enqueue_indirect_dma source(%arg7 : memref<128xf32, #tpu.memory_space<vmem>>) target(%dma_start3A_48 : memref<10240xf32, #tpu.memory_space<vmem_shared>>) offsets(%dma_start3A_46 : memref<128xi32, #tpu.memory_space<vmem>>) semaphore(%arg9 : memref<!tpu.dma_semaphore, #tpu.memory_space<semaphore_mem>>) {add = true}
      %dma_wait3A = arith.constant 0 : i32
      %dma_wait3A_49 = tpu.memref_slice %arg6[%add3A_21, %dma_wait3A] : memref<80x128xi32, #tpu.memory_space<vmem>> -> memref<1x128xi32, #tpu.memory_space<vmem>>
      %dma_wait3A_50 = tpu.memref_squeeze %dma_wait3A_49 : memref<1x128xi32, #tpu.memory_space<vmem>> -> memref<128xi32, #tpu.memory_space<vmem>>
      %dma_wait3A_51 = arith.constant 0 : i32
      %dma_wait3A_52 = tpu.memref_slice %arg8[%dma_wait3A_51] : memref<10240xf32, #tpu.memory_space<vmem_shared>> -> memref<10240xf32, #tpu.memory_space<vmem_shared>>
      tpu.wait_indirect_dma semaphore(%arg9 : memref<!tpu.dma_semaphore, #tpu.memory_space<semaphore_mem>>) src(%arg7 : memref<128xf32, #tpu.memory_space<vmem>>) dst(%dma_wait3A_52 : memref<10240xf32, #tpu.memory_space<vmem_shared>>)
      %dma_wait3A_53 = arith.constant 0 : i32
      %dma_wait3A_54 = tpu.memref_slice %arg6[%add3A_21, %dma_wait3A_53] : memref<80x128xi32, #tpu.memory_space<vmem>> -> memref<1x128xi32, #tpu.memory_space<vmem>>
      %dma_wait3A_55 = tpu.memref_squeeze %dma_wait3A_54 : memref<1x128xi32, #tpu.memory_space<vmem>> -> memref<128xi32, #tpu.memory_space<vmem>>
      %dma_wait3A_56 = arith.constant 0 : i32
      %dma_wait3A_57 = tpu.memref_slice %arg8[%dma_wait3A_56] : memref<10240xf32, #tpu.memory_space<vmem_shared>> -> memref<10240xf32, #tpu.memory_space<vmem_shared>>
      tpu.wait_indirect_dma semaphore(%arg9 : memref<!tpu.dma_semaphore, #tpu.memory_space<semaphore_mem>>) src(%arg7 : memref<128xf32, #tpu.memory_space<vmem>>) dst(%dma_wait3A_57 : memref<10240xf32, #tpu.memory_space<vmem_shared>>)
      %dma_wait3A_58 = arith.constant 0 : i32
      %dma_wait3A_59 = tpu.memref_slice %arg6[%add3A_21, %dma_wait3A_58] : memref<80x128xi32, #tpu.memory_space<vmem>> -> memref<1x128xi32, #tpu.memory_space<vmem>>
      %dma_wait3A_60 = tpu.memref_squeeze %dma_wait3A_59 : memref<1x128xi32, #tpu.memory_space<vmem>> -> memref<128xi32, #tpu.memory_space<vmem>>
      %dma_wait3A_61 = arith.constant 0 : i32
      %dma_wait3A_62 = tpu.memref_slice %arg8[%dma_wait3A_61] : memref<10240xf32, #tpu.memory_space<vmem_shared>> -> memref<10240xf32, #tpu.memory_space<vmem_shared>>
      tpu.wait_indirect_dma semaphore(%arg9 : memref<!tpu.dma_semaphore, #tpu.memory_space<semaphore_mem>>) src(%arg7 : memref<128xf32, #tpu.memory_space<vmem>>) dst(%dma_wait3A_62 : memref<10240xf32, #tpu.memory_space<vmem_shared>>)
      %dma_wait3A_63 = arith.constant 0 : i32
      %dma_wait3A_64 = tpu.memref_slice %arg6[%add3A_21, %dma_wait3A_63] : memref<80x128xi32, #tpu.memory_space<vmem>> -> memref<1x128xi32, #tpu.memory_space<vmem>>
      %dma_wait3A_65 = tpu.memref_squeeze %dma_wait3A_64 : memref<1x128xi32, #tpu.memory_space<vmem>> -> memref<128xi32, #tpu.memory_space<vmem>>
      %dma_wait3A_66 = arith.constant 0 : i32
      %dma_wait3A_67 = tpu.memref_slice %arg8[%dma_wait3A_66] : memref<10240xf32, #tpu.memory_space<vmem_shared>> -> memref<10240xf32, #tpu.memory_space<vmem_shared>>
      tpu.wait_indirect_dma semaphore(%arg9 : memref<!tpu.dma_semaphore, #tpu.memory_space<semaphore_mem>>) src(%arg7 : memref<128xf32, #tpu.memory_space<vmem>>) dst(%dma_wait3A_67 : memref<10240xf32, #tpu.memory_space<vmem_shared>>)
    }
    %scan3A_8 = arith.constant 20 : i32
    %barrier3A_9 = arith.constant 0 : index
    tpu.barrier barrier_id(%barrier3A_9)
    %mul3A_10 = arith.constant 640 : i32
    %mul3A_11 = arith.muli %arg1, %mul3A_10 : i32
    %mul3A_12 = arith.constant 10240 : i32
    %mul3A_13 = arith.muli %arg0, %mul3A_12 : i32
    %mul3A_14 = arith.constant 640 : i32
    %mul3A_15 = arith.muli %arg1, %mul3A_14 : i32
    %add3A_16 = arith.addi %mul3A_13, %mul3A_15 : i32
    "tpu.region"() ({
      %run_scoped3A = tpu.sem_alloc : memref<!tpu.dma_semaphore, #tpu.memory_space<semaphore_mem>>
      %dma_start3A = tpu.memref_slice %arg5[%add3A_16] : memref<20480xf32, #tpu.memory_space<hbm>> -> memref<640xf32, #tpu.memory_space<hbm>>
      %dma_start3A_17 = tpu.memref_slice %arg8[%mul3A_11] : memref<10240xf32, #tpu.memory_space<vmem_shared>> -> memref<640xf32, #tpu.memory_space<vmem_shared>>
      tpu.enqueue_dma source(%dma_start3A_17 : memref<640xf32, #tpu.memory_space<vmem_shared>>) target(%dma_start3A : memref<640xf32, #tpu.memory_space<hbm>>) target_semaphore(%run_scoped3A : memref<!tpu.dma_semaphore, #tpu.memory_space<semaphore_mem>>)
      %dma_wait3A = tpu.memref_slice %arg5[%add3A_16] : memref<20480xf32, #tpu.memory_space<hbm>> -> memref<640xf32, #tpu.memory_space<hbm>>
      %dma_wait3A_18 = tpu.memref_slice %arg8[%mul3A_11] : memref<10240xf32, #tpu.memory_space<vmem_shared>> -> memref<640xf32, #tpu.memory_space<vmem_shared>>
      tpu.wait_dma2 semaphore(%run_scoped3A : memref<!tpu.dma_semaphore, #tpu.memory_space<semaphore_mem>>) src(%dma_wait3A_18 : memref<640xf32, #tpu.memory_space<vmem_shared>>) dst(%dma_wait3A : memref<640xf32, #tpu.memory_space<hbm>>)
      tpu.yield
    }) : () -> ()
    return
  }
}

#map = affine_map<(d0, d1) -> (0, 0)>
#map1 = affine_map<(d0, d1) -> (0, 0, 0)>
module attributes {stable_mosaic.version = 14 : i64} {
  func.func @_sc_propagate(%arg0: i32, %arg1: i32, %arg2: memref<10240x32xf32, #tpu.memory_space<hbm>>, %arg3: memref<32x80x128xi32, #tpu.memory_space<hbm>>, %arg4: memref<32x80x128xi32, #tpu.memory_space<hbm>>, %arg5: memref<10240x32xf32, #tpu.memory_space<hbm>>, %arg6: memref<2x10240x32xf32, #tpu.memory_space<hbm>>, %arg7: memref<80x128xi32, #tpu.memory_space<vmem>>, %arg8: memref<80x128xi32, #tpu.memory_space<vmem>>, %arg9: memref<8x128x32xf32, #tpu.memory_space<vmem>>, %arg10: memref<10240x32xf32, #tpu.memory_space<vmem_shared>>, %arg11: memref<10240x32xf32, #tpu.memory_space<vmem_shared>>, %arg12: memref<!tpu.dma_semaphore, #tpu.memory_space<semaphore_mem>>, %arg13: memref<!tpu.dma_semaphore, #tpu.memory_space<semaphore_mem>>, %arg14: memref<!tpu.dma_semaphore, #tpu.memory_space<semaphore_mem>>, %arg15: memref<!tpu.dma_semaphore, #tpu.memory_space<semaphore_mem>>, %arg16: memref<!tpu.dma_semaphore, #tpu.memory_space<semaphore_mem>>, %arg17: memref<!tpu.dma_semaphore, #tpu.memory_space<semaphore_mem>>, %arg18: memref<!tpu.dma_semaphore, #tpu.memory_space<semaphore_mem>>, %arg19: memref<!tpu.dma_semaphore, #tpu.memory_space<semaphore_mem>>, %arg20: memref<!tpu.dma_semaphore, #tpu.memory_space<semaphore_mem>>, %arg21: memref<!tpu.dma_semaphore, #tpu.memory_space<semaphore_mem>>, %arg22: memref<!tpu.dma_semaphore, #tpu.memory_space<semaphore_mem>>, %arg23: memref<!tpu.dma_semaphore, #tpu.memory_space<semaphore_mem>>, %arg24: memref<!tpu.dma_semaphore, #tpu.memory_space<semaphore_mem>>, %arg25: memref<!tpu.dma_semaphore, #tpu.memory_space<semaphore_mem>>, %arg26: memref<!tpu.dma_semaphore, #tpu.memory_space<semaphore_mem>>, %arg27: memref<!tpu.dma_semaphore, #tpu.memory_space<semaphore_mem>>) attributes {dimension_semantics = [#tpu.dimension_semantics<core_parallel>, #tpu.dimension_semantics<subcore_parallel>], iteration_bounds = array<i64: 2, 16>, scalar_prefetch = 0 : i64, scratch_operands = 21 : i64, tpu.core_type = #tpu.core_type<sc_vector_subcore>, window_params = [{transform_indices = #map}, {transform_indices = #map1}, {transform_indices = #map1}, {transform_indices = #map}, {transform_indices = #map1}]} {
    %mul3A = arith.constant 2 : i32
    %mul3A_0 = arith.muli %arg1, %mul3A : i32
    %add3A = arith.addi %mul3A_0, %arg0 : i32
    "tpu.region"() ({
      %run_scoped3A = tpu.sem_alloc : memref<!tpu.dma_semaphore, #tpu.memory_space<semaphore_mem>>
      %dma_start3A_112 = arith.constant 0 : i32
      %dma_start3A_113 = arith.constant 0 : i32
      %dma_start3A_114 = tpu.memref_slice %arg3[%add3A, %dma_start3A_112, %dma_start3A_113] : memref<32x80x128xi32, #tpu.memory_space<hbm>> -> memref<1x80x128xi32, #tpu.memory_space<hbm>>
      %dma_start3A_115 = tpu.memref_squeeze %dma_start3A_114 : memref<1x80x128xi32, #tpu.memory_space<hbm>> -> memref<80x128xi32, #tpu.memory_space<hbm>>
      %dma_start3A_116 = arith.constant 0 : i32
      %dma_start3A_117 = arith.constant 0 : i32
      %dma_start3A_118 = tpu.memref_slice %arg3[%add3A, %dma_start3A_116, %dma_start3A_117] : memref<32x80x128xi32, #tpu.memory_space<hbm>> -> memref<1x80x128xi32, #tpu.memory_space<hbm>>
      %dma_start3A_119 = tpu.memref_squeeze %dma_start3A_118 : memref<1x80x128xi32, #tpu.memory_space<hbm>> -> memref<80x128xi32, #tpu.memory_space<hbm>>
      tpu.enqueue_dma source(%dma_start3A_119 : memref<80x128xi32, #tpu.memory_space<hbm>>) target(%arg7 : memref<80x128xi32, #tpu.memory_space<vmem>>) target_semaphore(%run_scoped3A : memref<!tpu.dma_semaphore, #tpu.memory_space<semaphore_mem>>)
      %dma_wait3A_120 = arith.constant 0 : i32
      %dma_wait3A_121 = arith.constant 0 : i32
      %dma_wait3A_122 = tpu.memref_slice %arg3[%add3A, %dma_wait3A_120, %dma_wait3A_121] : memref<32x80x128xi32, #tpu.memory_space<hbm>> -> memref<1x80x128xi32, #tpu.memory_space<hbm>>
      %dma_wait3A_123 = tpu.memref_squeeze %dma_wait3A_122 : memref<1x80x128xi32, #tpu.memory_space<hbm>> -> memref<80x128xi32, #tpu.memory_space<hbm>>
      %dma_wait3A_124 = arith.constant 0 : i32
      %dma_wait3A_125 = arith.constant 0 : i32
      %dma_wait3A_126 = tpu.memref_slice %arg3[%add3A, %dma_wait3A_124, %dma_wait3A_125] : memref<32x80x128xi32, #tpu.memory_space<hbm>> -> memref<1x80x128xi32, #tpu.memory_space<hbm>>
      %dma_wait3A_127 = tpu.memref_squeeze %dma_wait3A_126 : memref<1x80x128xi32, #tpu.memory_space<hbm>> -> memref<80x128xi32, #tpu.memory_space<hbm>>
      tpu.wait_dma2 semaphore(%run_scoped3A : memref<!tpu.dma_semaphore, #tpu.memory_space<semaphore_mem>>) src(%dma_wait3A_127 : memref<80x128xi32, #tpu.memory_space<hbm>>) dst(%arg7 : memref<80x128xi32, #tpu.memory_space<vmem>>)
      tpu.yield
    }) : () -> ()
    "tpu.region"() ({
      %run_scoped3A = tpu.sem_alloc : memref<!tpu.dma_semaphore, #tpu.memory_space<semaphore_mem>>
      %dma_start3A_112 = arith.constant 0 : i32
      %dma_start3A_113 = arith.constant 0 : i32
      %dma_start3A_114 = tpu.memref_slice %arg4[%add3A, %dma_start3A_112, %dma_start3A_113] : memref<32x80x128xi32, #tpu.memory_space<hbm>> -> memref<1x80x128xi32, #tpu.memory_space<hbm>>
      %dma_start3A_115 = tpu.memref_squeeze %dma_start3A_114 : memref<1x80x128xi32, #tpu.memory_space<hbm>> -> memref<80x128xi32, #tpu.memory_space<hbm>>
      %dma_start3A_116 = arith.constant 0 : i32
      %dma_start3A_117 = arith.constant 0 : i32
      %dma_start3A_118 = tpu.memref_slice %arg4[%add3A, %dma_start3A_116, %dma_start3A_117] : memref<32x80x128xi32, #tpu.memory_space<hbm>> -> memref<1x80x128xi32, #tpu.memory_space<hbm>>
      %dma_start3A_119 = tpu.memref_squeeze %dma_start3A_118 : memref<1x80x128xi32, #tpu.memory_space<hbm>> -> memref<80x128xi32, #tpu.memory_space<hbm>>
      tpu.enqueue_dma source(%dma_start3A_119 : memref<80x128xi32, #tpu.memory_space<hbm>>) target(%arg8 : memref<80x128xi32, #tpu.memory_space<vmem>>) target_semaphore(%run_scoped3A : memref<!tpu.dma_semaphore, #tpu.memory_space<semaphore_mem>>)
      %dma_wait3A_120 = arith.constant 0 : i32
      %dma_wait3A_121 = arith.constant 0 : i32
      %dma_wait3A_122 = tpu.memref_slice %arg4[%add3A, %dma_wait3A_120, %dma_wait3A_121] : memref<32x80x128xi32, #tpu.memory_space<hbm>> -> memref<1x80x128xi32, #tpu.memory_space<hbm>>
      %dma_wait3A_123 = tpu.memref_squeeze %dma_wait3A_122 : memref<1x80x128xi32, #tpu.memory_space<hbm>> -> memref<80x128xi32, #tpu.memory_space<hbm>>
      %dma_wait3A_124 = arith.constant 0 : i32
      %dma_wait3A_125 = arith.constant 0 : i32
      %dma_wait3A_126 = tpu.memref_slice %arg4[%add3A, %dma_wait3A_124, %dma_wait3A_125] : memref<32x80x128xi32, #tpu.memory_space<hbm>> -> memref<1x80x128xi32, #tpu.memory_space<hbm>>
      %dma_wait3A_127 = tpu.memref_squeeze %dma_wait3A_126 : memref<1x80x128xi32, #tpu.memory_space<hbm>> -> memref<80x128xi32, #tpu.memory_space<hbm>>
      tpu.wait_dma2 semaphore(%run_scoped3A : memref<!tpu.dma_semaphore, #tpu.memory_space<semaphore_mem>>) src(%dma_wait3A_127 : memref<80x128xi32, #tpu.memory_space<hbm>>) dst(%arg8 : memref<80x128xi32, #tpu.memory_space<vmem>>)
      tpu.yield
    }) : () -> ()
    %mul3A_1 = arith.constant 640 : i32
    %mul3A_2 = arith.muli %arg1, %mul3A_1 : i32
    %mul3A_3 = arith.constant 640 : i32
    %mul3A_4 = arith.muli %arg1, %mul3A_3 : i32
    "tpu.region"() ({
      %run_scoped3A = tpu.sem_alloc : memref<!tpu.dma_semaphore, #tpu.memory_space<semaphore_mem>>
      %dma_start3A_112 = arith.constant 0 : i32
      %dma_start3A_113 = tpu.memref_slice %arg10[%mul3A_4, %dma_start3A_112] : memref<10240x32xf32, #tpu.memory_space<vmem_shared>> -> memref<640x32xf32, #tpu.memory_space<vmem_shared>>
      %dma_start3A_114 = arith.constant 0 : i32
      %dma_start3A_115 = tpu.memref_slice %arg5[%mul3A_2, %dma_start3A_114] : memref<10240x32xf32, #tpu.memory_space<hbm>> -> memref<640x32xf32, #tpu.memory_space<hbm>>
      tpu.enqueue_dma source(%dma_start3A_115 : memref<640x32xf32, #tpu.memory_space<hbm>>) target(%dma_start3A_113 : memref<640x32xf32, #tpu.memory_space<vmem_shared>>) target_semaphore(%run_scoped3A : memref<!tpu.dma_semaphore, #tpu.memory_space<semaphore_mem>>)
      %dma_wait3A_116 = arith.constant 0 : i32
      %dma_wait3A_117 = tpu.memref_slice %arg10[%mul3A_4, %dma_wait3A_116] : memref<10240x32xf32, #tpu.memory_space<vmem_shared>> -> memref<640x32xf32, #tpu.memory_space<vmem_shared>>
      %dma_wait3A_118 = arith.constant 0 : i32
      %dma_wait3A_119 = tpu.memref_slice %arg5[%mul3A_2, %dma_wait3A_118] : memref<10240x32xf32, #tpu.memory_space<hbm>> -> memref<640x32xf32, #tpu.memory_space<hbm>>
      tpu.wait_dma2 semaphore(%run_scoped3A : memref<!tpu.dma_semaphore, #tpu.memory_space<semaphore_mem>>) src(%dma_wait3A_119 : memref<640x32xf32, #tpu.memory_space<hbm>>) dst(%dma_wait3A_117 : memref<640x32xf32, #tpu.memory_space<vmem_shared>>)
      tpu.yield
    }) : () -> ()
    %mul3A_5 = arith.constant 640 : i32
    %mul3A_6 = arith.muli %arg1, %mul3A_5 : i32
    %mul3A_7 = arith.constant 640 : i32
    %mul3A_8 = arith.muli %arg1, %mul3A_7 : i32
    "tpu.region"() ({
      %run_scoped3A = tpu.sem_alloc : memref<!tpu.dma_semaphore, #tpu.memory_space<semaphore_mem>>
      %dma_start3A_112 = arith.constant 0 : i32
      %dma_start3A_113 = tpu.memref_slice %arg11[%mul3A_8, %dma_start3A_112] : memref<10240x32xf32, #tpu.memory_space<vmem_shared>> -> memref<640x32xf32, #tpu.memory_space<vmem_shared>>
      %dma_start3A_114 = arith.constant 0 : i32
      %dma_start3A_115 = tpu.memref_slice %arg2[%mul3A_6, %dma_start3A_114] : memref<10240x32xf32, #tpu.memory_space<hbm>> -> memref<640x32xf32, #tpu.memory_space<hbm>>
      tpu.enqueue_dma source(%dma_start3A_115 : memref<640x32xf32, #tpu.memory_space<hbm>>) target(%dma_start3A_113 : memref<640x32xf32, #tpu.memory_space<vmem_shared>>) target_semaphore(%run_scoped3A : memref<!tpu.dma_semaphore, #tpu.memory_space<semaphore_mem>>)
      %dma_wait3A_116 = arith.constant 0 : i32
      %dma_wait3A_117 = tpu.memref_slice %arg11[%mul3A_8, %dma_wait3A_116] : memref<10240x32xf32, #tpu.memory_space<vmem_shared>> -> memref<640x32xf32, #tpu.memory_space<vmem_shared>>
      %dma_wait3A_118 = arith.constant 0 : i32
      %dma_wait3A_119 = tpu.memref_slice %arg2[%mul3A_6, %dma_wait3A_118] : memref<10240x32xf32, #tpu.memory_space<hbm>> -> memref<640x32xf32, #tpu.memory_space<hbm>>
      tpu.wait_dma2 semaphore(%run_scoped3A : memref<!tpu.dma_semaphore, #tpu.memory_space<semaphore_mem>>) src(%dma_wait3A_119 : memref<640x32xf32, #tpu.memory_space<hbm>>) dst(%dma_wait3A_117 : memref<640x32xf32, #tpu.memory_space<vmem_shared>>)
      tpu.yield
    }) : () -> ()
    %barrier3A = arith.constant 0 : index
    tpu.barrier barrier_id(%barrier3A)
    %dma_start3A = arith.constant 0 : i32
    %dma_start3A_9 = arith.constant 0 : i32
    %dma_start3A_10 = arith.constant 0 : i32
    %dma_start3A_11 = arith.constant 0 : i32
    %dma_start3A_12 = tpu.memref_slice %arg9[%dma_start3A_9, %dma_start3A_10, %dma_start3A_11] : memref<8x128x32xf32, #tpu.memory_space<vmem>> -> memref<1x128x32xf32, #tpu.memory_space<vmem>>
    %dma_start3A_13 = tpu.memref_squeeze %dma_start3A_12 : memref<1x128x32xf32, #tpu.memory_space<vmem>> -> memref<128x32xf32, #tpu.memory_space<vmem>>
    %dma_start3A_14 = arith.constant 0 : i32
    %dma_start3A_15 = tpu.memref_slice %arg7[%dma_start3A, %dma_start3A_14] : memref<80x128xi32, #tpu.memory_space<vmem>> -> memref<1x128xi32, #tpu.memory_space<vmem>>
    %dma_start3A_16 = tpu.memref_squeeze %dma_start3A_15 : memref<1x128xi32, #tpu.memory_space<vmem>> -> memref<128xi32, #tpu.memory_space<vmem>>
    %dma_start3A_17 = arith.constant 0 : i32
    %dma_start3A_18 = arith.constant 0 : i32
    %dma_start3A_19 = tpu.memref_slice %arg11[%dma_start3A_17, %dma_start3A_18] : memref<10240x32xf32, #tpu.memory_space<vmem_shared>> -> memref<10240x32xf32, #tpu.memory_space<vmem_shared>>
    tpu.enqueue_indirect_dma source(%dma_start3A_19 : memref<10240x32xf32, #tpu.memory_space<vmem_shared>>) target(%dma_start3A_13 : memref<128x32xf32, #tpu.memory_space<vmem>>) offsets(%dma_start3A_16 : memref<128xi32, #tpu.memory_space<vmem>>) semaphore(%arg12 : memref<!tpu.dma_semaphore, #tpu.memory_space<semaphore_mem>>)
    %dma_start3A_20 = arith.constant 1 : i32
    %dma_start3A_21 = arith.constant 1 : i32
    %dma_start3A_22 = arith.constant 0 : i32
    %dma_start3A_23 = arith.constant 0 : i32
    %dma_start3A_24 = tpu.memref_slice %arg9[%dma_start3A_21, %dma_start3A_22, %dma_start3A_23] : memref<8x128x32xf32, #tpu.memory_space<vmem>> -> memref<1x128x32xf32, #tpu.memory_space<vmem>>
    %dma_start3A_25 = tpu.memref_squeeze %dma_start3A_24 : memref<1x128x32xf32, #tpu.memory_space<vmem>> -> memref<128x32xf32, #tpu.memory_space<vmem>>
    %dma_start3A_26 = arith.constant 0 : i32
    %dma_start3A_27 = tpu.memref_slice %arg7[%dma_start3A_20, %dma_start3A_26] : memref<80x128xi32, #tpu.memory_space<vmem>> -> memref<1x128xi32, #tpu.memory_space<vmem>>
    %dma_start3A_28 = tpu.memref_squeeze %dma_start3A_27 : memref<1x128xi32, #tpu.memory_space<vmem>> -> memref<128xi32, #tpu.memory_space<vmem>>
    %dma_start3A_29 = arith.constant 0 : i32
    %dma_start3A_30 = arith.constant 0 : i32
    %dma_start3A_31 = tpu.memref_slice %arg11[%dma_start3A_29, %dma_start3A_30] : memref<10240x32xf32, #tpu.memory_space<vmem_shared>> -> memref<10240x32xf32, #tpu.memory_space<vmem_shared>>
    tpu.enqueue_indirect_dma source(%dma_start3A_31 : memref<10240x32xf32, #tpu.memory_space<vmem_shared>>) target(%dma_start3A_25 : memref<128x32xf32, #tpu.memory_space<vmem>>) offsets(%dma_start3A_28 : memref<128xi32, #tpu.memory_space<vmem>>) semaphore(%arg13 : memref<!tpu.dma_semaphore, #tpu.memory_space<semaphore_mem>>)
    %dma_start3A_32 = arith.constant 2 : i32
    %dma_start3A_33 = arith.constant 2 : i32
    %dma_start3A_34 = arith.constant 0 : i32
    %dma_start3A_35 = arith.constant 0 : i32
    %dma_start3A_36 = tpu.memref_slice %arg9[%dma_start3A_33, %dma_start3A_34, %dma_start3A_35] : memref<8x128x32xf32, #tpu.memory_space<vmem>> -> memref<1x128x32xf32, #tpu.memory_space<vmem>>
    %dma_start3A_37 = tpu.memref_squeeze %dma_start3A_36 : memref<1x128x32xf32, #tpu.memory_space<vmem>> -> memref<128x32xf32, #tpu.memory_space<vmem>>
    %dma_start3A_38 = arith.constant 0 : i32
    %dma_start3A_39 = tpu.memref_slice %arg7[%dma_start3A_32, %dma_start3A_38] : memref<80x128xi32, #tpu.memory_space<vmem>> -> memref<1x128xi32, #tpu.memory_space<vmem>>
    %dma_start3A_40 = tpu.memref_squeeze %dma_start3A_39 : memref<1x128xi32, #tpu.memory_space<vmem>> -> memref<128xi32, #tpu.memory_space<vmem>>
    %dma_start3A_41 = arith.constant 0 : i32
    %dma_start3A_42 = arith.constant 0 : i32
    %dma_start3A_43 = tpu.memref_slice %arg11[%dma_start3A_41, %dma_start3A_42] : memref<10240x32xf32, #tpu.memory_space<vmem_shared>> -> memref<10240x32xf32, #tpu.memory_space<vmem_shared>>
    tpu.enqueue_indirect_dma source(%dma_start3A_43 : memref<10240x32xf32, #tpu.memory_space<vmem_shared>>) target(%dma_start3A_37 : memref<128x32xf32, #tpu.memory_space<vmem>>) offsets(%dma_start3A_40 : memref<128xi32, #tpu.memory_space<vmem>>) semaphore(%arg14 : memref<!tpu.dma_semaphore, #tpu.memory_space<semaphore_mem>>)
    %dma_start3A_44 = arith.constant 3 : i32
    %dma_start3A_45 = arith.constant 3 : i32
    %dma_start3A_46 = arith.constant 0 : i32
    %dma_start3A_47 = arith.constant 0 : i32
    %dma_start3A_48 = tpu.memref_slice %arg9[%dma_start3A_45, %dma_start3A_46, %dma_start3A_47] : memref<8x128x32xf32, #tpu.memory_space<vmem>> -> memref<1x128x32xf32, #tpu.memory_space<vmem>>
    %dma_start3A_49 = tpu.memref_squeeze %dma_start3A_48 : memref<1x128x32xf32, #tpu.memory_space<vmem>> -> memref<128x32xf32, #tpu.memory_space<vmem>>
    %dma_start3A_50 = arith.constant 0 : i32
    %dma_start3A_51 = tpu.memref_slice %arg7[%dma_start3A_44, %dma_start3A_50] : memref<80x128xi32, #tpu.memory_space<vmem>> -> memref<1x128xi32, #tpu.memory_space<vmem>>
    %dma_start3A_52 = tpu.memref_squeeze %dma_start3A_51 : memref<1x128xi32, #tpu.memory_space<vmem>> -> memref<128xi32, #tpu.memory_space<vmem>>
    %dma_start3A_53 = arith.constant 0 : i32
    %dma_start3A_54 = arith.constant 0 : i32
    %dma_start3A_55 = tpu.memref_slice %arg11[%dma_start3A_53, %dma_start3A_54] : memref<10240x32xf32, #tpu.memory_space<vmem_shared>> -> memref<10240x32xf32, #tpu.memory_space<vmem_shared>>
    tpu.enqueue_indirect_dma source(%dma_start3A_55 : memref<10240x32xf32, #tpu.memory_space<vmem_shared>>) target(%dma_start3A_49 : memref<128x32xf32, #tpu.memory_space<vmem>>) offsets(%dma_start3A_52 : memref<128xi32, #tpu.memory_space<vmem>>) semaphore(%arg15 : memref<!tpu.dma_semaphore, #tpu.memory_space<semaphore_mem>>)
    %scan3A = arith.constant 0 : i32
    %scan3A_56 = arith.constant 10 : i32
    %scan3A_57 = arith.addi %scan3A, %scan3A_56 : i32
    %scan3A_58 = arith.constant 1 : i32
    scf.for %scan3A_112 = %scan3A to %scan3A_57 step %scan3A_58  : i32 {
      %mul3A_113 = arith.constant 8 : i32
      %mul3A_114 = arith.muli %scan3A_112, %mul3A_113 : i32
      %add3A_115 = arith.constant 0 : i32
      %add3A_116 = arith.addi %add3A_115, %mul3A_114 : i32
      %add3A_117 = arith.constant 0 : i32
      %add3A_118 = arith.addi %add3A_116, %add3A_117 : i32
      %dma_wait3A_119 = arith.constant 0 : i32
      %dma_wait3A_120 = arith.constant 0 : i32
      %dma_wait3A_121 = arith.constant 0 : i32
      %dma_wait3A_122 = tpu.memref_slice %arg9[%dma_wait3A_119, %dma_wait3A_120, %dma_wait3A_121] : memref<8x128x32xf32, #tpu.memory_space<vmem>> -> memref<1x128x32xf32, #tpu.memory_space<vmem>>
      %dma_wait3A_123 = tpu.memref_squeeze %dma_wait3A_122 : memref<1x128x32xf32, #tpu.memory_space<vmem>> -> memref<128x32xf32, #tpu.memory_space<vmem>>
      %dma_wait3A_124 = arith.constant 0 : i32
      %dma_wait3A_125 = tpu.memref_slice %arg7[%add3A_118, %dma_wait3A_124] : memref<80x128xi32, #tpu.memory_space<vmem>> -> memref<1x128xi32, #tpu.memory_space<vmem>>
      %dma_wait3A_126 = tpu.memref_squeeze %dma_wait3A_125 : memref<1x128xi32, #tpu.memory_space<vmem>> -> memref<128xi32, #tpu.memory_space<vmem>>
      %dma_wait3A_127 = arith.constant 0 : i32
      %dma_wait3A_128 = arith.constant 0 : i32
      %dma_wait3A_129 = tpu.memref_slice %arg11[%dma_wait3A_127, %dma_wait3A_128] : memref<10240x32xf32, #tpu.memory_space<vmem_shared>> -> memref<10240x32xf32, #tpu.memory_space<vmem_shared>>
      tpu.wait_indirect_dma semaphore(%arg12 : memref<!tpu.dma_semaphore, #tpu.memory_space<semaphore_mem>>) src(%dma_wait3A_129 : memref<10240x32xf32, #tpu.memory_space<vmem_shared>>) dst(%dma_wait3A_123 : memref<128x32xf32, #tpu.memory_space<vmem>>)
      %dma_start3A_130 = arith.constant 0 : i32
      %dma_start3A_131 = arith.constant 0 : i32
      %dma_start3A_132 = arith.constant 0 : i32
      %dma_start3A_133 = tpu.memref_slice %arg9[%dma_start3A_130, %dma_start3A_131, %dma_start3A_132] : memref<8x128x32xf32, #tpu.memory_space<vmem>> -> memref<1x128x32xf32, #tpu.memory_space<vmem>>
      %dma_start3A_134 = tpu.memref_squeeze %dma_start3A_133 : memref<1x128x32xf32, #tpu.memory_space<vmem>> -> memref<128x32xf32, #tpu.memory_space<vmem>>
      %dma_start3A_135 = arith.constant 0 : i32
      %dma_start3A_136 = tpu.memref_slice %arg8[%add3A_118, %dma_start3A_135] : memref<80x128xi32, #tpu.memory_space<vmem>> -> memref<1x128xi32, #tpu.memory_space<vmem>>
      %dma_start3A_137 = tpu.memref_squeeze %dma_start3A_136 : memref<1x128xi32, #tpu.memory_space<vmem>> -> memref<128xi32, #tpu.memory_space<vmem>>
      %dma_start3A_138 = arith.constant 0 : i32
      %dma_start3A_139 = arith.constant 0 : i32
      %dma_start3A_140 = tpu.memref_slice %arg10[%dma_start3A_138, %dma_start3A_139] : memref<10240x32xf32, #tpu.memory_space<vmem_shared>> -> memref<10240x32xf32, #tpu.memory_space<vmem_shared>>
      tpu.enqueue_indirect_dma source(%dma_start3A_134 : memref<128x32xf32, #tpu.memory_space<vmem>>) target(%dma_start3A_140 : memref<10240x32xf32, #tpu.memory_space<vmem_shared>>) offsets(%dma_start3A_137 : memref<128xi32, #tpu.memory_space<vmem>>) semaphore(%arg20 : memref<!tpu.dma_semaphore, #tpu.memory_space<semaphore_mem>>) {add = true}
      %ge3A = arith.constant 4 : i32
      %ge3A_141 = arith.cmpi sge, %add3A_118, %ge3A : i32
      %convert_element_type3A = arith.extui %ge3A_141 : i1 to i32
      %cond3A = arith.constant 0 : i32
      %cond3A_142 = arith.cmpi ne, %convert_element_type3A, %cond3A : i32
      scf.if %cond3A_142 {
        %sub3A = arith.constant 4 : i32
        %sub3A_401 = arith.subi %add3A_118, %sub3A : i32
        %dma_wait3A_402 = arith.constant 4 : i32
        %dma_wait3A_403 = arith.constant 0 : i32
        %dma_wait3A_404 = arith.constant 0 : i32
        %dma_wait3A_405 = tpu.memref_slice %arg9[%dma_wait3A_402, %dma_wait3A_403, %dma_wait3A_404] : memref<8x128x32xf32, #tpu.memory_space<vmem>> -> memref<1x128x32xf32, #tpu.memory_space<vmem>>
        %dma_wait3A_406 = tpu.memref_squeeze %dma_wait3A_405 : memref<1x128x32xf32, #tpu.memory_space<vmem>> -> memref<128x32xf32, #tpu.memory_space<vmem>>
        %dma_wait3A_407 = arith.constant 0 : i32
        %dma_wait3A_408 = tpu.memref_slice %arg8[%sub3A_401, %dma_wait3A_407] : memref<80x128xi32, #tpu.memory_space<vmem>> -> memref<1x128xi32, #tpu.memory_space<vmem>>
        %dma_wait3A_409 = tpu.memref_squeeze %dma_wait3A_408 : memref<1x128xi32, #tpu.memory_space<vmem>> -> memref<128xi32, #tpu.memory_space<vmem>>
        %dma_wait3A_410 = arith.constant 0 : i32
        %dma_wait3A_411 = arith.constant 0 : i32
        %dma_wait3A_412 = tpu.memref_slice %arg10[%dma_wait3A_410, %dma_wait3A_411] : memref<10240x32xf32, #tpu.memory_space<vmem_shared>> -> memref<10240x32xf32, #tpu.memory_space<vmem_shared>>
        tpu.wait_indirect_dma semaphore(%arg24 : memref<!tpu.dma_semaphore, #tpu.memory_space<semaphore_mem>>) src(%dma_wait3A_406 : memref<128x32xf32, #tpu.memory_space<vmem>>) dst(%dma_wait3A_412 : memref<10240x32xf32, #tpu.memory_space<vmem_shared>>)
      } else {
      }
      %add3A_143 = arith.constant 4 : i32
      %add3A_144 = arith.addi %add3A_118, %add3A_143 : i32
      %lt3A = arith.constant 80 : i32
      %lt3A_145 = arith.cmpi slt, %add3A_144, %lt3A : i32
      %convert_element_type3A_146 = arith.extui %lt3A_145 : i1 to i32
      %cond3A_147 = arith.constant 0 : i32
      %cond3A_148 = arith.cmpi ne, %convert_element_type3A_146, %cond3A_147 : i32
      scf.if %cond3A_148 {
        %add3A_401 = arith.constant 4 : i32
        %add3A_402 = arith.addi %add3A_118, %add3A_401 : i32
        %dma_start3A_403 = arith.constant 4 : i32
        %dma_start3A_404 = arith.constant 0 : i32
        %dma_start3A_405 = arith.constant 0 : i32
        %dma_start3A_406 = tpu.memref_slice %arg9[%dma_start3A_403, %dma_start3A_404, %dma_start3A_405] : memref<8x128x32xf32, #tpu.memory_space<vmem>> -> memref<1x128x32xf32, #tpu.memory_space<vmem>>
        %dma_start3A_407 = tpu.memref_squeeze %dma_start3A_406 : memref<1x128x32xf32, #tpu.memory_space<vmem>> -> memref<128x32xf32, #tpu.memory_space<vmem>>
        %dma_start3A_408 = arith.constant 0 : i32
        %dma_start3A_409 = tpu.memref_slice %arg7[%add3A_402, %dma_start3A_408] : memref<80x128xi32, #tpu.memory_space<vmem>> -> memref<1x128xi32, #tpu.memory_space<vmem>>
        %dma_start3A_410 = tpu.memref_squeeze %dma_start3A_409 : memref<1x128xi32, #tpu.memory_space<vmem>> -> memref<128xi32, #tpu.memory_space<vmem>>
        %dma_start3A_411 = arith.constant 0 : i32
        %dma_start3A_412 = arith.constant 0 : i32
        %dma_start3A_413 = tpu.memref_slice %arg11[%dma_start3A_411, %dma_start3A_412] : memref<10240x32xf32, #tpu.memory_space<vmem_shared>> -> memref<10240x32xf32, #tpu.memory_space<vmem_shared>>
        tpu.enqueue_indirect_dma source(%dma_start3A_413 : memref<10240x32xf32, #tpu.memory_space<vmem_shared>>) target(%dma_start3A_407 : memref<128x32xf32, #tpu.memory_space<vmem>>) offsets(%dma_start3A_410 : memref<128xi32, #tpu.memory_space<vmem>>) semaphore(%arg16 : memref<!tpu.dma_semaphore, #tpu.memory_space<semaphore_mem>>)
      } else {
      }
      %add3A_149 = arith.constant 1 : i32
      %add3A_150 = arith.addi %add3A_116, %add3A_149 : i32
      %dma_wait3A_151 = arith.constant 1 : i32
      %dma_wait3A_152 = arith.constant 0 : i32
      %dma_wait3A_153 = arith.constant 0 : i32
      %dma_wait3A_154 = tpu.memref_slice %arg9[%dma_wait3A_151, %dma_wait3A_152, %dma_wait3A_153] : memref<8x128x32xf32, #tpu.memory_space<vmem>> -> memref<1x128x32xf32, #tpu.memory_space<vmem>>
      %dma_wait3A_155 = tpu.memref_squeeze %dma_wait3A_154 : memref<1x128x32xf32, #tpu.memory_space<vmem>> -> memref<128x32xf32, #tpu.memory_space<vmem>>
      %dma_wait3A_156 = arith.constant 0 : i32
      %dma_wait3A_157 = tpu.memref_slice %arg7[%add3A_150, %dma_wait3A_156] : memref<80x128xi32, #tpu.memory_space<vmem>> -> memref<1x128xi32, #tpu.memory_space<vmem>>
      %dma_wait3A_158 = tpu.memref_squeeze %dma_wait3A_157 : memref<1x128xi32, #tpu.memory_space<vmem>> -> memref<128xi32, #tpu.memory_space<vmem>>
      %dma_wait3A_159 = arith.constant 0 : i32
      %dma_wait3A_160 = arith.constant 0 : i32
      %dma_wait3A_161 = tpu.memref_slice %arg11[%dma_wait3A_159, %dma_wait3A_160] : memref<10240x32xf32, #tpu.memory_space<vmem_shared>> -> memref<10240x32xf32, #tpu.memory_space<vmem_shared>>
      tpu.wait_indirect_dma semaphore(%arg13 : memref<!tpu.dma_semaphore, #tpu.memory_space<semaphore_mem>>) src(%dma_wait3A_161 : memref<10240x32xf32, #tpu.memory_space<vmem_shared>>) dst(%dma_wait3A_155 : memref<128x32xf32, #tpu.memory_space<vmem>>)
      %dma_start3A_162 = arith.constant 1 : i32
      %dma_start3A_163 = arith.constant 0 : i32
      %dma_start3A_164 = arith.constant 0 : i32
      %dma_start3A_165 = tpu.memref_slice %arg9[%dma_start3A_162, %dma_start3A_163, %dma_start3A_164] : memref<8x128x32xf32, #tpu.memory_space<vmem>> -> memref<1x128x32xf32, #tpu.memory_space<vmem>>
      %dma_start3A_166 = tpu.memref_squeeze %dma_start3A_165 : memref<1x128x32xf32, #tpu.memory_space<vmem>> -> memref<128x32xf32, #tpu.memory_space<vmem>>
      %dma_start3A_167 = arith.constant 0 : i32
      %dma_start3A_168 = tpu.memref_slice %arg8[%add3A_150, %dma_start3A_167] : memref<80x128xi32, #tpu.memory_space<vmem>> -> memref<1x128xi32, #tpu.memory_space<vmem>>
      %dma_start3A_169 = tpu.memref_squeeze %dma_start3A_168 : memref<1x128xi32, #tpu.memory_space<vmem>> -> memref<128xi32, #tpu.memory_space<vmem>>
      %dma_start3A_170 = arith.constant 0 : i32
      %dma_start3A_171 = arith.constant 0 : i32
      %dma_start3A_172 = tpu.memref_slice %arg10[%dma_start3A_170, %dma_start3A_171] : memref<10240x32xf32, #tpu.memory_space<vmem_shared>> -> memref<10240x32xf32, #tpu.memory_space<vmem_shared>>
      tpu.enqueue_indirect_dma source(%dma_start3A_166 : memref<128x32xf32, #tpu.memory_space<vmem>>) target(%dma_start3A_172 : memref<10240x32xf32, #tpu.memory_space<vmem_shared>>) offsets(%dma_start3A_169 : memref<128xi32, #tpu.memory_space<vmem>>) semaphore(%arg21 : memref<!tpu.dma_semaphore, #tpu.memory_space<semaphore_mem>>) {add = true}
      %ge3A_173 = arith.constant 4 : i32
      %ge3A_174 = arith.cmpi sge, %add3A_150, %ge3A_173 : i32
      %convert_element_type3A_175 = arith.extui %ge3A_174 : i1 to i32
      %cond3A_176 = arith.constant 0 : i32
      %cond3A_177 = arith.cmpi ne, %convert_element_type3A_175, %cond3A_176 : i32
      scf.if %cond3A_177 {
        %sub3A = arith.constant 4 : i32
        %sub3A_401 = arith.subi %add3A_150, %sub3A : i32
        %dma_wait3A_402 = arith.constant 5 : i32
        %dma_wait3A_403 = arith.constant 0 : i32
        %dma_wait3A_404 = arith.constant 0 : i32
        %dma_wait3A_405 = tpu.memref_slice %arg9[%dma_wait3A_402, %dma_wait3A_403, %dma_wait3A_404] : memref<8x128x32xf32, #tpu.memory_space<vmem>> -> memref<1x128x32xf32, #tpu.memory_space<vmem>>
        %dma_wait3A_406 = tpu.memref_squeeze %dma_wait3A_405 : memref<1x128x32xf32, #tpu.memory_space<vmem>> -> memref<128x32xf32, #tpu.memory_space<vmem>>
        %dma_wait3A_407 = arith.constant 0 : i32
        %dma_wait3A_408 = tpu.memref_slice %arg8[%sub3A_401, %dma_wait3A_407] : memref<80x128xi32, #tpu.memory_space<vmem>> -> memref<1x128xi32, #tpu.memory_space<vmem>>
        %dma_wait3A_409 = tpu.memref_squeeze %dma_wait3A_408 : memref<1x128xi32, #tpu.memory_space<vmem>> -> memref<128xi32, #tpu.memory_space<vmem>>
        %dma_wait3A_410 = arith.constant 0 : i32
        %dma_wait3A_411 = arith.constant 0 : i32
        %dma_wait3A_412 = tpu.memref_slice %arg10[%dma_wait3A_410, %dma_wait3A_411] : memref<10240x32xf32, #tpu.memory_space<vmem_shared>> -> memref<10240x32xf32, #tpu.memory_space<vmem_shared>>
        tpu.wait_indirect_dma semaphore(%arg25 : memref<!tpu.dma_semaphore, #tpu.memory_space<semaphore_mem>>) src(%dma_wait3A_406 : memref<128x32xf32, #tpu.memory_space<vmem>>) dst(%dma_wait3A_412 : memref<10240x32xf32, #tpu.memory_space<vmem_shared>>)
      } else {
      }
      %add3A_178 = arith.constant 4 : i32
      %add3A_179 = arith.addi %add3A_150, %add3A_178 : i32
      %lt3A_180 = arith.constant 80 : i32
      %lt3A_181 = arith.cmpi slt, %add3A_179, %lt3A_180 : i32
      %convert_element_type3A_182 = arith.extui %lt3A_181 : i1 to i32
      %cond3A_183 = arith.constant 0 : i32
      %cond3A_184 = arith.cmpi ne, %convert_element_type3A_182, %cond3A_183 : i32
      scf.if %cond3A_184 {
        %add3A_401 = arith.constant 4 : i32
        %add3A_402 = arith.addi %add3A_150, %add3A_401 : i32
        %dma_start3A_403 = arith.constant 5 : i32
        %dma_start3A_404 = arith.constant 0 : i32
        %dma_start3A_405 = arith.constant 0 : i32
        %dma_start3A_406 = tpu.memref_slice %arg9[%dma_start3A_403, %dma_start3A_404, %dma_start3A_405] : memref<8x128x32xf32, #tpu.memory_space<vmem>> -> memref<1x128x32xf32, #tpu.memory_space<vmem>>
        %dma_start3A_407 = tpu.memref_squeeze %dma_start3A_406 : memref<1x128x32xf32, #tpu.memory_space<vmem>> -> memref<128x32xf32, #tpu.memory_space<vmem>>
        %dma_start3A_408 = arith.constant 0 : i32
        %dma_start3A_409 = tpu.memref_slice %arg7[%add3A_402, %dma_start3A_408] : memref<80x128xi32, #tpu.memory_space<vmem>> -> memref<1x128xi32, #tpu.memory_space<vmem>>
        %dma_start3A_410 = tpu.memref_squeeze %dma_start3A_409 : memref<1x128xi32, #tpu.memory_space<vmem>> -> memref<128xi32, #tpu.memory_space<vmem>>
        %dma_start3A_411 = arith.constant 0 : i32
        %dma_start3A_412 = arith.constant 0 : i32
        %dma_start3A_413 = tpu.memref_slice %arg11[%dma_start3A_411, %dma_start3A_412] : memref<10240x32xf32, #tpu.memory_space<vmem_shared>> -> memref<10240x32xf32, #tpu.memory_space<vmem_shared>>
        tpu.enqueue_indirect_dma source(%dma_start3A_413 : memref<10240x32xf32, #tpu.memory_space<vmem_shared>>) target(%dma_start3A_407 : memref<128x32xf32, #tpu.memory_space<vmem>>) offsets(%dma_start3A_410 : memref<128xi32, #tpu.memory_space<vmem>>) semaphore(%arg17 : memref<!tpu.dma_semaphore, #tpu.memory_space<semaphore_mem>>)
      } else {
      }
      %add3A_185 = arith.constant 2 : i32
      %add3A_186 = arith.addi %add3A_116, %add3A_185 : i32
      %dma_wait3A_187 = arith.constant 2 : i32
      %dma_wait3A_188 = arith.constant 0 : i32
      %dma_wait3A_189 = arith.constant 0 : i32
      %dma_wait3A_190 = tpu.memref_slice %arg9[%dma_wait3A_187, %dma_wait3A_188, %dma_wait3A_189] : memref<8x128x32xf32, #tpu.memory_space<vmem>> -> memref<1x128x32xf32, #tpu.memory_space<vmem>>
      %dma_wait3A_191 = tpu.memref_squeeze %dma_wait3A_190 : memref<1x128x32xf32, #tpu.memory_space<vmem>> -> memref<128x32xf32, #tpu.memory_space<vmem>>
      %dma_wait3A_192 = arith.constant 0 : i32
      %dma_wait3A_193 = tpu.memref_slice %arg7[%add3A_186, %dma_wait3A_192] : memref<80x128xi32, #tpu.memory_space<vmem>> -> memref<1x128xi32, #tpu.memory_space<vmem>>
      %dma_wait3A_194 = tpu.memref_squeeze %dma_wait3A_193 : memref<1x128xi32, #tpu.memory_space<vmem>> -> memref<128xi32, #tpu.memory_space<vmem>>
      %dma_wait3A_195 = arith.constant 0 : i32
      %dma_wait3A_196 = arith.constant 0 : i32
      %dma_wait3A_197 = tpu.memref_slice %arg11[%dma_wait3A_195, %dma_wait3A_196] : memref<10240x32xf32, #tpu.memory_space<vmem_shared>> -> memref<10240x32xf32, #tpu.memory_space<vmem_shared>>
      tpu.wait_indirect_dma semaphore(%arg14 : memref<!tpu.dma_semaphore, #tpu.memory_space<semaphore_mem>>) src(%dma_wait3A_197 : memref<10240x32xf32, #tpu.memory_space<vmem_shared>>) dst(%dma_wait3A_191 : memref<128x32xf32, #tpu.memory_space<vmem>>)
      %dma_start3A_198 = arith.constant 2 : i32
      %dma_start3A_199 = arith.constant 0 : i32
      %dma_start3A_200 = arith.constant 0 : i32
      %dma_start3A_201 = tpu.memref_slice %arg9[%dma_start3A_198, %dma_start3A_199, %dma_start3A_200] : memref<8x128x32xf32, #tpu.memory_space<vmem>> -> memref<1x128x32xf32, #tpu.memory_space<vmem>>
      %dma_start3A_202 = tpu.memref_squeeze %dma_start3A_201 : memref<1x128x32xf32, #tpu.memory_space<vmem>> -> memref<128x32xf32, #tpu.memory_space<vmem>>
      %dma_start3A_203 = arith.constant 0 : i32
      %dma_start3A_204 = tpu.memref_slice %arg8[%add3A_186, %dma_start3A_203] : memref<80x128xi32, #tpu.memory_space<vmem>> -> memref<1x128xi32, #tpu.memory_space<vmem>>
      %dma_start3A_205 = tpu.memref_squeeze %dma_start3A_204 : memref<1x128xi32, #tpu.memory_space<vmem>> -> memref<128xi32, #tpu.memory_space<vmem>>
      %dma_start3A_206 = arith.constant 0 : i32
      %dma_start3A_207 = arith.constant 0 : i32
      %dma_start3A_208 = tpu.memref_slice %arg10[%dma_start3A_206, %dma_start3A_207] : memref<10240x32xf32, #tpu.memory_space<vmem_shared>> -> memref<10240x32xf32, #tpu.memory_space<vmem_shared>>
      tpu.enqueue_indirect_dma source(%dma_start3A_202 : memref<128x32xf32, #tpu.memory_space<vmem>>) target(%dma_start3A_208 : memref<10240x32xf32, #tpu.memory_space<vmem_shared>>) offsets(%dma_start3A_205 : memref<128xi32, #tpu.memory_space<vmem>>) semaphore(%arg22 : memref<!tpu.dma_semaphore, #tpu.memory_space<semaphore_mem>>) {add = true}
      %ge3A_209 = arith.constant 4 : i32
      %ge3A_210 = arith.cmpi sge, %add3A_186, %ge3A_209 : i32
      %convert_element_type3A_211 = arith.extui %ge3A_210 : i1 to i32
      %cond3A_212 = arith.constant 0 : i32
      %cond3A_213 = arith.cmpi ne, %convert_element_type3A_211, %cond3A_212 : i32
      scf.if %cond3A_213 {
        %sub3A = arith.constant 4 : i32
        %sub3A_401 = arith.subi %add3A_186, %sub3A : i32
        %dma_wait3A_402 = arith.constant 6 : i32
        %dma_wait3A_403 = arith.constant 0 : i32
        %dma_wait3A_404 = arith.constant 0 : i32
        %dma_wait3A_405 = tpu.memref_slice %arg9[%dma_wait3A_402, %dma_wait3A_403, %dma_wait3A_404] : memref<8x128x32xf32, #tpu.memory_space<vmem>> -> memref<1x128x32xf32, #tpu.memory_space<vmem>>
        %dma_wait3A_406 = tpu.memref_squeeze %dma_wait3A_405 : memref<1x128x32xf32, #tpu.memory_space<vmem>> -> memref<128x32xf32, #tpu.memory_space<vmem>>
        %dma_wait3A_407 = arith.constant 0 : i32
        %dma_wait3A_408 = tpu.memref_slice %arg8[%sub3A_401, %dma_wait3A_407] : memref<80x128xi32, #tpu.memory_space<vmem>> -> memref<1x128xi32, #tpu.memory_space<vmem>>
        %dma_wait3A_409 = tpu.memref_squeeze %dma_wait3A_408 : memref<1x128xi32, #tpu.memory_space<vmem>> -> memref<128xi32, #tpu.memory_space<vmem>>
        %dma_wait3A_410 = arith.constant 0 : i32
        %dma_wait3A_411 = arith.constant 0 : i32
        %dma_wait3A_412 = tpu.memref_slice %arg10[%dma_wait3A_410, %dma_wait3A_411] : memref<10240x32xf32, #tpu.memory_space<vmem_shared>> -> memref<10240x32xf32, #tpu.memory_space<vmem_shared>>
        tpu.wait_indirect_dma semaphore(%arg26 : memref<!tpu.dma_semaphore, #tpu.memory_space<semaphore_mem>>) src(%dma_wait3A_406 : memref<128x32xf32, #tpu.memory_space<vmem>>) dst(%dma_wait3A_412 : memref<10240x32xf32, #tpu.memory_space<vmem_shared>>)
      } else {
      }
      %add3A_214 = arith.constant 4 : i32
      %add3A_215 = arith.addi %add3A_186, %add3A_214 : i32
      %lt3A_216 = arith.constant 80 : i32
      %lt3A_217 = arith.cmpi slt, %add3A_215, %lt3A_216 : i32
      %convert_element_type3A_218 = arith.extui %lt3A_217 : i1 to i32
      %cond3A_219 = arith.constant 0 : i32
      %cond3A_220 = arith.cmpi ne, %convert_element_type3A_218, %cond3A_219 : i32
      scf.if %cond3A_220 {
        %add3A_401 = arith.constant 4 : i32
        %add3A_402 = arith.addi %add3A_186, %add3A_401 : i32
        %dma_start3A_403 = arith.constant 6 : i32
        %dma_start3A_404 = arith.constant 0 : i32
        %dma_start3A_405 = arith.constant 0 : i32
        %dma_start3A_406 = tpu.memref_slice %arg9[%dma_start3A_403, %dma_start3A_404, %dma_start3A_405] : memref<8x128x32xf32, #tpu.memory_space<vmem>> -> memref<1x128x32xf32, #tpu.memory_space<vmem>>
        %dma_start3A_407 = tpu.memref_squeeze %dma_start3A_406 : memref<1x128x32xf32, #tpu.memory_space<vmem>> -> memref<128x32xf32, #tpu.memory_space<vmem>>
        %dma_start3A_408 = arith.constant 0 : i32
        %dma_start3A_409 = tpu.memref_slice %arg7[%add3A_402, %dma_start3A_408] : memref<80x128xi32, #tpu.memory_space<vmem>> -> memref<1x128xi32, #tpu.memory_space<vmem>>
        %dma_start3A_410 = tpu.memref_squeeze %dma_start3A_409 : memref<1x128xi32, #tpu.memory_space<vmem>> -> memref<128xi32, #tpu.memory_space<vmem>>
        %dma_start3A_411 = arith.constant 0 : i32
        %dma_start3A_412 = arith.constant 0 : i32
        %dma_start3A_413 = tpu.memref_slice %arg11[%dma_start3A_411, %dma_start3A_412] : memref<10240x32xf32, #tpu.memory_space<vmem_shared>> -> memref<10240x32xf32, #tpu.memory_space<vmem_shared>>
        tpu.enqueue_indirect_dma source(%dma_start3A_413 : memref<10240x32xf32, #tpu.memory_space<vmem_shared>>) target(%dma_start3A_407 : memref<128x32xf32, #tpu.memory_space<vmem>>) offsets(%dma_start3A_410 : memref<128xi32, #tpu.memory_space<vmem>>) semaphore(%arg18 : memref<!tpu.dma_semaphore, #tpu.memory_space<semaphore_mem>>)
      } else {
      }
      %add3A_221 = arith.constant 3 : i32
      %add3A_222 = arith.addi %add3A_116, %add3A_221 : i32
      %dma_wait3A_223 = arith.constant 3 : i32
      %dma_wait3A_224 = arith.constant 0 : i32
      %dma_wait3A_225 = arith.constant 0 : i32
      %dma_wait3A_226 = tpu.memref_slice %arg9[%dma_wait3A_223, %dma_wait3A_224, %dma_wait3A_225] : memref<8x128x32xf32, #tpu.memory_space<vmem>> -> memref<1x128x32xf32, #tpu.memory_space<vmem>>
      %dma_wait3A_227 = tpu.memref_squeeze %dma_wait3A_226 : memref<1x128x32xf32, #tpu.memory_space<vmem>> -> memref<128x32xf32, #tpu.memory_space<vmem>>
      %dma_wait3A_228 = arith.constant 0 : i32
      %dma_wait3A_229 = tpu.memref_slice %arg7[%add3A_222, %dma_wait3A_228] : memref<80x128xi32, #tpu.memory_space<vmem>> -> memref<1x128xi32, #tpu.memory_space<vmem>>
      %dma_wait3A_230 = tpu.memref_squeeze %dma_wait3A_229 : memref<1x128xi32, #tpu.memory_space<vmem>> -> memref<128xi32, #tpu.memory_space<vmem>>
      %dma_wait3A_231 = arith.constant 0 : i32
      %dma_wait3A_232 = arith.constant 0 : i32
      %dma_wait3A_233 = tpu.memref_slice %arg11[%dma_wait3A_231, %dma_wait3A_232] : memref<10240x32xf32, #tpu.memory_space<vmem_shared>> -> memref<10240x32xf32, #tpu.memory_space<vmem_shared>>
      tpu.wait_indirect_dma semaphore(%arg15 : memref<!tpu.dma_semaphore, #tpu.memory_space<semaphore_mem>>) src(%dma_wait3A_233 : memref<10240x32xf32, #tpu.memory_space<vmem_shared>>) dst(%dma_wait3A_227 : memref<128x32xf32, #tpu.memory_space<vmem>>)
      %dma_start3A_234 = arith.constant 3 : i32
      %dma_start3A_235 = arith.constant 0 : i32
      %dma_start3A_236 = arith.constant 0 : i32
      %dma_start3A_237 = tpu.memref_slice %arg9[%dma_start3A_234, %dma_start3A_235, %dma_start3A_236] : memref<8x128x32xf32, #tpu.memory_space<vmem>> -> memref<1x128x32xf32, #tpu.memory_space<vmem>>
      %dma_start3A_238 = tpu.memref_squeeze %dma_start3A_237 : memref<1x128x32xf32, #tpu.memory_space<vmem>> -> memref<128x32xf32, #tpu.memory_space<vmem>>
      %dma_start3A_239 = arith.constant 0 : i32
      %dma_start3A_240 = tpu.memref_slice %arg8[%add3A_222, %dma_start3A_239] : memref<80x128xi32, #tpu.memory_space<vmem>> -> memref<1x128xi32, #tpu.memory_space<vmem>>
      %dma_start3A_241 = tpu.memref_squeeze %dma_start3A_240 : memref<1x128xi32, #tpu.memory_space<vmem>> -> memref<128xi32, #tpu.memory_space<vmem>>
      %dma_start3A_242 = arith.constant 0 : i32
      %dma_start3A_243 = arith.constant 0 : i32
      %dma_start3A_244 = tpu.memref_slice %arg10[%dma_start3A_242, %dma_start3A_243] : memref<10240x32xf32, #tpu.memory_space<vmem_shared>> -> memref<10240x32xf32, #tpu.memory_space<vmem_shared>>
      tpu.enqueue_indirect_dma source(%dma_start3A_238 : memref<128x32xf32, #tpu.memory_space<vmem>>) target(%dma_start3A_244 : memref<10240x32xf32, #tpu.memory_space<vmem_shared>>) offsets(%dma_start3A_241 : memref<128xi32, #tpu.memory_space<vmem>>) semaphore(%arg23 : memref<!tpu.dma_semaphore, #tpu.memory_space<semaphore_mem>>) {add = true}
      %ge3A_245 = arith.constant 4 : i32
      %ge3A_246 = arith.cmpi sge, %add3A_222, %ge3A_245 : i32
      %convert_element_type3A_247 = arith.extui %ge3A_246 : i1 to i32
      %cond3A_248 = arith.constant 0 : i32
      %cond3A_249 = arith.cmpi ne, %convert_element_type3A_247, %cond3A_248 : i32
      scf.if %cond3A_249 {
        %sub3A = arith.constant 4 : i32
        %sub3A_401 = arith.subi %add3A_222, %sub3A : i32
        %dma_wait3A_402 = arith.constant 7 : i32
        %dma_wait3A_403 = arith.constant 0 : i32
        %dma_wait3A_404 = arith.constant 0 : i32
        %dma_wait3A_405 = tpu.memref_slice %arg9[%dma_wait3A_402, %dma_wait3A_403, %dma_wait3A_404] : memref<8x128x32xf32, #tpu.memory_space<vmem>> -> memref<1x128x32xf32, #tpu.memory_space<vmem>>
        %dma_wait3A_406 = tpu.memref_squeeze %dma_wait3A_405 : memref<1x128x32xf32, #tpu.memory_space<vmem>> -> memref<128x32xf32, #tpu.memory_space<vmem>>
        %dma_wait3A_407 = arith.constant 0 : i32
        %dma_wait3A_408 = tpu.memref_slice %arg8[%sub3A_401, %dma_wait3A_407] : memref<80x128xi32, #tpu.memory_space<vmem>> -> memref<1x128xi32, #tpu.memory_space<vmem>>
        %dma_wait3A_409 = tpu.memref_squeeze %dma_wait3A_408 : memref<1x128xi32, #tpu.memory_space<vmem>> -> memref<128xi32, #tpu.memory_space<vmem>>
        %dma_wait3A_410 = arith.constant 0 : i32
        %dma_wait3A_411 = arith.constant 0 : i32
        %dma_wait3A_412 = tpu.memref_slice %arg10[%dma_wait3A_410, %dma_wait3A_411] : memref<10240x32xf32, #tpu.memory_space<vmem_shared>> -> memref<10240x32xf32, #tpu.memory_space<vmem_shared>>
        tpu.wait_indirect_dma semaphore(%arg27 : memref<!tpu.dma_semaphore, #tpu.memory_space<semaphore_mem>>) src(%dma_wait3A_406 : memref<128x32xf32, #tpu.memory_space<vmem>>) dst(%dma_wait3A_412 : memref<10240x32xf32, #tpu.memory_space<vmem_shared>>)
      } else {
      }
      %add3A_250 = arith.constant 4 : i32
      %add3A_251 = arith.addi %add3A_222, %add3A_250 : i32
      %lt3A_252 = arith.constant 80 : i32
      %lt3A_253 = arith.cmpi slt, %add3A_251, %lt3A_252 : i32
      %convert_element_type3A_254 = arith.extui %lt3A_253 : i1 to i32
      %cond3A_255 = arith.constant 0 : i32
      %cond3A_256 = arith.cmpi ne, %convert_element_type3A_254, %cond3A_255 : i32
      scf.if %cond3A_256 {
        %add3A_401 = arith.constant 4 : i32
        %add3A_402 = arith.addi %add3A_222, %add3A_401 : i32
        %dma_start3A_403 = arith.constant 7 : i32
        %dma_start3A_404 = arith.constant 0 : i32
        %dma_start3A_405 = arith.constant 0 : i32
        %dma_start3A_406 = tpu.memref_slice %arg9[%dma_start3A_403, %dma_start3A_404, %dma_start3A_405] : memref<8x128x32xf32, #tpu.memory_space<vmem>> -> memref<1x128x32xf32, #tpu.memory_space<vmem>>
        %dma_start3A_407 = tpu.memref_squeeze %dma_start3A_406 : memref<1x128x32xf32, #tpu.memory_space<vmem>> -> memref<128x32xf32, #tpu.memory_space<vmem>>
        %dma_start3A_408 = arith.constant 0 : i32
        %dma_start3A_409 = tpu.memref_slice %arg7[%add3A_402, %dma_start3A_408] : memref<80x128xi32, #tpu.memory_space<vmem>> -> memref<1x128xi32, #tpu.memory_space<vmem>>
        %dma_start3A_410 = tpu.memref_squeeze %dma_start3A_409 : memref<1x128xi32, #tpu.memory_space<vmem>> -> memref<128xi32, #tpu.memory_space<vmem>>
        %dma_start3A_411 = arith.constant 0 : i32
        %dma_start3A_412 = arith.constant 0 : i32
        %dma_start3A_413 = tpu.memref_slice %arg11[%dma_start3A_411, %dma_start3A_412] : memref<10240x32xf32, #tpu.memory_space<vmem_shared>> -> memref<10240x32xf32, #tpu.memory_space<vmem_shared>>
        tpu.enqueue_indirect_dma source(%dma_start3A_413 : memref<10240x32xf32, #tpu.memory_space<vmem_shared>>) target(%dma_start3A_407 : memref<128x32xf32, #tpu.memory_space<vmem>>) offsets(%dma_start3A_410 : memref<128xi32, #tpu.memory_space<vmem>>) semaphore(%arg19 : memref<!tpu.dma_semaphore, #tpu.memory_space<semaphore_mem>>)
      } else {
      }
      %add3A_257 = arith.constant 4 : i32
      %add3A_258 = arith.addi %add3A_116, %add3A_257 : i32
      %dma_wait3A_259 = arith.constant 4 : i32
      %dma_wait3A_260 = arith.constant 0 : i32
      %dma_wait3A_261 = arith.constant 0 : i32
      %dma_wait3A_262 = tpu.memref_slice %arg9[%dma_wait3A_259, %dma_wait3A_260, %dma_wait3A_261] : memref<8x128x32xf32, #tpu.memory_space<vmem>> -> memref<1x128x32xf32, #tpu.memory_space<vmem>>
      %dma_wait3A_263 = tpu.memref_squeeze %dma_wait3A_262 : memref<1x128x32xf32, #tpu.memory_space<vmem>> -> memref<128x32xf32, #tpu.memory_space<vmem>>
      %dma_wait3A_264 = arith.constant 0 : i32
      %dma_wait3A_265 = tpu.memref_slice %arg7[%add3A_258, %dma_wait3A_264] : memref<80x128xi32, #tpu.memory_space<vmem>> -> memref<1x128xi32, #tpu.memory_space<vmem>>
      %dma_wait3A_266 = tpu.memref_squeeze %dma_wait3A_265 : memref<1x128xi32, #tpu.memory_space<vmem>> -> memref<128xi32, #tpu.memory_space<vmem>>
      %dma_wait3A_267 = arith.constant 0 : i32
      %dma_wait3A_268 = arith.constant 0 : i32
      %dma_wait3A_269 = tpu.memref_slice %arg11[%dma_wait3A_267, %dma_wait3A_268] : memref<10240x32xf32, #tpu.memory_space<vmem_shared>> -> memref<10240x32xf32, #tpu.memory_space<vmem_shared>>
      tpu.wait_indirect_dma semaphore(%arg16 : memref<!tpu.dma_semaphore, #tpu.memory_space<semaphore_mem>>) src(%dma_wait3A_269 : memref<10240x32xf32, #tpu.memory_space<vmem_shared>>) dst(%dma_wait3A_263 : memref<128x32xf32, #tpu.memory_space<vmem>>)
      %dma_start3A_270 = arith.constant 4 : i32
      %dma_start3A_271 = arith.constant 0 : i32
      %dma_start3A_272 = arith.constant 0 : i32
      %dma_start3A_273 = tpu.memref_slice %arg9[%dma_start3A_270, %dma_start3A_271, %dma_start3A_272] : memref<8x128x32xf32, #tpu.memory_space<vmem>> -> memref<1x128x32xf32, #tpu.memory_space<vmem>>
      %dma_start3A_274 = tpu.memref_squeeze %dma_start3A_273 : memref<1x128x32xf32, #tpu.memory_space<vmem>> -> memref<128x32xf32, #tpu.memory_space<vmem>>
      %dma_start3A_275 = arith.constant 0 : i32
      %dma_start3A_276 = tpu.memref_slice %arg8[%add3A_258, %dma_start3A_275] : memref<80x128xi32, #tpu.memory_space<vmem>> -> memref<1x128xi32, #tpu.memory_space<vmem>>
      %dma_start3A_277 = tpu.memref_squeeze %dma_start3A_276 : memref<1x128xi32, #tpu.memory_space<vmem>> -> memref<128xi32, #tpu.memory_space<vmem>>
      %dma_start3A_278 = arith.constant 0 : i32
      %dma_start3A_279 = arith.constant 0 : i32
      %dma_start3A_280 = tpu.memref_slice %arg10[%dma_start3A_278, %dma_start3A_279] : memref<10240x32xf32, #tpu.memory_space<vmem_shared>> -> memref<10240x32xf32, #tpu.memory_space<vmem_shared>>
      tpu.enqueue_indirect_dma source(%dma_start3A_274 : memref<128x32xf32, #tpu.memory_space<vmem>>) target(%dma_start3A_280 : memref<10240x32xf32, #tpu.memory_space<vmem_shared>>) offsets(%dma_start3A_277 : memref<128xi32, #tpu.memory_space<vmem>>) semaphore(%arg24 : memref<!tpu.dma_semaphore, #tpu.memory_space<semaphore_mem>>) {add = true}
      %ge3A_281 = arith.constant 4 : i32
      %ge3A_282 = arith.cmpi sge, %add3A_258, %ge3A_281 : i32
      %convert_element_type3A_283 = arith.extui %ge3A_282 : i1 to i32
      %cond3A_284 = arith.constant 0 : i32
      %cond3A_285 = arith.cmpi ne, %convert_element_type3A_283, %cond3A_284 : i32
      scf.if %cond3A_285 {
        %sub3A = arith.constant 4 : i32
        %sub3A_401 = arith.subi %add3A_258, %sub3A : i32
        %dma_wait3A_402 = arith.constant 0 : i32
        %dma_wait3A_403 = arith.constant 0 : i32
        %dma_wait3A_404 = arith.constant 0 : i32
        %dma_wait3A_405 = tpu.memref_slice %arg9[%dma_wait3A_402, %dma_wait3A_403, %dma_wait3A_404] : memref<8x128x32xf32, #tpu.memory_space<vmem>> -> memref<1x128x32xf32, #tpu.memory_space<vmem>>
        %dma_wait3A_406 = tpu.memref_squeeze %dma_wait3A_405 : memref<1x128x32xf32, #tpu.memory_space<vmem>> -> memref<128x32xf32, #tpu.memory_space<vmem>>
        %dma_wait3A_407 = arith.constant 0 : i32
        %dma_wait3A_408 = tpu.memref_slice %arg8[%sub3A_401, %dma_wait3A_407] : memref<80x128xi32, #tpu.memory_space<vmem>> -> memref<1x128xi32, #tpu.memory_space<vmem>>
        %dma_wait3A_409 = tpu.memref_squeeze %dma_wait3A_408 : memref<1x128xi32, #tpu.memory_space<vmem>> -> memref<128xi32, #tpu.memory_space<vmem>>
        %dma_wait3A_410 = arith.constant 0 : i32
        %dma_wait3A_411 = arith.constant 0 : i32
        %dma_wait3A_412 = tpu.memref_slice %arg10[%dma_wait3A_410, %dma_wait3A_411] : memref<10240x32xf32, #tpu.memory_space<vmem_shared>> -> memref<10240x32xf32, #tpu.memory_space<vmem_shared>>
        tpu.wait_indirect_dma semaphore(%arg20 : memref<!tpu.dma_semaphore, #tpu.memory_space<semaphore_mem>>) src(%dma_wait3A_406 : memref<128x32xf32, #tpu.memory_space<vmem>>) dst(%dma_wait3A_412 : memref<10240x32xf32, #tpu.memory_space<vmem_shared>>)
      } else {
      }
      %add3A_286 = arith.constant 4 : i32
      %add3A_287 = arith.addi %add3A_258, %add3A_286 : i32
      %lt3A_288 = arith.constant 80 : i32
      %lt3A_289 = arith.cmpi slt, %add3A_287, %lt3A_288 : i32
      %convert_element_type3A_290 = arith.extui %lt3A_289 : i1 to i32
      %cond3A_291 = arith.constant 0 : i32
      %cond3A_292 = arith.cmpi ne, %convert_element_type3A_290, %cond3A_291 : i32
      scf.if %cond3A_292 {
        %add3A_401 = arith.constant 4 : i32
        %add3A_402 = arith.addi %add3A_258, %add3A_401 : i32
        %dma_start3A_403 = arith.constant 0 : i32
        %dma_start3A_404 = arith.constant 0 : i32
        %dma_start3A_405 = arith.constant 0 : i32
        %dma_start3A_406 = tpu.memref_slice %arg9[%dma_start3A_403, %dma_start3A_404, %dma_start3A_405] : memref<8x128x32xf32, #tpu.memory_space<vmem>> -> memref<1x128x32xf32, #tpu.memory_space<vmem>>
        %dma_start3A_407 = tpu.memref_squeeze %dma_start3A_406 : memref<1x128x32xf32, #tpu.memory_space<vmem>> -> memref<128x32xf32, #tpu.memory_space<vmem>>
        %dma_start3A_408 = arith.constant 0 : i32
        %dma_start3A_409 = tpu.memref_slice %arg7[%add3A_402, %dma_start3A_408] : memref<80x128xi32, #tpu.memory_space<vmem>> -> memref<1x128xi32, #tpu.memory_space<vmem>>
        %dma_start3A_410 = tpu.memref_squeeze %dma_start3A_409 : memref<1x128xi32, #tpu.memory_space<vmem>> -> memref<128xi32, #tpu.memory_space<vmem>>
        %dma_start3A_411 = arith.constant 0 : i32
        %dma_start3A_412 = arith.constant 0 : i32
        %dma_start3A_413 = tpu.memref_slice %arg11[%dma_start3A_411, %dma_start3A_412] : memref<10240x32xf32, #tpu.memory_space<vmem_shared>> -> memref<10240x32xf32, #tpu.memory_space<vmem_shared>>
        tpu.enqueue_indirect_dma source(%dma_start3A_413 : memref<10240x32xf32, #tpu.memory_space<vmem_shared>>) target(%dma_start3A_407 : memref<128x32xf32, #tpu.memory_space<vmem>>) offsets(%dma_start3A_410 : memref<128xi32, #tpu.memory_space<vmem>>) semaphore(%arg12 : memref<!tpu.dma_semaphore, #tpu.memory_space<semaphore_mem>>)
      } else {
      }
      %add3A_293 = arith.constant 5 : i32
      %add3A_294 = arith.addi %add3A_116, %add3A_293 : i32
      %dma_wait3A_295 = arith.constant 5 : i32
      %dma_wait3A_296 = arith.constant 0 : i32
      %dma_wait3A_297 = arith.constant 0 : i32
      %dma_wait3A_298 = tpu.memref_slice %arg9[%dma_wait3A_295, %dma_wait3A_296, %dma_wait3A_297] : memref<8x128x32xf32, #tpu.memory_space<vmem>> -> memref<1x128x32xf32, #tpu.memory_space<vmem>>
      %dma_wait3A_299 = tpu.memref_squeeze %dma_wait3A_298 : memref<1x128x32xf32, #tpu.memory_space<vmem>> -> memref<128x32xf32, #tpu.memory_space<vmem>>
      %dma_wait3A_300 = arith.constant 0 : i32
      %dma_wait3A_301 = tpu.memref_slice %arg7[%add3A_294, %dma_wait3A_300] : memref<80x128xi32, #tpu.memory_space<vmem>> -> memref<1x128xi32, #tpu.memory_space<vmem>>
      %dma_wait3A_302 = tpu.memref_squeeze %dma_wait3A_301 : memref<1x128xi32, #tpu.memory_space<vmem>> -> memref<128xi32, #tpu.memory_space<vmem>>
      %dma_wait3A_303 = arith.constant 0 : i32
      %dma_wait3A_304 = arith.constant 0 : i32
      %dma_wait3A_305 = tpu.memref_slice %arg11[%dma_wait3A_303, %dma_wait3A_304] : memref<10240x32xf32, #tpu.memory_space<vmem_shared>> -> memref<10240x32xf32, #tpu.memory_space<vmem_shared>>
      tpu.wait_indirect_dma semaphore(%arg17 : memref<!tpu.dma_semaphore, #tpu.memory_space<semaphore_mem>>) src(%dma_wait3A_305 : memref<10240x32xf32, #tpu.memory_space<vmem_shared>>) dst(%dma_wait3A_299 : memref<128x32xf32, #tpu.memory_space<vmem>>)
      %dma_start3A_306 = arith.constant 5 : i32
      %dma_start3A_307 = arith.constant 0 : i32
      %dma_start3A_308 = arith.constant 0 : i32
      %dma_start3A_309 = tpu.memref_slice %arg9[%dma_start3A_306, %dma_start3A_307, %dma_start3A_308] : memref<8x128x32xf32, #tpu.memory_space<vmem>> -> memref<1x128x32xf32, #tpu.memory_space<vmem>>
      %dma_start3A_310 = tpu.memref_squeeze %dma_start3A_309 : memref<1x128x32xf32, #tpu.memory_space<vmem>> -> memref<128x32xf32, #tpu.memory_space<vmem>>
      %dma_start3A_311 = arith.constant 0 : i32
      %dma_start3A_312 = tpu.memref_slice %arg8[%add3A_294, %dma_start3A_311] : memref<80x128xi32, #tpu.memory_space<vmem>> -> memref<1x128xi32, #tpu.memory_space<vmem>>
      %dma_start3A_313 = tpu.memref_squeeze %dma_start3A_312 : memref<1x128xi32, #tpu.memory_space<vmem>> -> memref<128xi32, #tpu.memory_space<vmem>>
      %dma_start3A_314 = arith.constant 0 : i32
      %dma_start3A_315 = arith.constant 0 : i32
      %dma_start3A_316 = tpu.memref_slice %arg10[%dma_start3A_314, %dma_start3A_315] : memref<10240x32xf32, #tpu.memory_space<vmem_shared>> -> memref<10240x32xf32, #tpu.memory_space<vmem_shared>>
      tpu.enqueue_indirect_dma source(%dma_start3A_310 : memref<128x32xf32, #tpu.memory_space<vmem>>) target(%dma_start3A_316 : memref<10240x32xf32, #tpu.memory_space<vmem_shared>>) offsets(%dma_start3A_313 : memref<128xi32, #tpu.memory_space<vmem>>) semaphore(%arg25 : memref<!tpu.dma_semaphore, #tpu.memory_space<semaphore_mem>>) {add = true}
      %ge3A_317 = arith.constant 4 : i32
      %ge3A_318 = arith.cmpi sge, %add3A_294, %ge3A_317 : i32
      %convert_element_type3A_319 = arith.extui %ge3A_318 : i1 to i32
      %cond3A_320 = arith.constant 0 : i32
      %cond3A_321 = arith.cmpi ne, %convert_element_type3A_319, %cond3A_320 : i32
      scf.if %cond3A_321 {
        %sub3A = arith.constant 4 : i32
        %sub3A_401 = arith.subi %add3A_294, %sub3A : i32
        %dma_wait3A_402 = arith.constant 1 : i32
        %dma_wait3A_403 = arith.constant 0 : i32
        %dma_wait3A_404 = arith.constant 0 : i32
        %dma_wait3A_405 = tpu.memref_slice %arg9[%dma_wait3A_402, %dma_wait3A_403, %dma_wait3A_404] : memref<8x128x32xf32, #tpu.memory_space<vmem>> -> memref<1x128x32xf32, #tpu.memory_space<vmem>>
        %dma_wait3A_406 = tpu.memref_squeeze %dma_wait3A_405 : memref<1x128x32xf32, #tpu.memory_space<vmem>> -> memref<128x32xf32, #tpu.memory_space<vmem>>
        %dma_wait3A_407 = arith.constant 0 : i32
        %dma_wait3A_408 = tpu.memref_slice %arg8[%sub3A_401, %dma_wait3A_407] : memref<80x128xi32, #tpu.memory_space<vmem>> -> memref<1x128xi32, #tpu.memory_space<vmem>>
        %dma_wait3A_409 = tpu.memref_squeeze %dma_wait3A_408 : memref<1x128xi32, #tpu.memory_space<vmem>> -> memref<128xi32, #tpu.memory_space<vmem>>
        %dma_wait3A_410 = arith.constant 0 : i32
        %dma_wait3A_411 = arith.constant 0 : i32
        %dma_wait3A_412 = tpu.memref_slice %arg10[%dma_wait3A_410, %dma_wait3A_411] : memref<10240x32xf32, #tpu.memory_space<vmem_shared>> -> memref<10240x32xf32, #tpu.memory_space<vmem_shared>>
        tpu.wait_indirect_dma semaphore(%arg21 : memref<!tpu.dma_semaphore, #tpu.memory_space<semaphore_mem>>) src(%dma_wait3A_406 : memref<128x32xf32, #tpu.memory_space<vmem>>) dst(%dma_wait3A_412 : memref<10240x32xf32, #tpu.memory_space<vmem_shared>>)
      } else {
      }
      %add3A_322 = arith.constant 4 : i32
      %add3A_323 = arith.addi %add3A_294, %add3A_322 : i32
      %lt3A_324 = arith.constant 80 : i32
      %lt3A_325 = arith.cmpi slt, %add3A_323, %lt3A_324 : i32
      %convert_element_type3A_326 = arith.extui %lt3A_325 : i1 to i32
      %cond3A_327 = arith.constant 0 : i32
      %cond3A_328 = arith.cmpi ne, %convert_element_type3A_326, %cond3A_327 : i32
      scf.if %cond3A_328 {
        %add3A_401 = arith.constant 4 : i32
        %add3A_402 = arith.addi %add3A_294, %add3A_401 : i32
        %dma_start3A_403 = arith.constant 1 : i32
        %dma_start3A_404 = arith.constant 0 : i32
        %dma_start3A_405 = arith.constant 0 : i32
        %dma_start3A_406 = tpu.memref_slice %arg9[%dma_start3A_403, %dma_start3A_404, %dma_start3A_405] : memref<8x128x32xf32, #tpu.memory_space<vmem>> -> memref<1x128x32xf32, #tpu.memory_space<vmem>>
        %dma_start3A_407 = tpu.memref_squeeze %dma_start3A_406 : memref<1x128x32xf32, #tpu.memory_space<vmem>> -> memref<128x32xf32, #tpu.memory_space<vmem>>
        %dma_start3A_408 = arith.constant 0 : i32
        %dma_start3A_409 = tpu.memref_slice %arg7[%add3A_402, %dma_start3A_408] : memref<80x128xi32, #tpu.memory_space<vmem>> -> memref<1x128xi32, #tpu.memory_space<vmem>>
        %dma_start3A_410 = tpu.memref_squeeze %dma_start3A_409 : memref<1x128xi32, #tpu.memory_space<vmem>> -> memref<128xi32, #tpu.memory_space<vmem>>
        %dma_start3A_411 = arith.constant 0 : i32
        %dma_start3A_412 = arith.constant 0 : i32
        %dma_start3A_413 = tpu.memref_slice %arg11[%dma_start3A_411, %dma_start3A_412] : memref<10240x32xf32, #tpu.memory_space<vmem_shared>> -> memref<10240x32xf32, #tpu.memory_space<vmem_shared>>
        tpu.enqueue_indirect_dma source(%dma_start3A_413 : memref<10240x32xf32, #tpu.memory_space<vmem_shared>>) target(%dma_start3A_407 : memref<128x32xf32, #tpu.memory_space<vmem>>) offsets(%dma_start3A_410 : memref<128xi32, #tpu.memory_space<vmem>>) semaphore(%arg13 : memref<!tpu.dma_semaphore, #tpu.memory_space<semaphore_mem>>)
      } else {
      }
      %add3A_329 = arith.constant 6 : i32
      %add3A_330 = arith.addi %add3A_116, %add3A_329 : i32
      %dma_wait3A_331 = arith.constant 6 : i32
      %dma_wait3A_332 = arith.constant 0 : i32
      %dma_wait3A_333 = arith.constant 0 : i32
      %dma_wait3A_334 = tpu.memref_slice %arg9[%dma_wait3A_331, %dma_wait3A_332, %dma_wait3A_333] : memref<8x128x32xf32, #tpu.memory_space<vmem>> -> memref<1x128x32xf32, #tpu.memory_space<vmem>>
      %dma_wait3A_335 = tpu.memref_squeeze %dma_wait3A_334 : memref<1x128x32xf32, #tpu.memory_space<vmem>> -> memref<128x32xf32, #tpu.memory_space<vmem>>
      %dma_wait3A_336 = arith.constant 0 : i32
      %dma_wait3A_337 = tpu.memref_slice %arg7[%add3A_330, %dma_wait3A_336] : memref<80x128xi32, #tpu.memory_space<vmem>> -> memref<1x128xi32, #tpu.memory_space<vmem>>
      %dma_wait3A_338 = tpu.memref_squeeze %dma_wait3A_337 : memref<1x128xi32, #tpu.memory_space<vmem>> -> memref<128xi32, #tpu.memory_space<vmem>>
      %dma_wait3A_339 = arith.constant 0 : i32
      %dma_wait3A_340 = arith.constant 0 : i32
      %dma_wait3A_341 = tpu.memref_slice %arg11[%dma_wait3A_339, %dma_wait3A_340] : memref<10240x32xf32, #tpu.memory_space<vmem_shared>> -> memref<10240x32xf32, #tpu.memory_space<vmem_shared>>
      tpu.wait_indirect_dma semaphore(%arg18 : memref<!tpu.dma_semaphore, #tpu.memory_space<semaphore_mem>>) src(%dma_wait3A_341 : memref<10240x32xf32, #tpu.memory_space<vmem_shared>>) dst(%dma_wait3A_335 : memref<128x32xf32, #tpu.memory_space<vmem>>)
      %dma_start3A_342 = arith.constant 6 : i32
      %dma_start3A_343 = arith.constant 0 : i32
      %dma_start3A_344 = arith.constant 0 : i32
      %dma_start3A_345 = tpu.memref_slice %arg9[%dma_start3A_342, %dma_start3A_343, %dma_start3A_344] : memref<8x128x32xf32, #tpu.memory_space<vmem>> -> memref<1x128x32xf32, #tpu.memory_space<vmem>>
      %dma_start3A_346 = tpu.memref_squeeze %dma_start3A_345 : memref<1x128x32xf32, #tpu.memory_space<vmem>> -> memref<128x32xf32, #tpu.memory_space<vmem>>
      %dma_start3A_347 = arith.constant 0 : i32
      %dma_start3A_348 = tpu.memref_slice %arg8[%add3A_330, %dma_start3A_347] : memref<80x128xi32, #tpu.memory_space<vmem>> -> memref<1x128xi32, #tpu.memory_space<vmem>>
      %dma_start3A_349 = tpu.memref_squeeze %dma_start3A_348 : memref<1x128xi32, #tpu.memory_space<vmem>> -> memref<128xi32, #tpu.memory_space<vmem>>
      %dma_start3A_350 = arith.constant 0 : i32
      %dma_start3A_351 = arith.constant 0 : i32
      %dma_start3A_352 = tpu.memref_slice %arg10[%dma_start3A_350, %dma_start3A_351] : memref<10240x32xf32, #tpu.memory_space<vmem_shared>> -> memref<10240x32xf32, #tpu.memory_space<vmem_shared>>
      tpu.enqueue_indirect_dma source(%dma_start3A_346 : memref<128x32xf32, #tpu.memory_space<vmem>>) target(%dma_start3A_352 : memref<10240x32xf32, #tpu.memory_space<vmem_shared>>) offsets(%dma_start3A_349 : memref<128xi32, #tpu.memory_space<vmem>>) semaphore(%arg26 : memref<!tpu.dma_semaphore, #tpu.memory_space<semaphore_mem>>) {add = true}
      %ge3A_353 = arith.constant 4 : i32
      %ge3A_354 = arith.cmpi sge, %add3A_330, %ge3A_353 : i32
      %convert_element_type3A_355 = arith.extui %ge3A_354 : i1 to i32
      %cond3A_356 = arith.constant 0 : i32
      %cond3A_357 = arith.cmpi ne, %convert_element_type3A_355, %cond3A_356 : i32
      scf.if %cond3A_357 {
        %sub3A = arith.constant 4 : i32
        %sub3A_401 = arith.subi %add3A_330, %sub3A : i32
        %dma_wait3A_402 = arith.constant 2 : i32
        %dma_wait3A_403 = arith.constant 0 : i32
        %dma_wait3A_404 = arith.constant 0 : i32
        %dma_wait3A_405 = tpu.memref_slice %arg9[%dma_wait3A_402, %dma_wait3A_403, %dma_wait3A_404] : memref<8x128x32xf32, #tpu.memory_space<vmem>> -> memref<1x128x32xf32, #tpu.memory_space<vmem>>
        %dma_wait3A_406 = tpu.memref_squeeze %dma_wait3A_405 : memref<1x128x32xf32, #tpu.memory_space<vmem>> -> memref<128x32xf32, #tpu.memory_space<vmem>>
        %dma_wait3A_407 = arith.constant 0 : i32
        %dma_wait3A_408 = tpu.memref_slice %arg8[%sub3A_401, %dma_wait3A_407] : memref<80x128xi32, #tpu.memory_space<vmem>> -> memref<1x128xi32, #tpu.memory_space<vmem>>
        %dma_wait3A_409 = tpu.memref_squeeze %dma_wait3A_408 : memref<1x128xi32, #tpu.memory_space<vmem>> -> memref<128xi32, #tpu.memory_space<vmem>>
        %dma_wait3A_410 = arith.constant 0 : i32
        %dma_wait3A_411 = arith.constant 0 : i32
        %dma_wait3A_412 = tpu.memref_slice %arg10[%dma_wait3A_410, %dma_wait3A_411] : memref<10240x32xf32, #tpu.memory_space<vmem_shared>> -> memref<10240x32xf32, #tpu.memory_space<vmem_shared>>
        tpu.wait_indirect_dma semaphore(%arg22 : memref<!tpu.dma_semaphore, #tpu.memory_space<semaphore_mem>>) src(%dma_wait3A_406 : memref<128x32xf32, #tpu.memory_space<vmem>>) dst(%dma_wait3A_412 : memref<10240x32xf32, #tpu.memory_space<vmem_shared>>)
      } else {
      }
      %add3A_358 = arith.constant 4 : i32
      %add3A_359 = arith.addi %add3A_330, %add3A_358 : i32
      %lt3A_360 = arith.constant 80 : i32
      %lt3A_361 = arith.cmpi slt, %add3A_359, %lt3A_360 : i32
      %convert_element_type3A_362 = arith.extui %lt3A_361 : i1 to i32
      %cond3A_363 = arith.constant 0 : i32
      %cond3A_364 = arith.cmpi ne, %convert_element_type3A_362, %cond3A_363 : i32
      scf.if %cond3A_364 {
        %add3A_401 = arith.constant 4 : i32
        %add3A_402 = arith.addi %add3A_330, %add3A_401 : i32
        %dma_start3A_403 = arith.constant 2 : i32
        %dma_start3A_404 = arith.constant 0 : i32
        %dma_start3A_405 = arith.constant 0 : i32
        %dma_start3A_406 = tpu.memref_slice %arg9[%dma_start3A_403, %dma_start3A_404, %dma_start3A_405] : memref<8x128x32xf32, #tpu.memory_space<vmem>> -> memref<1x128x32xf32, #tpu.memory_space<vmem>>
        %dma_start3A_407 = tpu.memref_squeeze %dma_start3A_406 : memref<1x128x32xf32, #tpu.memory_space<vmem>> -> memref<128x32xf32, #tpu.memory_space<vmem>>
        %dma_start3A_408 = arith.constant 0 : i32
        %dma_start3A_409 = tpu.memref_slice %arg7[%add3A_402, %dma_start3A_408] : memref<80x128xi32, #tpu.memory_space<vmem>> -> memref<1x128xi32, #tpu.memory_space<vmem>>
        %dma_start3A_410 = tpu.memref_squeeze %dma_start3A_409 : memref<1x128xi32, #tpu.memory_space<vmem>> -> memref<128xi32, #tpu.memory_space<vmem>>
        %dma_start3A_411 = arith.constant 0 : i32
        %dma_start3A_412 = arith.constant 0 : i32
        %dma_start3A_413 = tpu.memref_slice %arg11[%dma_start3A_411, %dma_start3A_412] : memref<10240x32xf32, #tpu.memory_space<vmem_shared>> -> memref<10240x32xf32, #tpu.memory_space<vmem_shared>>
        tpu.enqueue_indirect_dma source(%dma_start3A_413 : memref<10240x32xf32, #tpu.memory_space<vmem_shared>>) target(%dma_start3A_407 : memref<128x32xf32, #tpu.memory_space<vmem>>) offsets(%dma_start3A_410 : memref<128xi32, #tpu.memory_space<vmem>>) semaphore(%arg14 : memref<!tpu.dma_semaphore, #tpu.memory_space<semaphore_mem>>)
      } else {
      }
      %add3A_365 = arith.constant 7 : i32
      %add3A_366 = arith.addi %add3A_116, %add3A_365 : i32
      %dma_wait3A_367 = arith.constant 7 : i32
      %dma_wait3A_368 = arith.constant 0 : i32
      %dma_wait3A_369 = arith.constant 0 : i32
      %dma_wait3A_370 = tpu.memref_slice %arg9[%dma_wait3A_367, %dma_wait3A_368, %dma_wait3A_369] : memref<8x128x32xf32, #tpu.memory_space<vmem>> -> memref<1x128x32xf32, #tpu.memory_space<vmem>>
      %dma_wait3A_371 = tpu.memref_squeeze %dma_wait3A_370 : memref<1x128x32xf32, #tpu.memory_space<vmem>> -> memref<128x32xf32, #tpu.memory_space<vmem>>
      %dma_wait3A_372 = arith.constant 0 : i32
      %dma_wait3A_373 = tpu.memref_slice %arg7[%add3A_366, %dma_wait3A_372] : memref<80x128xi32, #tpu.memory_space<vmem>> -> memref<1x128xi32, #tpu.memory_space<vmem>>
      %dma_wait3A_374 = tpu.memref_squeeze %dma_wait3A_373 : memref<1x128xi32, #tpu.memory_space<vmem>> -> memref<128xi32, #tpu.memory_space<vmem>>
      %dma_wait3A_375 = arith.constant 0 : i32
      %dma_wait3A_376 = arith.constant 0 : i32
      %dma_wait3A_377 = tpu.memref_slice %arg11[%dma_wait3A_375, %dma_wait3A_376] : memref<10240x32xf32, #tpu.memory_space<vmem_shared>> -> memref<10240x32xf32, #tpu.memory_space<vmem_shared>>
      tpu.wait_indirect_dma semaphore(%arg19 : memref<!tpu.dma_semaphore, #tpu.memory_space<semaphore_mem>>) src(%dma_wait3A_377 : memref<10240x32xf32, #tpu.memory_space<vmem_shared>>) dst(%dma_wait3A_371 : memref<128x32xf32, #tpu.memory_space<vmem>>)
      %dma_start3A_378 = arith.constant 7 : i32
      %dma_start3A_379 = arith.constant 0 : i32
      %dma_start3A_380 = arith.constant 0 : i32
      %dma_start3A_381 = tpu.memref_slice %arg9[%dma_start3A_378, %dma_start3A_379, %dma_start3A_380] : memref<8x128x32xf32, #tpu.memory_space<vmem>> -> memref<1x128x32xf32, #tpu.memory_space<vmem>>
      %dma_start3A_382 = tpu.memref_squeeze %dma_start3A_381 : memref<1x128x32xf32, #tpu.memory_space<vmem>> -> memref<128x32xf32, #tpu.memory_space<vmem>>
      %dma_start3A_383 = arith.constant 0 : i32
      %dma_start3A_384 = tpu.memref_slice %arg8[%add3A_366, %dma_start3A_383] : memref<80x128xi32, #tpu.memory_space<vmem>> -> memref<1x128xi32, #tpu.memory_space<vmem>>
      %dma_start3A_385 = tpu.memref_squeeze %dma_start3A_384 : memref<1x128xi32, #tpu.memory_space<vmem>> -> memref<128xi32, #tpu.memory_space<vmem>>
      %dma_start3A_386 = arith.constant 0 : i32
      %dma_start3A_387 = arith.constant 0 : i32
      %dma_start3A_388 = tpu.memref_slice %arg10[%dma_start3A_386, %dma_start3A_387] : memref<10240x32xf32, #tpu.memory_space<vmem_shared>> -> memref<10240x32xf32, #tpu.memory_space<vmem_shared>>
      tpu.enqueue_indirect_dma source(%dma_start3A_382 : memref<128x32xf32, #tpu.memory_space<vmem>>) target(%dma_start3A_388 : memref<10240x32xf32, #tpu.memory_space<vmem_shared>>) offsets(%dma_start3A_385 : memref<128xi32, #tpu.memory_space<vmem>>) semaphore(%arg27 : memref<!tpu.dma_semaphore, #tpu.memory_space<semaphore_mem>>) {add = true}
      %ge3A_389 = arith.constant 4 : i32
      %ge3A_390 = arith.cmpi sge, %add3A_366, %ge3A_389 : i32
      %convert_element_type3A_391 = arith.extui %ge3A_390 : i1 to i32
      %cond3A_392 = arith.constant 0 : i32
      %cond3A_393 = arith.cmpi ne, %convert_element_type3A_391, %cond3A_392 : i32
      scf.if %cond3A_393 {
        %sub3A = arith.constant 4 : i32
        %sub3A_401 = arith.subi %add3A_366, %sub3A : i32
        %dma_wait3A_402 = arith.constant 3 : i32
        %dma_wait3A_403 = arith.constant 0 : i32
        %dma_wait3A_404 = arith.constant 0 : i32
        %dma_wait3A_405 = tpu.memref_slice %arg9[%dma_wait3A_402, %dma_wait3A_403, %dma_wait3A_404] : memref<8x128x32xf32, #tpu.memory_space<vmem>> -> memref<1x128x32xf32, #tpu.memory_space<vmem>>
        %dma_wait3A_406 = tpu.memref_squeeze %dma_wait3A_405 : memref<1x128x32xf32, #tpu.memory_space<vmem>> -> memref<128x32xf32, #tpu.memory_space<vmem>>
        %dma_wait3A_407 = arith.constant 0 : i32
        %dma_wait3A_408 = tpu.memref_slice %arg8[%sub3A_401, %dma_wait3A_407] : memref<80x128xi32, #tpu.memory_space<vmem>> -> memref<1x128xi32, #tpu.memory_space<vmem>>
        %dma_wait3A_409 = tpu.memref_squeeze %dma_wait3A_408 : memref<1x128xi32, #tpu.memory_space<vmem>> -> memref<128xi32, #tpu.memory_space<vmem>>
        %dma_wait3A_410 = arith.constant 0 : i32
        %dma_wait3A_411 = arith.constant 0 : i32
        %dma_wait3A_412 = tpu.memref_slice %arg10[%dma_wait3A_410, %dma_wait3A_411] : memref<10240x32xf32, #tpu.memory_space<vmem_shared>> -> memref<10240x32xf32, #tpu.memory_space<vmem_shared>>
        tpu.wait_indirect_dma semaphore(%arg23 : memref<!tpu.dma_semaphore, #tpu.memory_space<semaphore_mem>>) src(%dma_wait3A_406 : memref<128x32xf32, #tpu.memory_space<vmem>>) dst(%dma_wait3A_412 : memref<10240x32xf32, #tpu.memory_space<vmem_shared>>)
      } else {
      }
      %add3A_394 = arith.constant 4 : i32
      %add3A_395 = arith.addi %add3A_366, %add3A_394 : i32
      %lt3A_396 = arith.constant 80 : i32
      %lt3A_397 = arith.cmpi slt, %add3A_395, %lt3A_396 : i32
      %convert_element_type3A_398 = arith.extui %lt3A_397 : i1 to i32
      %cond3A_399 = arith.constant 0 : i32
      %cond3A_400 = arith.cmpi ne, %convert_element_type3A_398, %cond3A_399 : i32
      scf.if %cond3A_400 {
        %add3A_401 = arith.constant 4 : i32
        %add3A_402 = arith.addi %add3A_366, %add3A_401 : i32
        %dma_start3A_403 = arith.constant 3 : i32
        %dma_start3A_404 = arith.constant 0 : i32
        %dma_start3A_405 = arith.constant 0 : i32
        %dma_start3A_406 = tpu.memref_slice %arg9[%dma_start3A_403, %dma_start3A_404, %dma_start3A_405] : memref<8x128x32xf32, #tpu.memory_space<vmem>> -> memref<1x128x32xf32, #tpu.memory_space<vmem>>
        %dma_start3A_407 = tpu.memref_squeeze %dma_start3A_406 : memref<1x128x32xf32, #tpu.memory_space<vmem>> -> memref<128x32xf32, #tpu.memory_space<vmem>>
        %dma_start3A_408 = arith.constant 0 : i32
        %dma_start3A_409 = tpu.memref_slice %arg7[%add3A_402, %dma_start3A_408] : memref<80x128xi32, #tpu.memory_space<vmem>> -> memref<1x128xi32, #tpu.memory_space<vmem>>
        %dma_start3A_410 = tpu.memref_squeeze %dma_start3A_409 : memref<1x128xi32, #tpu.memory_space<vmem>> -> memref<128xi32, #tpu.memory_space<vmem>>
        %dma_start3A_411 = arith.constant 0 : i32
        %dma_start3A_412 = arith.constant 0 : i32
        %dma_start3A_413 = tpu.memref_slice %arg11[%dma_start3A_411, %dma_start3A_412] : memref<10240x32xf32, #tpu.memory_space<vmem_shared>> -> memref<10240x32xf32, #tpu.memory_space<vmem_shared>>
        tpu.enqueue_indirect_dma source(%dma_start3A_413 : memref<10240x32xf32, #tpu.memory_space<vmem_shared>>) target(%dma_start3A_407 : memref<128x32xf32, #tpu.memory_space<vmem>>) offsets(%dma_start3A_410 : memref<128xi32, #tpu.memory_space<vmem>>) semaphore(%arg15 : memref<!tpu.dma_semaphore, #tpu.memory_space<semaphore_mem>>)
      } else {
      }
    }
    %scan3A_59 = arith.constant 10 : i32
    %dma_wait3A = arith.constant 4 : i32
    %dma_wait3A_60 = arith.constant 76 : i32
    %dma_wait3A_61 = arith.constant 0 : i32
    %dma_wait3A_62 = arith.constant 0 : i32
    %dma_wait3A_63 = tpu.memref_slice %arg9[%dma_wait3A, %dma_wait3A_61, %dma_wait3A_62] : memref<8x128x32xf32, #tpu.memory_space<vmem>> -> memref<1x128x32xf32, #tpu.memory_space<vmem>>
    %dma_wait3A_64 = tpu.memref_squeeze %dma_wait3A_63 : memref<1x128x32xf32, #tpu.memory_space<vmem>> -> memref<128x32xf32, #tpu.memory_space<vmem>>
    %dma_wait3A_65 = arith.constant 0 : i32
    %dma_wait3A_66 = tpu.memref_slice %arg8[%dma_wait3A_60, %dma_wait3A_65] : memref<80x128xi32, #tpu.memory_space<vmem>> -> memref<1x128xi32, #tpu.memory_space<vmem>>
    %dma_wait3A_67 = tpu.memref_squeeze %dma_wait3A_66 : memref<1x128xi32, #tpu.memory_space<vmem>> -> memref<128xi32, #tpu.memory_space<vmem>>
    %dma_wait3A_68 = arith.constant 0 : i32
    %dma_wait3A_69 = arith.constant 0 : i32
    %dma_wait3A_70 = tpu.memref_slice %arg10[%dma_wait3A_68, %dma_wait3A_69] : memref<10240x32xf32, #tpu.memory_space<vmem_shared>> -> memref<10240x32xf32, #tpu.memory_space<vmem_shared>>
    tpu.wait_indirect_dma semaphore(%arg24 : memref<!tpu.dma_semaphore, #tpu.memory_space<semaphore_mem>>) src(%dma_wait3A_64 : memref<128x32xf32, #tpu.memory_space<vmem>>) dst(%dma_wait3A_70 : memref<10240x32xf32, #tpu.memory_space<vmem_shared>>)
    %dma_wait3A_71 = arith.constant 5 : i32
    %dma_wait3A_72 = arith.constant 77 : i32
    %dma_wait3A_73 = arith.constant 0 : i32
    %dma_wait3A_74 = arith.constant 0 : i32
    %dma_wait3A_75 = tpu.memref_slice %arg9[%dma_wait3A_71, %dma_wait3A_73, %dma_wait3A_74] : memref<8x128x32xf32, #tpu.memory_space<vmem>> -> memref<1x128x32xf32, #tpu.memory_space<vmem>>
    %dma_wait3A_76 = tpu.memref_squeeze %dma_wait3A_75 : memref<1x128x32xf32, #tpu.memory_space<vmem>> -> memref<128x32xf32, #tpu.memory_space<vmem>>
    %dma_wait3A_77 = arith.constant 0 : i32
    %dma_wait3A_78 = tpu.memref_slice %arg8[%dma_wait3A_72, %dma_wait3A_77] : memref<80x128xi32, #tpu.memory_space<vmem>> -> memref<1x128xi32, #tpu.memory_space<vmem>>
    %dma_wait3A_79 = tpu.memref_squeeze %dma_wait3A_78 : memref<1x128xi32, #tpu.memory_space<vmem>> -> memref<128xi32, #tpu.memory_space<vmem>>
    %dma_wait3A_80 = arith.constant 0 : i32
    %dma_wait3A_81 = arith.constant 0 : i32
    %dma_wait3A_82 = tpu.memref_slice %arg10[%dma_wait3A_80, %dma_wait3A_81] : memref<10240x32xf32, #tpu.memory_space<vmem_shared>> -> memref<10240x32xf32, #tpu.memory_space<vmem_shared>>
    tpu.wait_indirect_dma semaphore(%arg25 : memref<!tpu.dma_semaphore, #tpu.memory_space<semaphore_mem>>) src(%dma_wait3A_76 : memref<128x32xf32, #tpu.memory_space<vmem>>) dst(%dma_wait3A_82 : memref<10240x32xf32, #tpu.memory_space<vmem_shared>>)
    %dma_wait3A_83 = arith.constant 6 : i32
    %dma_wait3A_84 = arith.constant 78 : i32
    %dma_wait3A_85 = arith.constant 0 : i32
    %dma_wait3A_86 = arith.constant 0 : i32
    %dma_wait3A_87 = tpu.memref_slice %arg9[%dma_wait3A_83, %dma_wait3A_85, %dma_wait3A_86] : memref<8x128x32xf32, #tpu.memory_space<vmem>> -> memref<1x128x32xf32, #tpu.memory_space<vmem>>
    %dma_wait3A_88 = tpu.memref_squeeze %dma_wait3A_87 : memref<1x128x32xf32, #tpu.memory_space<vmem>> -> memref<128x32xf32, #tpu.memory_space<vmem>>
    %dma_wait3A_89 = arith.constant 0 : i32
    %dma_wait3A_90 = tpu.memref_slice %arg8[%dma_wait3A_84, %dma_wait3A_89] : memref<80x128xi32, #tpu.memory_space<vmem>> -> memref<1x128xi32, #tpu.memory_space<vmem>>
    %dma_wait3A_91 = tpu.memref_squeeze %dma_wait3A_90 : memref<1x128xi32, #tpu.memory_space<vmem>> -> memref<128xi32, #tpu.memory_space<vmem>>
    %dma_wait3A_92 = arith.constant 0 : i32
    %dma_wait3A_93 = arith.constant 0 : i32
    %dma_wait3A_94 = tpu.memref_slice %arg10[%dma_wait3A_92, %dma_wait3A_93] : memref<10240x32xf32, #tpu.memory_space<vmem_shared>> -> memref<10240x32xf32, #tpu.memory_space<vmem_shared>>
    tpu.wait_indirect_dma semaphore(%arg26 : memref<!tpu.dma_semaphore, #tpu.memory_space<semaphore_mem>>) src(%dma_wait3A_88 : memref<128x32xf32, #tpu.memory_space<vmem>>) dst(%dma_wait3A_94 : memref<10240x32xf32, #tpu.memory_space<vmem_shared>>)
    %dma_wait3A_95 = arith.constant 7 : i32
    %dma_wait3A_96 = arith.constant 79 : i32
    %dma_wait3A_97 = arith.constant 0 : i32
    %dma_wait3A_98 = arith.constant 0 : i32
    %dma_wait3A_99 = tpu.memref_slice %arg9[%dma_wait3A_95, %dma_wait3A_97, %dma_wait3A_98] : memref<8x128x32xf32, #tpu.memory_space<vmem>> -> memref<1x128x32xf32, #tpu.memory_space<vmem>>
    %dma_wait3A_100 = tpu.memref_squeeze %dma_wait3A_99 : memref<1x128x32xf32, #tpu.memory_space<vmem>> -> memref<128x32xf32, #tpu.memory_space<vmem>>
    %dma_wait3A_101 = arith.constant 0 : i32
    %dma_wait3A_102 = tpu.memref_slice %arg8[%dma_wait3A_96, %dma_wait3A_101] : memref<80x128xi32, #tpu.memory_space<vmem>> -> memref<1x128xi32, #tpu.memory_space<vmem>>
    %dma_wait3A_103 = tpu.memref_squeeze %dma_wait3A_102 : memref<1x128xi32, #tpu.memory_space<vmem>> -> memref<128xi32, #tpu.memory_space<vmem>>
    %dma_wait3A_104 = arith.constant 0 : i32
    %dma_wait3A_105 = arith.constant 0 : i32
    %dma_wait3A_106 = tpu.memref_slice %arg10[%dma_wait3A_104, %dma_wait3A_105] : memref<10240x32xf32, #tpu.memory_space<vmem_shared>> -> memref<10240x32xf32, #tpu.memory_space<vmem_shared>>
    tpu.wait_indirect_dma semaphore(%arg27 : memref<!tpu.dma_semaphore, #tpu.memory_space<semaphore_mem>>) src(%dma_wait3A_100 : memref<128x32xf32, #tpu.memory_space<vmem>>) dst(%dma_wait3A_106 : memref<10240x32xf32, #tpu.memory_space<vmem_shared>>)
    %barrier3A_107 = arith.constant 0 : index
    tpu.barrier barrier_id(%barrier3A_107)
    %mul3A_108 = arith.constant 640 : i32
    %mul3A_109 = arith.muli %arg1, %mul3A_108 : i32
    %mul3A_110 = arith.constant 640 : i32
    %mul3A_111 = arith.muli %arg1, %mul3A_110 : i32
    "tpu.region"() ({
      %run_scoped3A = tpu.sem_alloc : memref<!tpu.dma_semaphore, #tpu.memory_space<semaphore_mem>>
      %dma_start3A_112 = arith.constant 0 : i32
      %dma_start3A_113 = tpu.memref_slice %arg6[%arg0, %mul3A_111, %dma_start3A_112] : memref<2x10240x32xf32, #tpu.memory_space<hbm>> -> memref<1x640x32xf32, #tpu.memory_space<hbm>>
      %dma_start3A_114 = tpu.memref_squeeze %dma_start3A_113 : memref<1x640x32xf32, #tpu.memory_space<hbm>> -> memref<640x32xf32, #tpu.memory_space<hbm>>
      %dma_start3A_115 = arith.constant 0 : i32
      %dma_start3A_116 = tpu.memref_slice %arg10[%mul3A_109, %dma_start3A_115] : memref<10240x32xf32, #tpu.memory_space<vmem_shared>> -> memref<640x32xf32, #tpu.memory_space<vmem_shared>>
      tpu.enqueue_dma source(%dma_start3A_116 : memref<640x32xf32, #tpu.memory_space<vmem_shared>>) target(%dma_start3A_114 : memref<640x32xf32, #tpu.memory_space<hbm>>) target_semaphore(%run_scoped3A : memref<!tpu.dma_semaphore, #tpu.memory_space<semaphore_mem>>)
      %dma_wait3A_117 = arith.constant 0 : i32
      %dma_wait3A_118 = tpu.memref_slice %arg6[%arg0, %mul3A_111, %dma_wait3A_117] : memref<2x10240x32xf32, #tpu.memory_space<hbm>> -> memref<1x640x32xf32, #tpu.memory_space<hbm>>
      %dma_wait3A_119 = tpu.memref_squeeze %dma_wait3A_118 : memref<1x640x32xf32, #tpu.memory_space<hbm>> -> memref<640x32xf32, #tpu.memory_space<hbm>>
      %dma_wait3A_120 = arith.constant 0 : i32
      %dma_wait3A_121 = tpu.memref_slice %arg10[%mul3A_109, %dma_wait3A_120] : memref<10240x32xf32, #tpu.memory_space<vmem_shared>> -> memref<640x32xf32, #tpu.memory_space<vmem_shared>>
      tpu.wait_dma2 semaphore(%run_scoped3A : memref<!tpu.dma_semaphore, #tpu.memory_space<semaphore_mem>>) src(%dma_wait3A_121 : memref<640x32xf32, #tpu.memory_space<vmem_shared>>) dst(%dma_wait3A_119 : memref<640x32xf32, #tpu.memory_space<hbm>>)
      tpu.yield
    }) : () -> ()
    return
  }
}

#map = affine_map<(d0, d1) -> (0, 0)>
#map1 = affine_map<(d0, d1) -> (0, 0, 0)>
module attributes {stable_mosaic.version = 14 : i64} {
  func.func @_sc_propagate(%arg0: i32, %arg1: i32, %arg2: memref<10240x32xf32, #tpu.memory_space<hbm>>, %arg3: memref<32x80x128xi32, #tpu.memory_space<hbm>>, %arg4: memref<32x80x128xi32, #tpu.memory_space<hbm>>, %arg5: memref<10240x32xf32, #tpu.memory_space<hbm>>, %arg6: memref<2x10240x32xf32, #tpu.memory_space<hbm>>, %arg7: memref<80x128xi32, #tpu.memory_space<vmem>>, %arg8: memref<80x128xi32, #tpu.memory_space<vmem>>, %arg9: memref<8x128x32xf32, #tpu.memory_space<vmem>>, %arg10: memref<10240x32xf32, #tpu.memory_space<vmem_shared>>, %arg11: memref<10240x32xf32, #tpu.memory_space<vmem_shared>>, %arg12: memref<!tpu.dma_semaphore, #tpu.memory_space<semaphore_mem>>, %arg13: memref<!tpu.dma_semaphore, #tpu.memory_space<semaphore_mem>>, %arg14: memref<!tpu.dma_semaphore, #tpu.memory_space<semaphore_mem>>, %arg15: memref<!tpu.dma_semaphore, #tpu.memory_space<semaphore_mem>>, %arg16: memref<!tpu.dma_semaphore, #tpu.memory_space<semaphore_mem>>, %arg17: memref<!tpu.dma_semaphore, #tpu.memory_space<semaphore_mem>>, %arg18: memref<!tpu.dma_semaphore, #tpu.memory_space<semaphore_mem>>, %arg19: memref<!tpu.dma_semaphore, #tpu.memory_space<semaphore_mem>>, %arg20: memref<!tpu.dma_semaphore, #tpu.memory_space<semaphore_mem>>, %arg21: memref<!tpu.dma_semaphore, #tpu.memory_space<semaphore_mem>>, %arg22: memref<!tpu.dma_semaphore, #tpu.memory_space<semaphore_mem>>, %arg23: memref<!tpu.dma_semaphore, #tpu.memory_space<semaphore_mem>>, %arg24: memref<!tpu.dma_semaphore, #tpu.memory_space<semaphore_mem>>, %arg25: memref<!tpu.dma_semaphore, #tpu.memory_space<semaphore_mem>>, %arg26: memref<!tpu.dma_semaphore, #tpu.memory_space<semaphore_mem>>, %arg27: memref<!tpu.dma_semaphore, #tpu.memory_space<semaphore_mem>>) attributes {dimension_semantics = [#tpu.dimension_semantics<core_parallel>, #tpu.dimension_semantics<subcore_parallel>], iteration_bounds = array<i64: 2, 16>, scalar_prefetch = 0 : i64, scratch_operands = 21 : i64, tpu.core_type = #tpu.core_type<sc_vector_subcore>, window_params = [{transform_indices = #map}, {transform_indices = #map1}, {transform_indices = #map1}, {transform_indices = #map}, {transform_indices = #map1}]} {
    %mul3A = arith.constant 2 : i32
    %mul3A_0 = arith.muli %arg1, %mul3A : i32
    %add3A = arith.addi %mul3A_0, %arg0 : i32
    "tpu.region"() ({
      %run_scoped3A = tpu.sem_alloc : memref<!tpu.dma_semaphore, #tpu.memory_space<semaphore_mem>>
      %dma_start3A_112 = arith.constant 0 : i32
      %dma_start3A_113 = arith.constant 0 : i32
      %dma_start3A_114 = tpu.memref_slice %arg3[%add3A, %dma_start3A_112, %dma_start3A_113] : memref<32x80x128xi32, #tpu.memory_space<hbm>> -> memref<1x80x128xi32, #tpu.memory_space<hbm>>
      %dma_start3A_115 = tpu.memref_squeeze %dma_start3A_114 : memref<1x80x128xi32, #tpu.memory_space<hbm>> -> memref<80x128xi32, #tpu.memory_space<hbm>>
      %dma_start3A_116 = arith.constant 0 : i32
      %dma_start3A_117 = arith.constant 0 : i32
      %dma_start3A_118 = tpu.memref_slice %arg3[%add3A, %dma_start3A_116, %dma_start3A_117] : memref<32x80x128xi32, #tpu.memory_space<hbm>> -> memref<1x80x128xi32, #tpu.memory_space<hbm>>
      %dma_start3A_119 = tpu.memref_squeeze %dma_start3A_118 : memref<1x80x128xi32, #tpu.memory_space<hbm>> -> memref<80x128xi32, #tpu.memory_space<hbm>>
      tpu.enqueue_dma source(%dma_start3A_119 : memref<80x128xi32, #tpu.memory_space<hbm>>) target(%arg7 : memref<80x128xi32, #tpu.memory_space<vmem>>) target_semaphore(%run_scoped3A : memref<!tpu.dma_semaphore, #tpu.memory_space<semaphore_mem>>)
      %dma_wait3A_120 = arith.constant 0 : i32
      %dma_wait3A_121 = arith.constant 0 : i32
      %dma_wait3A_122 = tpu.memref_slice %arg3[%add3A, %dma_wait3A_120, %dma_wait3A_121] : memref<32x80x128xi32, #tpu.memory_space<hbm>> -> memref<1x80x128xi32, #tpu.memory_space<hbm>>
      %dma_wait3A_123 = tpu.memref_squeeze %dma_wait3A_122 : memref<1x80x128xi32, #tpu.memory_space<hbm>> -> memref<80x128xi32, #tpu.memory_space<hbm>>
      %dma_wait3A_124 = arith.constant 0 : i32
      %dma_wait3A_125 = arith.constant 0 : i32
      %dma_wait3A_126 = tpu.memref_slice %arg3[%add3A, %dma_wait3A_124, %dma_wait3A_125] : memref<32x80x128xi32, #tpu.memory_space<hbm>> -> memref<1x80x128xi32, #tpu.memory_space<hbm>>
      %dma_wait3A_127 = tpu.memref_squeeze %dma_wait3A_126 : memref<1x80x128xi32, #tpu.memory_space<hbm>> -> memref<80x128xi32, #tpu.memory_space<hbm>>
      tpu.wait_dma2 semaphore(%run_scoped3A : memref<!tpu.dma_semaphore, #tpu.memory_space<semaphore_mem>>) src(%dma_wait3A_127 : memref<80x128xi32, #tpu.memory_space<hbm>>) dst(%arg7 : memref<80x128xi32, #tpu.memory_space<vmem>>)
      tpu.yield
    }) : () -> ()
    "tpu.region"() ({
      %run_scoped3A = tpu.sem_alloc : memref<!tpu.dma_semaphore, #tpu.memory_space<semaphore_mem>>
      %dma_start3A_112 = arith.constant 0 : i32
      %dma_start3A_113 = arith.constant 0 : i32
      %dma_start3A_114 = tpu.memref_slice %arg4[%add3A, %dma_start3A_112, %dma_start3A_113] : memref<32x80x128xi32, #tpu.memory_space<hbm>> -> memref<1x80x128xi32, #tpu.memory_space<hbm>>
      %dma_start3A_115 = tpu.memref_squeeze %dma_start3A_114 : memref<1x80x128xi32, #tpu.memory_space<hbm>> -> memref<80x128xi32, #tpu.memory_space<hbm>>
      %dma_start3A_116 = arith.constant 0 : i32
      %dma_start3A_117 = arith.constant 0 : i32
      %dma_start3A_118 = tpu.memref_slice %arg4[%add3A, %dma_start3A_116, %dma_start3A_117] : memref<32x80x128xi32, #tpu.memory_space<hbm>> -> memref<1x80x128xi32, #tpu.memory_space<hbm>>
      %dma_start3A_119 = tpu.memref_squeeze %dma_start3A_118 : memref<1x80x128xi32, #tpu.memory_space<hbm>> -> memref<80x128xi32, #tpu.memory_space<hbm>>
      tpu.enqueue_dma source(%dma_start3A_119 : memref<80x128xi32, #tpu.memory_space<hbm>>) target(%arg8 : memref<80x128xi32, #tpu.memory_space<vmem>>) target_semaphore(%run_scoped3A : memref<!tpu.dma_semaphore, #tpu.memory_space<semaphore_mem>>)
      %dma_wait3A_120 = arith.constant 0 : i32
      %dma_wait3A_121 = arith.constant 0 : i32
      %dma_wait3A_122 = tpu.memref_slice %arg4[%add3A, %dma_wait3A_120, %dma_wait3A_121] : memref<32x80x128xi32, #tpu.memory_space<hbm>> -> memref<1x80x128xi32, #tpu.memory_space<hbm>>
      %dma_wait3A_123 = tpu.memref_squeeze %dma_wait3A_122 : memref<1x80x128xi32, #tpu.memory_space<hbm>> -> memref<80x128xi32, #tpu.memory_space<hbm>>
      %dma_wait3A_124 = arith.constant 0 : i32
      %dma_wait3A_125 = arith.constant 0 : i32
      %dma_wait3A_126 = tpu.memref_slice %arg4[%add3A, %dma_wait3A_124, %dma_wait3A_125] : memref<32x80x128xi32, #tpu.memory_space<hbm>> -> memref<1x80x128xi32, #tpu.memory_space<hbm>>
      %dma_wait3A_127 = tpu.memref_squeeze %dma_wait3A_126 : memref<1x80x128xi32, #tpu.memory_space<hbm>> -> memref<80x128xi32, #tpu.memory_space<hbm>>
      tpu.wait_dma2 semaphore(%run_scoped3A : memref<!tpu.dma_semaphore, #tpu.memory_space<semaphore_mem>>) src(%dma_wait3A_127 : memref<80x128xi32, #tpu.memory_space<hbm>>) dst(%arg8 : memref<80x128xi32, #tpu.memory_space<vmem>>)
      tpu.yield
    }) : () -> ()
    %mul3A_1 = arith.constant 640 : i32
    %mul3A_2 = arith.muli %arg1, %mul3A_1 : i32
    %mul3A_3 = arith.constant 640 : i32
    %mul3A_4 = arith.muli %arg1, %mul3A_3 : i32
    "tpu.region"() ({
      %run_scoped3A = tpu.sem_alloc : memref<!tpu.dma_semaphore, #tpu.memory_space<semaphore_mem>>
      %dma_start3A_112 = arith.constant 0 : i32
      %dma_start3A_113 = tpu.memref_slice %arg10[%mul3A_4, %dma_start3A_112] : memref<10240x32xf32, #tpu.memory_space<vmem_shared>> -> memref<640x32xf32, #tpu.memory_space<vmem_shared>>
      %dma_start3A_114 = arith.constant 0 : i32
      %dma_start3A_115 = tpu.memref_slice %arg5[%mul3A_2, %dma_start3A_114] : memref<10240x32xf32, #tpu.memory_space<hbm>> -> memref<640x32xf32, #tpu.memory_space<hbm>>
      tpu.enqueue_dma source(%dma_start3A_115 : memref<640x32xf32, #tpu.memory_space<hbm>>) target(%dma_start3A_113 : memref<640x32xf32, #tpu.memory_space<vmem_shared>>) target_semaphore(%run_scoped3A : memref<!tpu.dma_semaphore, #tpu.memory_space<semaphore_mem>>)
      %dma_wait3A_116 = arith.constant 0 : i32
      %dma_wait3A_117 = tpu.memref_slice %arg10[%mul3A_4, %dma_wait3A_116] : memref<10240x32xf32, #tpu.memory_space<vmem_shared>> -> memref<640x32xf32, #tpu.memory_space<vmem_shared>>
      %dma_wait3A_118 = arith.constant 0 : i32
      %dma_wait3A_119 = tpu.memref_slice %arg5[%mul3A_2, %dma_wait3A_118] : memref<10240x32xf32, #tpu.memory_space<hbm>> -> memref<640x32xf32, #tpu.memory_space<hbm>>
      tpu.wait_dma2 semaphore(%run_scoped3A : memref<!tpu.dma_semaphore, #tpu.memory_space<semaphore_mem>>) src(%dma_wait3A_119 : memref<640x32xf32, #tpu.memory_space<hbm>>) dst(%dma_wait3A_117 : memref<640x32xf32, #tpu.memory_space<vmem_shared>>)
      tpu.yield
    }) : () -> ()
    %mul3A_5 = arith.constant 640 : i32
    %mul3A_6 = arith.muli %arg1, %mul3A_5 : i32
    %mul3A_7 = arith.constant 640 : i32
    %mul3A_8 = arith.muli %arg1, %mul3A_7 : i32
    "tpu.region"() ({
      %run_scoped3A = tpu.sem_alloc : memref<!tpu.dma_semaphore, #tpu.memory_space<semaphore_mem>>
      %dma_start3A_112 = arith.constant 0 : i32
      %dma_start3A_113 = tpu.memref_slice %arg11[%mul3A_8, %dma_start3A_112] : memref<10240x32xf32, #tpu.memory_space<vmem_shared>> -> memref<640x32xf32, #tpu.memory_space<vmem_shared>>
      %dma_start3A_114 = arith.constant 0 : i32
      %dma_start3A_115 = tpu.memref_slice %arg2[%mul3A_6, %dma_start3A_114] : memref<10240x32xf32, #tpu.memory_space<hbm>> -> memref<640x32xf32, #tpu.memory_space<hbm>>
      tpu.enqueue_dma source(%dma_start3A_115 : memref<640x32xf32, #tpu.memory_space<hbm>>) target(%dma_start3A_113 : memref<640x32xf32, #tpu.memory_space<vmem_shared>>) target_semaphore(%run_scoped3A : memref<!tpu.dma_semaphore, #tpu.memory_space<semaphore_mem>>)
      %dma_wait3A_116 = arith.constant 0 : i32
      %dma_wait3A_117 = tpu.memref_slice %arg11[%mul3A_8, %dma_wait3A_116] : memref<10240x32xf32, #tpu.memory_space<vmem_shared>> -> memref<640x32xf32, #tpu.memory_space<vmem_shared>>
      %dma_wait3A_118 = arith.constant 0 : i32
      %dma_wait3A_119 = tpu.memref_slice %arg2[%mul3A_6, %dma_wait3A_118] : memref<10240x32xf32, #tpu.memory_space<hbm>> -> memref<640x32xf32, #tpu.memory_space<hbm>>
      tpu.wait_dma2 semaphore(%run_scoped3A : memref<!tpu.dma_semaphore, #tpu.memory_space<semaphore_mem>>) src(%dma_wait3A_119 : memref<640x32xf32, #tpu.memory_space<hbm>>) dst(%dma_wait3A_117 : memref<640x32xf32, #tpu.memory_space<vmem_shared>>)
      tpu.yield
    }) : () -> ()
    %barrier3A = arith.constant 0 : index
    tpu.barrier barrier_id(%barrier3A)
    %dma_start3A = arith.constant 0 : i32
    %dma_start3A_9 = arith.constant 0 : i32
    %dma_start3A_10 = arith.constant 0 : i32
    %dma_start3A_11 = arith.constant 0 : i32
    %dma_start3A_12 = tpu.memref_slice %arg9[%dma_start3A_9, %dma_start3A_10, %dma_start3A_11] : memref<8x128x32xf32, #tpu.memory_space<vmem>> -> memref<1x128x32xf32, #tpu.memory_space<vmem>>
    %dma_start3A_13 = tpu.memref_squeeze %dma_start3A_12 : memref<1x128x32xf32, #tpu.memory_space<vmem>> -> memref<128x32xf32, #tpu.memory_space<vmem>>
    %dma_start3A_14 = arith.constant 0 : i32
    %dma_start3A_15 = tpu.memref_slice %arg7[%dma_start3A, %dma_start3A_14] : memref<80x128xi32, #tpu.memory_space<vmem>> -> memref<1x128xi32, #tpu.memory_space<vmem>>
    %dma_start3A_16 = tpu.memref_squeeze %dma_start3A_15 : memref<1x128xi32, #tpu.memory_space<vmem>> -> memref<128xi32, #tpu.memory_space<vmem>>
    %dma_start3A_17 = arith.constant 0 : i32
    %dma_start3A_18 = arith.constant 0 : i32
    %dma_start3A_19 = tpu.memref_slice %arg11[%dma_start3A_17, %dma_start3A_18] : memref<10240x32xf32, #tpu.memory_space<vmem_shared>> -> memref<10240x32xf32, #tpu.memory_space<vmem_shared>>
    tpu.enqueue_indirect_dma source(%dma_start3A_19 : memref<10240x32xf32, #tpu.memory_space<vmem_shared>>) target(%dma_start3A_13 : memref<128x32xf32, #tpu.memory_space<vmem>>) offsets(%dma_start3A_16 : memref<128xi32, #tpu.memory_space<vmem>>) semaphore(%arg12 : memref<!tpu.dma_semaphore, #tpu.memory_space<semaphore_mem>>)
    %dma_start3A_20 = arith.constant 1 : i32
    %dma_start3A_21 = arith.constant 1 : i32
    %dma_start3A_22 = arith.constant 0 : i32
    %dma_start3A_23 = arith.constant 0 : i32
    %dma_start3A_24 = tpu.memref_slice %arg9[%dma_start3A_21, %dma_start3A_22, %dma_start3A_23] : memref<8x128x32xf32, #tpu.memory_space<vmem>> -> memref<1x128x32xf32, #tpu.memory_space<vmem>>
    %dma_start3A_25 = tpu.memref_squeeze %dma_start3A_24 : memref<1x128x32xf32, #tpu.memory_space<vmem>> -> memref<128x32xf32, #tpu.memory_space<vmem>>
    %dma_start3A_26 = arith.constant 0 : i32
    %dma_start3A_27 = tpu.memref_slice %arg7[%dma_start3A_20, %dma_start3A_26] : memref<80x128xi32, #tpu.memory_space<vmem>> -> memref<1x128xi32, #tpu.memory_space<vmem>>
    %dma_start3A_28 = tpu.memref_squeeze %dma_start3A_27 : memref<1x128xi32, #tpu.memory_space<vmem>> -> memref<128xi32, #tpu.memory_space<vmem>>
    %dma_start3A_29 = arith.constant 0 : i32
    %dma_start3A_30 = arith.constant 0 : i32
    %dma_start3A_31 = tpu.memref_slice %arg11[%dma_start3A_29, %dma_start3A_30] : memref<10240x32xf32, #tpu.memory_space<vmem_shared>> -> memref<10240x32xf32, #tpu.memory_space<vmem_shared>>
    tpu.enqueue_indirect_dma source(%dma_start3A_31 : memref<10240x32xf32, #tpu.memory_space<vmem_shared>>) target(%dma_start3A_25 : memref<128x32xf32, #tpu.memory_space<vmem>>) offsets(%dma_start3A_28 : memref<128xi32, #tpu.memory_space<vmem>>) semaphore(%arg13 : memref<!tpu.dma_semaphore, #tpu.memory_space<semaphore_mem>>)
    %dma_start3A_32 = arith.constant 2 : i32
    %dma_start3A_33 = arith.constant 2 : i32
    %dma_start3A_34 = arith.constant 0 : i32
    %dma_start3A_35 = arith.constant 0 : i32
    %dma_start3A_36 = tpu.memref_slice %arg9[%dma_start3A_33, %dma_start3A_34, %dma_start3A_35] : memref<8x128x32xf32, #tpu.memory_space<vmem>> -> memref<1x128x32xf32, #tpu.memory_space<vmem>>
    %dma_start3A_37 = tpu.memref_squeeze %dma_start3A_36 : memref<1x128x32xf32, #tpu.memory_space<vmem>> -> memref<128x32xf32, #tpu.memory_space<vmem>>
    %dma_start3A_38 = arith.constant 0 : i32
    %dma_start3A_39 = tpu.memref_slice %arg7[%dma_start3A_32, %dma_start3A_38] : memref<80x128xi32, #tpu.memory_space<vmem>> -> memref<1x128xi32, #tpu.memory_space<vmem>>
    %dma_start3A_40 = tpu.memref_squeeze %dma_start3A_39 : memref<1x128xi32, #tpu.memory_space<vmem>> -> memref<128xi32, #tpu.memory_space<vmem>>
    %dma_start3A_41 = arith.constant 0 : i32
    %dma_start3A_42 = arith.constant 0 : i32
    %dma_start3A_43 = tpu.memref_slice %arg11[%dma_start3A_41, %dma_start3A_42] : memref<10240x32xf32, #tpu.memory_space<vmem_shared>> -> memref<10240x32xf32, #tpu.memory_space<vmem_shared>>
    tpu.enqueue_indirect_dma source(%dma_start3A_43 : memref<10240x32xf32, #tpu.memory_space<vmem_shared>>) target(%dma_start3A_37 : memref<128x32xf32, #tpu.memory_space<vmem>>) offsets(%dma_start3A_40 : memref<128xi32, #tpu.memory_space<vmem>>) semaphore(%arg14 : memref<!tpu.dma_semaphore, #tpu.memory_space<semaphore_mem>>)
    %dma_start3A_44 = arith.constant 3 : i32
    %dma_start3A_45 = arith.constant 3 : i32
    %dma_start3A_46 = arith.constant 0 : i32
    %dma_start3A_47 = arith.constant 0 : i32
    %dma_start3A_48 = tpu.memref_slice %arg9[%dma_start3A_45, %dma_start3A_46, %dma_start3A_47] : memref<8x128x32xf32, #tpu.memory_space<vmem>> -> memref<1x128x32xf32, #tpu.memory_space<vmem>>
    %dma_start3A_49 = tpu.memref_squeeze %dma_start3A_48 : memref<1x128x32xf32, #tpu.memory_space<vmem>> -> memref<128x32xf32, #tpu.memory_space<vmem>>
    %dma_start3A_50 = arith.constant 0 : i32
    %dma_start3A_51 = tpu.memref_slice %arg7[%dma_start3A_44, %dma_start3A_50] : memref<80x128xi32, #tpu.memory_space<vmem>> -> memref<1x128xi32, #tpu.memory_space<vmem>>
    %dma_start3A_52 = tpu.memref_squeeze %dma_start3A_51 : memref<1x128xi32, #tpu.memory_space<vmem>> -> memref<128xi32, #tpu.memory_space<vmem>>
    %dma_start3A_53 = arith.constant 0 : i32
    %dma_start3A_54 = arith.constant 0 : i32
    %dma_start3A_55 = tpu.memref_slice %arg11[%dma_start3A_53, %dma_start3A_54] : memref<10240x32xf32, #tpu.memory_space<vmem_shared>> -> memref<10240x32xf32, #tpu.memory_space<vmem_shared>>
    tpu.enqueue_indirect_dma source(%dma_start3A_55 : memref<10240x32xf32, #tpu.memory_space<vmem_shared>>) target(%dma_start3A_49 : memref<128x32xf32, #tpu.memory_space<vmem>>) offsets(%dma_start3A_52 : memref<128xi32, #tpu.memory_space<vmem>>) semaphore(%arg15 : memref<!tpu.dma_semaphore, #tpu.memory_space<semaphore_mem>>)
    %scan3A = arith.constant 0 : i32
    %scan3A_56 = arith.constant 10 : i32
    %scan3A_57 = arith.addi %scan3A, %scan3A_56 : i32
    %scan3A_58 = arith.constant 1 : i32
    scf.for %scan3A_112 = %scan3A to %scan3A_57 step %scan3A_58  : i32 {
      %mul3A_113 = arith.constant 8 : i32
      %mul3A_114 = arith.muli %scan3A_112, %mul3A_113 : i32
      %add3A_115 = arith.constant 0 : i32
      %add3A_116 = arith.addi %add3A_115, %mul3A_114 : i32
      %add3A_117 = arith.constant 0 : i32
      %add3A_118 = arith.addi %add3A_116, %add3A_117 : i32
      %dma_wait3A_119 = arith.constant 0 : i32
      %dma_wait3A_120 = arith.constant 0 : i32
      %dma_wait3A_121 = arith.constant 0 : i32
      %dma_wait3A_122 = tpu.memref_slice %arg9[%dma_wait3A_119, %dma_wait3A_120, %dma_wait3A_121] : memref<8x128x32xf32, #tpu.memory_space<vmem>> -> memref<1x128x32xf32, #tpu.memory_space<vmem>>
      %dma_wait3A_123 = tpu.memref_squeeze %dma_wait3A_122 : memref<1x128x32xf32, #tpu.memory_space<vmem>> -> memref<128x32xf32, #tpu.memory_space<vmem>>
      %dma_wait3A_124 = arith.constant 0 : i32
      %dma_wait3A_125 = tpu.memref_slice %arg7[%add3A_118, %dma_wait3A_124] : memref<80x128xi32, #tpu.memory_space<vmem>> -> memref<1x128xi32, #tpu.memory_space<vmem>>
      %dma_wait3A_126 = tpu.memref_squeeze %dma_wait3A_125 : memref<1x128xi32, #tpu.memory_space<vmem>> -> memref<128xi32, #tpu.memory_space<vmem>>
      %dma_wait3A_127 = arith.constant 0 : i32
      %dma_wait3A_128 = arith.constant 0 : i32
      %dma_wait3A_129 = tpu.memref_slice %arg11[%dma_wait3A_127, %dma_wait3A_128] : memref<10240x32xf32, #tpu.memory_space<vmem_shared>> -> memref<10240x32xf32, #tpu.memory_space<vmem_shared>>
      tpu.wait_indirect_dma semaphore(%arg12 : memref<!tpu.dma_semaphore, #tpu.memory_space<semaphore_mem>>) src(%dma_wait3A_129 : memref<10240x32xf32, #tpu.memory_space<vmem_shared>>) dst(%dma_wait3A_123 : memref<128x32xf32, #tpu.memory_space<vmem>>)
      %dma_start3A_130 = arith.constant 0 : i32
      %dma_start3A_131 = arith.constant 0 : i32
      %dma_start3A_132 = arith.constant 0 : i32
      %dma_start3A_133 = tpu.memref_slice %arg9[%dma_start3A_130, %dma_start3A_131, %dma_start3A_132] : memref<8x128x32xf32, #tpu.memory_space<vmem>> -> memref<1x128x32xf32, #tpu.memory_space<vmem>>
      %dma_start3A_134 = tpu.memref_squeeze %dma_start3A_133 : memref<1x128x32xf32, #tpu.memory_space<vmem>> -> memref<128x32xf32, #tpu.memory_space<vmem>>
      %dma_start3A_135 = arith.constant 0 : i32
      %dma_start3A_136 = tpu.memref_slice %arg8[%add3A_118, %dma_start3A_135] : memref<80x128xi32, #tpu.memory_space<vmem>> -> memref<1x128xi32, #tpu.memory_space<vmem>>
      %dma_start3A_137 = tpu.memref_squeeze %dma_start3A_136 : memref<1x128xi32, #tpu.memory_space<vmem>> -> memref<128xi32, #tpu.memory_space<vmem>>
      %dma_start3A_138 = arith.constant 0 : i32
      %dma_start3A_139 = arith.constant 0 : i32
      %dma_start3A_140 = tpu.memref_slice %arg10[%dma_start3A_138, %dma_start3A_139] : memref<10240x32xf32, #tpu.memory_space<vmem_shared>> -> memref<10240x32xf32, #tpu.memory_space<vmem_shared>>
      tpu.enqueue_indirect_dma source(%dma_start3A_134 : memref<128x32xf32, #tpu.memory_space<vmem>>) target(%dma_start3A_140 : memref<10240x32xf32, #tpu.memory_space<vmem_shared>>) offsets(%dma_start3A_137 : memref<128xi32, #tpu.memory_space<vmem>>) semaphore(%arg20 : memref<!tpu.dma_semaphore, #tpu.memory_space<semaphore_mem>>) {add = true}
      %ge3A = arith.constant 4 : i32
      %ge3A_141 = arith.cmpi sge, %add3A_118, %ge3A : i32
      %convert_element_type3A = arith.extui %ge3A_141 : i1 to i32
      %cond3A = arith.constant 0 : i32
      %cond3A_142 = arith.cmpi ne, %convert_element_type3A, %cond3A : i32
      scf.if %cond3A_142 {
        %sub3A = arith.constant 4 : i32
        %sub3A_401 = arith.subi %add3A_118, %sub3A : i32
        %dma_wait3A_402 = arith.constant 4 : i32
        %dma_wait3A_403 = arith.constant 0 : i32
        %dma_wait3A_404 = arith.constant 0 : i32
        %dma_wait3A_405 = tpu.memref_slice %arg9[%dma_wait3A_402, %dma_wait3A_403, %dma_wait3A_404] : memref<8x128x32xf32, #tpu.memory_space<vmem>> -> memref<1x128x32xf32, #tpu.memory_space<vmem>>
        %dma_wait3A_406 = tpu.memref_squeeze %dma_wait3A_405 : memref<1x128x32xf32, #tpu.memory_space<vmem>> -> memref<128x32xf32, #tpu.memory_space<vmem>>
        %dma_wait3A_407 = arith.constant 0 : i32
        %dma_wait3A_408 = tpu.memref_slice %arg8[%sub3A_401, %dma_wait3A_407] : memref<80x128xi32, #tpu.memory_space<vmem>> -> memref<1x128xi32, #tpu.memory_space<vmem>>
        %dma_wait3A_409 = tpu.memref_squeeze %dma_wait3A_408 : memref<1x128xi32, #tpu.memory_space<vmem>> -> memref<128xi32, #tpu.memory_space<vmem>>
        %dma_wait3A_410 = arith.constant 0 : i32
        %dma_wait3A_411 = arith.constant 0 : i32
        %dma_wait3A_412 = tpu.memref_slice %arg10[%dma_wait3A_410, %dma_wait3A_411] : memref<10240x32xf32, #tpu.memory_space<vmem_shared>> -> memref<10240x32xf32, #tpu.memory_space<vmem_shared>>
        tpu.wait_indirect_dma semaphore(%arg24 : memref<!tpu.dma_semaphore, #tpu.memory_space<semaphore_mem>>) src(%dma_wait3A_406 : memref<128x32xf32, #tpu.memory_space<vmem>>) dst(%dma_wait3A_412 : memref<10240x32xf32, #tpu.memory_space<vmem_shared>>)
      } else {
      }
      %add3A_143 = arith.constant 4 : i32
      %add3A_144 = arith.addi %add3A_118, %add3A_143 : i32
      %lt3A = arith.constant 80 : i32
      %lt3A_145 = arith.cmpi slt, %add3A_144, %lt3A : i32
      %convert_element_type3A_146 = arith.extui %lt3A_145 : i1 to i32
      %cond3A_147 = arith.constant 0 : i32
      %cond3A_148 = arith.cmpi ne, %convert_element_type3A_146, %cond3A_147 : i32
      scf.if %cond3A_148 {
        %add3A_401 = arith.constant 4 : i32
        %add3A_402 = arith.addi %add3A_118, %add3A_401 : i32
        %dma_start3A_403 = arith.constant 4 : i32
        %dma_start3A_404 = arith.constant 0 : i32
        %dma_start3A_405 = arith.constant 0 : i32
        %dma_start3A_406 = tpu.memref_slice %arg9[%dma_start3A_403, %dma_start3A_404, %dma_start3A_405] : memref<8x128x32xf32, #tpu.memory_space<vmem>> -> memref<1x128x32xf32, #tpu.memory_space<vmem>>
        %dma_start3A_407 = tpu.memref_squeeze %dma_start3A_406 : memref<1x128x32xf32, #tpu.memory_space<vmem>> -> memref<128x32xf32, #tpu.memory_space<vmem>>
        %dma_start3A_408 = arith.constant 0 : i32
        %dma_start3A_409 = tpu.memref_slice %arg7[%add3A_402, %dma_start3A_408] : memref<80x128xi32, #tpu.memory_space<vmem>> -> memref<1x128xi32, #tpu.memory_space<vmem>>
        %dma_start3A_410 = tpu.memref_squeeze %dma_start3A_409 : memref<1x128xi32, #tpu.memory_space<vmem>> -> memref<128xi32, #tpu.memory_space<vmem>>
        %dma_start3A_411 = arith.constant 0 : i32
        %dma_start3A_412 = arith.constant 0 : i32
        %dma_start3A_413 = tpu.memref_slice %arg11[%dma_start3A_411, %dma_start3A_412] : memref<10240x32xf32, #tpu.memory_space<vmem_shared>> -> memref<10240x32xf32, #tpu.memory_space<vmem_shared>>
        tpu.enqueue_indirect_dma source(%dma_start3A_413 : memref<10240x32xf32, #tpu.memory_space<vmem_shared>>) target(%dma_start3A_407 : memref<128x32xf32, #tpu.memory_space<vmem>>) offsets(%dma_start3A_410 : memref<128xi32, #tpu.memory_space<vmem>>) semaphore(%arg16 : memref<!tpu.dma_semaphore, #tpu.memory_space<semaphore_mem>>)
      } else {
      }
      %add3A_149 = arith.constant 1 : i32
      %add3A_150 = arith.addi %add3A_116, %add3A_149 : i32
      %dma_wait3A_151 = arith.constant 1 : i32
      %dma_wait3A_152 = arith.constant 0 : i32
      %dma_wait3A_153 = arith.constant 0 : i32
      %dma_wait3A_154 = tpu.memref_slice %arg9[%dma_wait3A_151, %dma_wait3A_152, %dma_wait3A_153] : memref<8x128x32xf32, #tpu.memory_space<vmem>> -> memref<1x128x32xf32, #tpu.memory_space<vmem>>
      %dma_wait3A_155 = tpu.memref_squeeze %dma_wait3A_154 : memref<1x128x32xf32, #tpu.memory_space<vmem>> -> memref<128x32xf32, #tpu.memory_space<vmem>>
      %dma_wait3A_156 = arith.constant 0 : i32
      %dma_wait3A_157 = tpu.memref_slice %arg7[%add3A_150, %dma_wait3A_156] : memref<80x128xi32, #tpu.memory_space<vmem>> -> memref<1x128xi32, #tpu.memory_space<vmem>>
      %dma_wait3A_158 = tpu.memref_squeeze %dma_wait3A_157 : memref<1x128xi32, #tpu.memory_space<vmem>> -> memref<128xi32, #tpu.memory_space<vmem>>
      %dma_wait3A_159 = arith.constant 0 : i32
      %dma_wait3A_160 = arith.constant 0 : i32
      %dma_wait3A_161 = tpu.memref_slice %arg11[%dma_wait3A_159, %dma_wait3A_160] : memref<10240x32xf32, #tpu.memory_space<vmem_shared>> -> memref<10240x32xf32, #tpu.memory_space<vmem_shared>>
      tpu.wait_indirect_dma semaphore(%arg13 : memref<!tpu.dma_semaphore, #tpu.memory_space<semaphore_mem>>) src(%dma_wait3A_161 : memref<10240x32xf32, #tpu.memory_space<vmem_shared>>) dst(%dma_wait3A_155 : memref<128x32xf32, #tpu.memory_space<vmem>>)
      %dma_start3A_162 = arith.constant 1 : i32
      %dma_start3A_163 = arith.constant 0 : i32
      %dma_start3A_164 = arith.constant 0 : i32
      %dma_start3A_165 = tpu.memref_slice %arg9[%dma_start3A_162, %dma_start3A_163, %dma_start3A_164] : memref<8x128x32xf32, #tpu.memory_space<vmem>> -> memref<1x128x32xf32, #tpu.memory_space<vmem>>
      %dma_start3A_166 = tpu.memref_squeeze %dma_start3A_165 : memref<1x128x32xf32, #tpu.memory_space<vmem>> -> memref<128x32xf32, #tpu.memory_space<vmem>>
      %dma_start3A_167 = arith.constant 0 : i32
      %dma_start3A_168 = tpu.memref_slice %arg8[%add3A_150, %dma_start3A_167] : memref<80x128xi32, #tpu.memory_space<vmem>> -> memref<1x128xi32, #tpu.memory_space<vmem>>
      %dma_start3A_169 = tpu.memref_squeeze %dma_start3A_168 : memref<1x128xi32, #tpu.memory_space<vmem>> -> memref<128xi32, #tpu.memory_space<vmem>>
      %dma_start3A_170 = arith.constant 0 : i32
      %dma_start3A_171 = arith.constant 0 : i32
      %dma_start3A_172 = tpu.memref_slice %arg10[%dma_start3A_170, %dma_start3A_171] : memref<10240x32xf32, #tpu.memory_space<vmem_shared>> -> memref<10240x32xf32, #tpu.memory_space<vmem_shared>>
      tpu.enqueue_indirect_dma source(%dma_start3A_166 : memref<128x32xf32, #tpu.memory_space<vmem>>) target(%dma_start3A_172 : memref<10240x32xf32, #tpu.memory_space<vmem_shared>>) offsets(%dma_start3A_169 : memref<128xi32, #tpu.memory_space<vmem>>) semaphore(%arg21 : memref<!tpu.dma_semaphore, #tpu.memory_space<semaphore_mem>>) {add = true}
      %ge3A_173 = arith.constant 4 : i32
      %ge3A_174 = arith.cmpi sge, %add3A_150, %ge3A_173 : i32
      %convert_element_type3A_175 = arith.extui %ge3A_174 : i1 to i32
      %cond3A_176 = arith.constant 0 : i32
      %cond3A_177 = arith.cmpi ne, %convert_element_type3A_175, %cond3A_176 : i32
      scf.if %cond3A_177 {
        %sub3A = arith.constant 4 : i32
        %sub3A_401 = arith.subi %add3A_150, %sub3A : i32
        %dma_wait3A_402 = arith.constant 5 : i32
        %dma_wait3A_403 = arith.constant 0 : i32
        %dma_wait3A_404 = arith.constant 0 : i32
        %dma_wait3A_405 = tpu.memref_slice %arg9[%dma_wait3A_402, %dma_wait3A_403, %dma_wait3A_404] : memref<8x128x32xf32, #tpu.memory_space<vmem>> -> memref<1x128x32xf32, #tpu.memory_space<vmem>>
        %dma_wait3A_406 = tpu.memref_squeeze %dma_wait3A_405 : memref<1x128x32xf32, #tpu.memory_space<vmem>> -> memref<128x32xf32, #tpu.memory_space<vmem>>
        %dma_wait3A_407 = arith.constant 0 : i32
        %dma_wait3A_408 = tpu.memref_slice %arg8[%sub3A_401, %dma_wait3A_407] : memref<80x128xi32, #tpu.memory_space<vmem>> -> memref<1x128xi32, #tpu.memory_space<vmem>>
        %dma_wait3A_409 = tpu.memref_squeeze %dma_wait3A_408 : memref<1x128xi32, #tpu.memory_space<vmem>> -> memref<128xi32, #tpu.memory_space<vmem>>
        %dma_wait3A_410 = arith.constant 0 : i32
        %dma_wait3A_411 = arith.constant 0 : i32
        %dma_wait3A_412 = tpu.memref_slice %arg10[%dma_wait3A_410, %dma_wait3A_411] : memref<10240x32xf32, #tpu.memory_space<vmem_shared>> -> memref<10240x32xf32, #tpu.memory_space<vmem_shared>>
        tpu.wait_indirect_dma semaphore(%arg25 : memref<!tpu.dma_semaphore, #tpu.memory_space<semaphore_mem>>) src(%dma_wait3A_406 : memref<128x32xf32, #tpu.memory_space<vmem>>) dst(%dma_wait3A_412 : memref<10240x32xf32, #tpu.memory_space<vmem_shared>>)
      } else {
      }
      %add3A_178 = arith.constant 4 : i32
      %add3A_179 = arith.addi %add3A_150, %add3A_178 : i32
      %lt3A_180 = arith.constant 80 : i32
      %lt3A_181 = arith.cmpi slt, %add3A_179, %lt3A_180 : i32
      %convert_element_type3A_182 = arith.extui %lt3A_181 : i1 to i32
      %cond3A_183 = arith.constant 0 : i32
      %cond3A_184 = arith.cmpi ne, %convert_element_type3A_182, %cond3A_183 : i32
      scf.if %cond3A_184 {
        %add3A_401 = arith.constant 4 : i32
        %add3A_402 = arith.addi %add3A_150, %add3A_401 : i32
        %dma_start3A_403 = arith.constant 5 : i32
        %dma_start3A_404 = arith.constant 0 : i32
        %dma_start3A_405 = arith.constant 0 : i32
        %dma_start3A_406 = tpu.memref_slice %arg9[%dma_start3A_403, %dma_start3A_404, %dma_start3A_405] : memref<8x128x32xf32, #tpu.memory_space<vmem>> -> memref<1x128x32xf32, #tpu.memory_space<vmem>>
        %dma_start3A_407 = tpu.memref_squeeze %dma_start3A_406 : memref<1x128x32xf32, #tpu.memory_space<vmem>> -> memref<128x32xf32, #tpu.memory_space<vmem>>
        %dma_start3A_408 = arith.constant 0 : i32
        %dma_start3A_409 = tpu.memref_slice %arg7[%add3A_402, %dma_start3A_408] : memref<80x128xi32, #tpu.memory_space<vmem>> -> memref<1x128xi32, #tpu.memory_space<vmem>>
        %dma_start3A_410 = tpu.memref_squeeze %dma_start3A_409 : memref<1x128xi32, #tpu.memory_space<vmem>> -> memref<128xi32, #tpu.memory_space<vmem>>
        %dma_start3A_411 = arith.constant 0 : i32
        %dma_start3A_412 = arith.constant 0 : i32
        %dma_start3A_413 = tpu.memref_slice %arg11[%dma_start3A_411, %dma_start3A_412] : memref<10240x32xf32, #tpu.memory_space<vmem_shared>> -> memref<10240x32xf32, #tpu.memory_space<vmem_shared>>
        tpu.enqueue_indirect_dma source(%dma_start3A_413 : memref<10240x32xf32, #tpu.memory_space<vmem_shared>>) target(%dma_start3A_407 : memref<128x32xf32, #tpu.memory_space<vmem>>) offsets(%dma_start3A_410 : memref<128xi32, #tpu.memory_space<vmem>>) semaphore(%arg17 : memref<!tpu.dma_semaphore, #tpu.memory_space<semaphore_mem>>)
      } else {
      }
      %add3A_185 = arith.constant 2 : i32
      %add3A_186 = arith.addi %add3A_116, %add3A_185 : i32
      %dma_wait3A_187 = arith.constant 2 : i32
      %dma_wait3A_188 = arith.constant 0 : i32
      %dma_wait3A_189 = arith.constant 0 : i32
      %dma_wait3A_190 = tpu.memref_slice %arg9[%dma_wait3A_187, %dma_wait3A_188, %dma_wait3A_189] : memref<8x128x32xf32, #tpu.memory_space<vmem>> -> memref<1x128x32xf32, #tpu.memory_space<vmem>>
      %dma_wait3A_191 = tpu.memref_squeeze %dma_wait3A_190 : memref<1x128x32xf32, #tpu.memory_space<vmem>> -> memref<128x32xf32, #tpu.memory_space<vmem>>
      %dma_wait3A_192 = arith.constant 0 : i32
      %dma_wait3A_193 = tpu.memref_slice %arg7[%add3A_186, %dma_wait3A_192] : memref<80x128xi32, #tpu.memory_space<vmem>> -> memref<1x128xi32, #tpu.memory_space<vmem>>
      %dma_wait3A_194 = tpu.memref_squeeze %dma_wait3A_193 : memref<1x128xi32, #tpu.memory_space<vmem>> -> memref<128xi32, #tpu.memory_space<vmem>>
      %dma_wait3A_195 = arith.constant 0 : i32
      %dma_wait3A_196 = arith.constant 0 : i32
      %dma_wait3A_197 = tpu.memref_slice %arg11[%dma_wait3A_195, %dma_wait3A_196] : memref<10240x32xf32, #tpu.memory_space<vmem_shared>> -> memref<10240x32xf32, #tpu.memory_space<vmem_shared>>
      tpu.wait_indirect_dma semaphore(%arg14 : memref<!tpu.dma_semaphore, #tpu.memory_space<semaphore_mem>>) src(%dma_wait3A_197 : memref<10240x32xf32, #tpu.memory_space<vmem_shared>>) dst(%dma_wait3A_191 : memref<128x32xf32, #tpu.memory_space<vmem>>)
      %dma_start3A_198 = arith.constant 2 : i32
      %dma_start3A_199 = arith.constant 0 : i32
      %dma_start3A_200 = arith.constant 0 : i32
      %dma_start3A_201 = tpu.memref_slice %arg9[%dma_start3A_198, %dma_start3A_199, %dma_start3A_200] : memref<8x128x32xf32, #tpu.memory_space<vmem>> -> memref<1x128x32xf32, #tpu.memory_space<vmem>>
      %dma_start3A_202 = tpu.memref_squeeze %dma_start3A_201 : memref<1x128x32xf32, #tpu.memory_space<vmem>> -> memref<128x32xf32, #tpu.memory_space<vmem>>
      %dma_start3A_203 = arith.constant 0 : i32
      %dma_start3A_204 = tpu.memref_slice %arg8[%add3A_186, %dma_start3A_203] : memref<80x128xi32, #tpu.memory_space<vmem>> -> memref<1x128xi32, #tpu.memory_space<vmem>>
      %dma_start3A_205 = tpu.memref_squeeze %dma_start3A_204 : memref<1x128xi32, #tpu.memory_space<vmem>> -> memref<128xi32, #tpu.memory_space<vmem>>
      %dma_start3A_206 = arith.constant 0 : i32
      %dma_start3A_207 = arith.constant 0 : i32
      %dma_start3A_208 = tpu.memref_slice %arg10[%dma_start3A_206, %dma_start3A_207] : memref<10240x32xf32, #tpu.memory_space<vmem_shared>> -> memref<10240x32xf32, #tpu.memory_space<vmem_shared>>
      tpu.enqueue_indirect_dma source(%dma_start3A_202 : memref<128x32xf32, #tpu.memory_space<vmem>>) target(%dma_start3A_208 : memref<10240x32xf32, #tpu.memory_space<vmem_shared>>) offsets(%dma_start3A_205 : memref<128xi32, #tpu.memory_space<vmem>>) semaphore(%arg22 : memref<!tpu.dma_semaphore, #tpu.memory_space<semaphore_mem>>) {add = true}
      %ge3A_209 = arith.constant 4 : i32
      %ge3A_210 = arith.cmpi sge, %add3A_186, %ge3A_209 : i32
      %convert_element_type3A_211 = arith.extui %ge3A_210 : i1 to i32
      %cond3A_212 = arith.constant 0 : i32
      %cond3A_213 = arith.cmpi ne, %convert_element_type3A_211, %cond3A_212 : i32
      scf.if %cond3A_213 {
        %sub3A = arith.constant 4 : i32
        %sub3A_401 = arith.subi %add3A_186, %sub3A : i32
        %dma_wait3A_402 = arith.constant 6 : i32
        %dma_wait3A_403 = arith.constant 0 : i32
        %dma_wait3A_404 = arith.constant 0 : i32
        %dma_wait3A_405 = tpu.memref_slice %arg9[%dma_wait3A_402, %dma_wait3A_403, %dma_wait3A_404] : memref<8x128x32xf32, #tpu.memory_space<vmem>> -> memref<1x128x32xf32, #tpu.memory_space<vmem>>
        %dma_wait3A_406 = tpu.memref_squeeze %dma_wait3A_405 : memref<1x128x32xf32, #tpu.memory_space<vmem>> -> memref<128x32xf32, #tpu.memory_space<vmem>>
        %dma_wait3A_407 = arith.constant 0 : i32
        %dma_wait3A_408 = tpu.memref_slice %arg8[%sub3A_401, %dma_wait3A_407] : memref<80x128xi32, #tpu.memory_space<vmem>> -> memref<1x128xi32, #tpu.memory_space<vmem>>
        %dma_wait3A_409 = tpu.memref_squeeze %dma_wait3A_408 : memref<1x128xi32, #tpu.memory_space<vmem>> -> memref<128xi32, #tpu.memory_space<vmem>>
        %dma_wait3A_410 = arith.constant 0 : i32
        %dma_wait3A_411 = arith.constant 0 : i32
        %dma_wait3A_412 = tpu.memref_slice %arg10[%dma_wait3A_410, %dma_wait3A_411] : memref<10240x32xf32, #tpu.memory_space<vmem_shared>> -> memref<10240x32xf32, #tpu.memory_space<vmem_shared>>
        tpu.wait_indirect_dma semaphore(%arg26 : memref<!tpu.dma_semaphore, #tpu.memory_space<semaphore_mem>>) src(%dma_wait3A_406 : memref<128x32xf32, #tpu.memory_space<vmem>>) dst(%dma_wait3A_412 : memref<10240x32xf32, #tpu.memory_space<vmem_shared>>)
      } else {
      }
      %add3A_214 = arith.constant 4 : i32
      %add3A_215 = arith.addi %add3A_186, %add3A_214 : i32
      %lt3A_216 = arith.constant 80 : i32
      %lt3A_217 = arith.cmpi slt, %add3A_215, %lt3A_216 : i32
      %convert_element_type3A_218 = arith.extui %lt3A_217 : i1 to i32
      %cond3A_219 = arith.constant 0 : i32
      %cond3A_220 = arith.cmpi ne, %convert_element_type3A_218, %cond3A_219 : i32
      scf.if %cond3A_220 {
        %add3A_401 = arith.constant 4 : i32
        %add3A_402 = arith.addi %add3A_186, %add3A_401 : i32
        %dma_start3A_403 = arith.constant 6 : i32
        %dma_start3A_404 = arith.constant 0 : i32
        %dma_start3A_405 = arith.constant 0 : i32
        %dma_start3A_406 = tpu.memref_slice %arg9[%dma_start3A_403, %dma_start3A_404, %dma_start3A_405] : memref<8x128x32xf32, #tpu.memory_space<vmem>> -> memref<1x128x32xf32, #tpu.memory_space<vmem>>
        %dma_start3A_407 = tpu.memref_squeeze %dma_start3A_406 : memref<1x128x32xf32, #tpu.memory_space<vmem>> -> memref<128x32xf32, #tpu.memory_space<vmem>>
        %dma_start3A_408 = arith.constant 0 : i32
        %dma_start3A_409 = tpu.memref_slice %arg7[%add3A_402, %dma_start3A_408] : memref<80x128xi32, #tpu.memory_space<vmem>> -> memref<1x128xi32, #tpu.memory_space<vmem>>
        %dma_start3A_410 = tpu.memref_squeeze %dma_start3A_409 : memref<1x128xi32, #tpu.memory_space<vmem>> -> memref<128xi32, #tpu.memory_space<vmem>>
        %dma_start3A_411 = arith.constant 0 : i32
        %dma_start3A_412 = arith.constant 0 : i32
        %dma_start3A_413 = tpu.memref_slice %arg11[%dma_start3A_411, %dma_start3A_412] : memref<10240x32xf32, #tpu.memory_space<vmem_shared>> -> memref<10240x32xf32, #tpu.memory_space<vmem_shared>>
        tpu.enqueue_indirect_dma source(%dma_start3A_413 : memref<10240x32xf32, #tpu.memory_space<vmem_shared>>) target(%dma_start3A_407 : memref<128x32xf32, #tpu.memory_space<vmem>>) offsets(%dma_start3A_410 : memref<128xi32, #tpu.memory_space<vmem>>) semaphore(%arg18 : memref<!tpu.dma_semaphore, #tpu.memory_space<semaphore_mem>>)
      } else {
      }
      %add3A_221 = arith.constant 3 : i32
      %add3A_222 = arith.addi %add3A_116, %add3A_221 : i32
      %dma_wait3A_223 = arith.constant 3 : i32
      %dma_wait3A_224 = arith.constant 0 : i32
      %dma_wait3A_225 = arith.constant 0 : i32
      %dma_wait3A_226 = tpu.memref_slice %arg9[%dma_wait3A_223, %dma_wait3A_224, %dma_wait3A_225] : memref<8x128x32xf32, #tpu.memory_space<vmem>> -> memref<1x128x32xf32, #tpu.memory_space<vmem>>
      %dma_wait3A_227 = tpu.memref_squeeze %dma_wait3A_226 : memref<1x128x32xf32, #tpu.memory_space<vmem>> -> memref<128x32xf32, #tpu.memory_space<vmem>>
      %dma_wait3A_228 = arith.constant 0 : i32
      %dma_wait3A_229 = tpu.memref_slice %arg7[%add3A_222, %dma_wait3A_228] : memref<80x128xi32, #tpu.memory_space<vmem>> -> memref<1x128xi32, #tpu.memory_space<vmem>>
      %dma_wait3A_230 = tpu.memref_squeeze %dma_wait3A_229 : memref<1x128xi32, #tpu.memory_space<vmem>> -> memref<128xi32, #tpu.memory_space<vmem>>
      %dma_wait3A_231 = arith.constant 0 : i32
      %dma_wait3A_232 = arith.constant 0 : i32
      %dma_wait3A_233 = tpu.memref_slice %arg11[%dma_wait3A_231, %dma_wait3A_232] : memref<10240x32xf32, #tpu.memory_space<vmem_shared>> -> memref<10240x32xf32, #tpu.memory_space<vmem_shared>>
      tpu.wait_indirect_dma semaphore(%arg15 : memref<!tpu.dma_semaphore, #tpu.memory_space<semaphore_mem>>) src(%dma_wait3A_233 : memref<10240x32xf32, #tpu.memory_space<vmem_shared>>) dst(%dma_wait3A_227 : memref<128x32xf32, #tpu.memory_space<vmem>>)
      %dma_start3A_234 = arith.constant 3 : i32
      %dma_start3A_235 = arith.constant 0 : i32
      %dma_start3A_236 = arith.constant 0 : i32
      %dma_start3A_237 = tpu.memref_slice %arg9[%dma_start3A_234, %dma_start3A_235, %dma_start3A_236] : memref<8x128x32xf32, #tpu.memory_space<vmem>> -> memref<1x128x32xf32, #tpu.memory_space<vmem>>
      %dma_start3A_238 = tpu.memref_squeeze %dma_start3A_237 : memref<1x128x32xf32, #tpu.memory_space<vmem>> -> memref<128x32xf32, #tpu.memory_space<vmem>>
      %dma_start3A_239 = arith.constant 0 : i32
      %dma_start3A_240 = tpu.memref_slice %arg8[%add3A_222, %dma_start3A_239] : memref<80x128xi32, #tpu.memory_space<vmem>> -> memref<1x128xi32, #tpu.memory_space<vmem>>
      %dma_start3A_241 = tpu.memref_squeeze %dma_start3A_240 : memref<1x128xi32, #tpu.memory_space<vmem>> -> memref<128xi32, #tpu.memory_space<vmem>>
      %dma_start3A_242 = arith.constant 0 : i32
      %dma_start3A_243 = arith.constant 0 : i32
      %dma_start3A_244 = tpu.memref_slice %arg10[%dma_start3A_242, %dma_start3A_243] : memref<10240x32xf32, #tpu.memory_space<vmem_shared>> -> memref<10240x32xf32, #tpu.memory_space<vmem_shared>>
      tpu.enqueue_indirect_dma source(%dma_start3A_238 : memref<128x32xf32, #tpu.memory_space<vmem>>) target(%dma_start3A_244 : memref<10240x32xf32, #tpu.memory_space<vmem_shared>>) offsets(%dma_start3A_241 : memref<128xi32, #tpu.memory_space<vmem>>) semaphore(%arg23 : memref<!tpu.dma_semaphore, #tpu.memory_space<semaphore_mem>>) {add = true}
      %ge3A_245 = arith.constant 4 : i32
      %ge3A_246 = arith.cmpi sge, %add3A_222, %ge3A_245 : i32
      %convert_element_type3A_247 = arith.extui %ge3A_246 : i1 to i32
      %cond3A_248 = arith.constant 0 : i32
      %cond3A_249 = arith.cmpi ne, %convert_element_type3A_247, %cond3A_248 : i32
      scf.if %cond3A_249 {
        %sub3A = arith.constant 4 : i32
        %sub3A_401 = arith.subi %add3A_222, %sub3A : i32
        %dma_wait3A_402 = arith.constant 7 : i32
        %dma_wait3A_403 = arith.constant 0 : i32
        %dma_wait3A_404 = arith.constant 0 : i32
        %dma_wait3A_405 = tpu.memref_slice %arg9[%dma_wait3A_402, %dma_wait3A_403, %dma_wait3A_404] : memref<8x128x32xf32, #tpu.memory_space<vmem>> -> memref<1x128x32xf32, #tpu.memory_space<vmem>>
        %dma_wait3A_406 = tpu.memref_squeeze %dma_wait3A_405 : memref<1x128x32xf32, #tpu.memory_space<vmem>> -> memref<128x32xf32, #tpu.memory_space<vmem>>
        %dma_wait3A_407 = arith.constant 0 : i32
        %dma_wait3A_408 = tpu.memref_slice %arg8[%sub3A_401, %dma_wait3A_407] : memref<80x128xi32, #tpu.memory_space<vmem>> -> memref<1x128xi32, #tpu.memory_space<vmem>>
        %dma_wait3A_409 = tpu.memref_squeeze %dma_wait3A_408 : memref<1x128xi32, #tpu.memory_space<vmem>> -> memref<128xi32, #tpu.memory_space<vmem>>
        %dma_wait3A_410 = arith.constant 0 : i32
        %dma_wait3A_411 = arith.constant 0 : i32
        %dma_wait3A_412 = tpu.memref_slice %arg10[%dma_wait3A_410, %dma_wait3A_411] : memref<10240x32xf32, #tpu.memory_space<vmem_shared>> -> memref<10240x32xf32, #tpu.memory_space<vmem_shared>>
        tpu.wait_indirect_dma semaphore(%arg27 : memref<!tpu.dma_semaphore, #tpu.memory_space<semaphore_mem>>) src(%dma_wait3A_406 : memref<128x32xf32, #tpu.memory_space<vmem>>) dst(%dma_wait3A_412 : memref<10240x32xf32, #tpu.memory_space<vmem_shared>>)
      } else {
      }
      %add3A_250 = arith.constant 4 : i32
      %add3A_251 = arith.addi %add3A_222, %add3A_250 : i32
      %lt3A_252 = arith.constant 80 : i32
      %lt3A_253 = arith.cmpi slt, %add3A_251, %lt3A_252 : i32
      %convert_element_type3A_254 = arith.extui %lt3A_253 : i1 to i32
      %cond3A_255 = arith.constant 0 : i32
      %cond3A_256 = arith.cmpi ne, %convert_element_type3A_254, %cond3A_255 : i32
      scf.if %cond3A_256 {
        %add3A_401 = arith.constant 4 : i32
        %add3A_402 = arith.addi %add3A_222, %add3A_401 : i32
        %dma_start3A_403 = arith.constant 7 : i32
        %dma_start3A_404 = arith.constant 0 : i32
        %dma_start3A_405 = arith.constant 0 : i32
        %dma_start3A_406 = tpu.memref_slice %arg9[%dma_start3A_403, %dma_start3A_404, %dma_start3A_405] : memref<8x128x32xf32, #tpu.memory_space<vmem>> -> memref<1x128x32xf32, #tpu.memory_space<vmem>>
        %dma_start3A_407 = tpu.memref_squeeze %dma_start3A_406 : memref<1x128x32xf32, #tpu.memory_space<vmem>> -> memref<128x32xf32, #tpu.memory_space<vmem>>
        %dma_start3A_408 = arith.constant 0 : i32
        %dma_start3A_409 = tpu.memref_slice %arg7[%add3A_402, %dma_start3A_408] : memref<80x128xi32, #tpu.memory_space<vmem>> -> memref<1x128xi32, #tpu.memory_space<vmem>>
        %dma_start3A_410 = tpu.memref_squeeze %dma_start3A_409 : memref<1x128xi32, #tpu.memory_space<vmem>> -> memref<128xi32, #tpu.memory_space<vmem>>
        %dma_start3A_411 = arith.constant 0 : i32
        %dma_start3A_412 = arith.constant 0 : i32
        %dma_start3A_413 = tpu.memref_slice %arg11[%dma_start3A_411, %dma_start3A_412] : memref<10240x32xf32, #tpu.memory_space<vmem_shared>> -> memref<10240x32xf32, #tpu.memory_space<vmem_shared>>
        tpu.enqueue_indirect_dma source(%dma_start3A_413 : memref<10240x32xf32, #tpu.memory_space<vmem_shared>>) target(%dma_start3A_407 : memref<128x32xf32, #tpu.memory_space<vmem>>) offsets(%dma_start3A_410 : memref<128xi32, #tpu.memory_space<vmem>>) semaphore(%arg19 : memref<!tpu.dma_semaphore, #tpu.memory_space<semaphore_mem>>)
      } else {
      }
      %add3A_257 = arith.constant 4 : i32
      %add3A_258 = arith.addi %add3A_116, %add3A_257 : i32
      %dma_wait3A_259 = arith.constant 4 : i32
      %dma_wait3A_260 = arith.constant 0 : i32
      %dma_wait3A_261 = arith.constant 0 : i32
      %dma_wait3A_262 = tpu.memref_slice %arg9[%dma_wait3A_259, %dma_wait3A_260, %dma_wait3A_261] : memref<8x128x32xf32, #tpu.memory_space<vmem>> -> memref<1x128x32xf32, #tpu.memory_space<vmem>>
      %dma_wait3A_263 = tpu.memref_squeeze %dma_wait3A_262 : memref<1x128x32xf32, #tpu.memory_space<vmem>> -> memref<128x32xf32, #tpu.memory_space<vmem>>
      %dma_wait3A_264 = arith.constant 0 : i32
      %dma_wait3A_265 = tpu.memref_slice %arg7[%add3A_258, %dma_wait3A_264] : memref<80x128xi32, #tpu.memory_space<vmem>> -> memref<1x128xi32, #tpu.memory_space<vmem>>
      %dma_wait3A_266 = tpu.memref_squeeze %dma_wait3A_265 : memref<1x128xi32, #tpu.memory_space<vmem>> -> memref<128xi32, #tpu.memory_space<vmem>>
      %dma_wait3A_267 = arith.constant 0 : i32
      %dma_wait3A_268 = arith.constant 0 : i32
      %dma_wait3A_269 = tpu.memref_slice %arg11[%dma_wait3A_267, %dma_wait3A_268] : memref<10240x32xf32, #tpu.memory_space<vmem_shared>> -> memref<10240x32xf32, #tpu.memory_space<vmem_shared>>
      tpu.wait_indirect_dma semaphore(%arg16 : memref<!tpu.dma_semaphore, #tpu.memory_space<semaphore_mem>>) src(%dma_wait3A_269 : memref<10240x32xf32, #tpu.memory_space<vmem_shared>>) dst(%dma_wait3A_263 : memref<128x32xf32, #tpu.memory_space<vmem>>)
      %dma_start3A_270 = arith.constant 4 : i32
      %dma_start3A_271 = arith.constant 0 : i32
      %dma_start3A_272 = arith.constant 0 : i32
      %dma_start3A_273 = tpu.memref_slice %arg9[%dma_start3A_270, %dma_start3A_271, %dma_start3A_272] : memref<8x128x32xf32, #tpu.memory_space<vmem>> -> memref<1x128x32xf32, #tpu.memory_space<vmem>>
      %dma_start3A_274 = tpu.memref_squeeze %dma_start3A_273 : memref<1x128x32xf32, #tpu.memory_space<vmem>> -> memref<128x32xf32, #tpu.memory_space<vmem>>
      %dma_start3A_275 = arith.constant 0 : i32
      %dma_start3A_276 = tpu.memref_slice %arg8[%add3A_258, %dma_start3A_275] : memref<80x128xi32, #tpu.memory_space<vmem>> -> memref<1x128xi32, #tpu.memory_space<vmem>>
      %dma_start3A_277 = tpu.memref_squeeze %dma_start3A_276 : memref<1x128xi32, #tpu.memory_space<vmem>> -> memref<128xi32, #tpu.memory_space<vmem>>
      %dma_start3A_278 = arith.constant 0 : i32
      %dma_start3A_279 = arith.constant 0 : i32
      %dma_start3A_280 = tpu.memref_slice %arg10[%dma_start3A_278, %dma_start3A_279] : memref<10240x32xf32, #tpu.memory_space<vmem_shared>> -> memref<10240x32xf32, #tpu.memory_space<vmem_shared>>
      tpu.enqueue_indirect_dma source(%dma_start3A_274 : memref<128x32xf32, #tpu.memory_space<vmem>>) target(%dma_start3A_280 : memref<10240x32xf32, #tpu.memory_space<vmem_shared>>) offsets(%dma_start3A_277 : memref<128xi32, #tpu.memory_space<vmem>>) semaphore(%arg24 : memref<!tpu.dma_semaphore, #tpu.memory_space<semaphore_mem>>) {add = true}
      %ge3A_281 = arith.constant 4 : i32
      %ge3A_282 = arith.cmpi sge, %add3A_258, %ge3A_281 : i32
      %convert_element_type3A_283 = arith.extui %ge3A_282 : i1 to i32
      %cond3A_284 = arith.constant 0 : i32
      %cond3A_285 = arith.cmpi ne, %convert_element_type3A_283, %cond3A_284 : i32
      scf.if %cond3A_285 {
        %sub3A = arith.constant 4 : i32
        %sub3A_401 = arith.subi %add3A_258, %sub3A : i32
        %dma_wait3A_402 = arith.constant 0 : i32
        %dma_wait3A_403 = arith.constant 0 : i32
        %dma_wait3A_404 = arith.constant 0 : i32
        %dma_wait3A_405 = tpu.memref_slice %arg9[%dma_wait3A_402, %dma_wait3A_403, %dma_wait3A_404] : memref<8x128x32xf32, #tpu.memory_space<vmem>> -> memref<1x128x32xf32, #tpu.memory_space<vmem>>
        %dma_wait3A_406 = tpu.memref_squeeze %dma_wait3A_405 : memref<1x128x32xf32, #tpu.memory_space<vmem>> -> memref<128x32xf32, #tpu.memory_space<vmem>>
        %dma_wait3A_407 = arith.constant 0 : i32
        %dma_wait3A_408 = tpu.memref_slice %arg8[%sub3A_401, %dma_wait3A_407] : memref<80x128xi32, #tpu.memory_space<vmem>> -> memref<1x128xi32, #tpu.memory_space<vmem>>
        %dma_wait3A_409 = tpu.memref_squeeze %dma_wait3A_408 : memref<1x128xi32, #tpu.memory_space<vmem>> -> memref<128xi32, #tpu.memory_space<vmem>>
        %dma_wait3A_410 = arith.constant 0 : i32
        %dma_wait3A_411 = arith.constant 0 : i32
        %dma_wait3A_412 = tpu.memref_slice %arg10[%dma_wait3A_410, %dma_wait3A_411] : memref<10240x32xf32, #tpu.memory_space<vmem_shared>> -> memref<10240x32xf32, #tpu.memory_space<vmem_shared>>
        tpu.wait_indirect_dma semaphore(%arg20 : memref<!tpu.dma_semaphore, #tpu.memory_space<semaphore_mem>>) src(%dma_wait3A_406 : memref<128x32xf32, #tpu.memory_space<vmem>>) dst(%dma_wait3A_412 : memref<10240x32xf32, #tpu.memory_space<vmem_shared>>)
      } else {
      }
      %add3A_286 = arith.constant 4 : i32
      %add3A_287 = arith.addi %add3A_258, %add3A_286 : i32
      %lt3A_288 = arith.constant 80 : i32
      %lt3A_289 = arith.cmpi slt, %add3A_287, %lt3A_288 : i32
      %convert_element_type3A_290 = arith.extui %lt3A_289 : i1 to i32
      %cond3A_291 = arith.constant 0 : i32
      %cond3A_292 = arith.cmpi ne, %convert_element_type3A_290, %cond3A_291 : i32
      scf.if %cond3A_292 {
        %add3A_401 = arith.constant 4 : i32
        %add3A_402 = arith.addi %add3A_258, %add3A_401 : i32
        %dma_start3A_403 = arith.constant 0 : i32
        %dma_start3A_404 = arith.constant 0 : i32
        %dma_start3A_405 = arith.constant 0 : i32
        %dma_start3A_406 = tpu.memref_slice %arg9[%dma_start3A_403, %dma_start3A_404, %dma_start3A_405] : memref<8x128x32xf32, #tpu.memory_space<vmem>> -> memref<1x128x32xf32, #tpu.memory_space<vmem>>
        %dma_start3A_407 = tpu.memref_squeeze %dma_start3A_406 : memref<1x128x32xf32, #tpu.memory_space<vmem>> -> memref<128x32xf32, #tpu.memory_space<vmem>>
        %dma_start3A_408 = arith.constant 0 : i32
        %dma_start3A_409 = tpu.memref_slice %arg7[%add3A_402, %dma_start3A_408] : memref<80x128xi32, #tpu.memory_space<vmem>> -> memref<1x128xi32, #tpu.memory_space<vmem>>
        %dma_start3A_410 = tpu.memref_squeeze %dma_start3A_409 : memref<1x128xi32, #tpu.memory_space<vmem>> -> memref<128xi32, #tpu.memory_space<vmem>>
        %dma_start3A_411 = arith.constant 0 : i32
        %dma_start3A_412 = arith.constant 0 : i32
        %dma_start3A_413 = tpu.memref_slice %arg11[%dma_start3A_411, %dma_start3A_412] : memref<10240x32xf32, #tpu.memory_space<vmem_shared>> -> memref<10240x32xf32, #tpu.memory_space<vmem_shared>>
        tpu.enqueue_indirect_dma source(%dma_start3A_413 : memref<10240x32xf32, #tpu.memory_space<vmem_shared>>) target(%dma_start3A_407 : memref<128x32xf32, #tpu.memory_space<vmem>>) offsets(%dma_start3A_410 : memref<128xi32, #tpu.memory_space<vmem>>) semaphore(%arg12 : memref<!tpu.dma_semaphore, #tpu.memory_space<semaphore_mem>>)
      } else {
      }
      %add3A_293 = arith.constant 5 : i32
      %add3A_294 = arith.addi %add3A_116, %add3A_293 : i32
      %dma_wait3A_295 = arith.constant 5 : i32
      %dma_wait3A_296 = arith.constant 0 : i32
      %dma_wait3A_297 = arith.constant 0 : i32
      %dma_wait3A_298 = tpu.memref_slice %arg9[%dma_wait3A_295, %dma_wait3A_296, %dma_wait3A_297] : memref<8x128x32xf32, #tpu.memory_space<vmem>> -> memref<1x128x32xf32, #tpu.memory_space<vmem>>
      %dma_wait3A_299 = tpu.memref_squeeze %dma_wait3A_298 : memref<1x128x32xf32, #tpu.memory_space<vmem>> -> memref<128x32xf32, #tpu.memory_space<vmem>>
      %dma_wait3A_300 = arith.constant 0 : i32
      %dma_wait3A_301 = tpu.memref_slice %arg7[%add3A_294, %dma_wait3A_300] : memref<80x128xi32, #tpu.memory_space<vmem>> -> memref<1x128xi32, #tpu.memory_space<vmem>>
      %dma_wait3A_302 = tpu.memref_squeeze %dma_wait3A_301 : memref<1x128xi32, #tpu.memory_space<vmem>> -> memref<128xi32, #tpu.memory_space<vmem>>
      %dma_wait3A_303 = arith.constant 0 : i32
      %dma_wait3A_304 = arith.constant 0 : i32
      %dma_wait3A_305 = tpu.memref_slice %arg11[%dma_wait3A_303, %dma_wait3A_304] : memref<10240x32xf32, #tpu.memory_space<vmem_shared>> -> memref<10240x32xf32, #tpu.memory_space<vmem_shared>>
      tpu.wait_indirect_dma semaphore(%arg17 : memref<!tpu.dma_semaphore, #tpu.memory_space<semaphore_mem>>) src(%dma_wait3A_305 : memref<10240x32xf32, #tpu.memory_space<vmem_shared>>) dst(%dma_wait3A_299 : memref<128x32xf32, #tpu.memory_space<vmem>>)
      %dma_start3A_306 = arith.constant 5 : i32
      %dma_start3A_307 = arith.constant 0 : i32
      %dma_start3A_308 = arith.constant 0 : i32
      %dma_start3A_309 = tpu.memref_slice %arg9[%dma_start3A_306, %dma_start3A_307, %dma_start3A_308] : memref<8x128x32xf32, #tpu.memory_space<vmem>> -> memref<1x128x32xf32, #tpu.memory_space<vmem>>
      %dma_start3A_310 = tpu.memref_squeeze %dma_start3A_309 : memref<1x128x32xf32, #tpu.memory_space<vmem>> -> memref<128x32xf32, #tpu.memory_space<vmem>>
      %dma_start3A_311 = arith.constant 0 : i32
      %dma_start3A_312 = tpu.memref_slice %arg8[%add3A_294, %dma_start3A_311] : memref<80x128xi32, #tpu.memory_space<vmem>> -> memref<1x128xi32, #tpu.memory_space<vmem>>
      %dma_start3A_313 = tpu.memref_squeeze %dma_start3A_312 : memref<1x128xi32, #tpu.memory_space<vmem>> -> memref<128xi32, #tpu.memory_space<vmem>>
      %dma_start3A_314 = arith.constant 0 : i32
      %dma_start3A_315 = arith.constant 0 : i32
      %dma_start3A_316 = tpu.memref_slice %arg10[%dma_start3A_314, %dma_start3A_315] : memref<10240x32xf32, #tpu.memory_space<vmem_shared>> -> memref<10240x32xf32, #tpu.memory_space<vmem_shared>>
      tpu.enqueue_indirect_dma source(%dma_start3A_310 : memref<128x32xf32, #tpu.memory_space<vmem>>) target(%dma_start3A_316 : memref<10240x32xf32, #tpu.memory_space<vmem_shared>>) offsets(%dma_start3A_313 : memref<128xi32, #tpu.memory_space<vmem>>) semaphore(%arg25 : memref<!tpu.dma_semaphore, #tpu.memory_space<semaphore_mem>>) {add = true}
      %ge3A_317 = arith.constant 4 : i32
      %ge3A_318 = arith.cmpi sge, %add3A_294, %ge3A_317 : i32
      %convert_element_type3A_319 = arith.extui %ge3A_318 : i1 to i32
      %cond3A_320 = arith.constant 0 : i32
      %cond3A_321 = arith.cmpi ne, %convert_element_type3A_319, %cond3A_320 : i32
      scf.if %cond3A_321 {
        %sub3A = arith.constant 4 : i32
        %sub3A_401 = arith.subi %add3A_294, %sub3A : i32
        %dma_wait3A_402 = arith.constant 1 : i32
        %dma_wait3A_403 = arith.constant 0 : i32
        %dma_wait3A_404 = arith.constant 0 : i32
        %dma_wait3A_405 = tpu.memref_slice %arg9[%dma_wait3A_402, %dma_wait3A_403, %dma_wait3A_404] : memref<8x128x32xf32, #tpu.memory_space<vmem>> -> memref<1x128x32xf32, #tpu.memory_space<vmem>>
        %dma_wait3A_406 = tpu.memref_squeeze %dma_wait3A_405 : memref<1x128x32xf32, #tpu.memory_space<vmem>> -> memref<128x32xf32, #tpu.memory_space<vmem>>
        %dma_wait3A_407 = arith.constant 0 : i32
        %dma_wait3A_408 = tpu.memref_slice %arg8[%sub3A_401, %dma_wait3A_407] : memref<80x128xi32, #tpu.memory_space<vmem>> -> memref<1x128xi32, #tpu.memory_space<vmem>>
        %dma_wait3A_409 = tpu.memref_squeeze %dma_wait3A_408 : memref<1x128xi32, #tpu.memory_space<vmem>> -> memref<128xi32, #tpu.memory_space<vmem>>
        %dma_wait3A_410 = arith.constant 0 : i32
        %dma_wait3A_411 = arith.constant 0 : i32
        %dma_wait3A_412 = tpu.memref_slice %arg10[%dma_wait3A_410, %dma_wait3A_411] : memref<10240x32xf32, #tpu.memory_space<vmem_shared>> -> memref<10240x32xf32, #tpu.memory_space<vmem_shared>>
        tpu.wait_indirect_dma semaphore(%arg21 : memref<!tpu.dma_semaphore, #tpu.memory_space<semaphore_mem>>) src(%dma_wait3A_406 : memref<128x32xf32, #tpu.memory_space<vmem>>) dst(%dma_wait3A_412 : memref<10240x32xf32, #tpu.memory_space<vmem_shared>>)
      } else {
      }
      %add3A_322 = arith.constant 4 : i32
      %add3A_323 = arith.addi %add3A_294, %add3A_322 : i32
      %lt3A_324 = arith.constant 80 : i32
      %lt3A_325 = arith.cmpi slt, %add3A_323, %lt3A_324 : i32
      %convert_element_type3A_326 = arith.extui %lt3A_325 : i1 to i32
      %cond3A_327 = arith.constant 0 : i32
      %cond3A_328 = arith.cmpi ne, %convert_element_type3A_326, %cond3A_327 : i32
      scf.if %cond3A_328 {
        %add3A_401 = arith.constant 4 : i32
        %add3A_402 = arith.addi %add3A_294, %add3A_401 : i32
        %dma_start3A_403 = arith.constant 1 : i32
        %dma_start3A_404 = arith.constant 0 : i32
        %dma_start3A_405 = arith.constant 0 : i32
        %dma_start3A_406 = tpu.memref_slice %arg9[%dma_start3A_403, %dma_start3A_404, %dma_start3A_405] : memref<8x128x32xf32, #tpu.memory_space<vmem>> -> memref<1x128x32xf32, #tpu.memory_space<vmem>>
        %dma_start3A_407 = tpu.memref_squeeze %dma_start3A_406 : memref<1x128x32xf32, #tpu.memory_space<vmem>> -> memref<128x32xf32, #tpu.memory_space<vmem>>
        %dma_start3A_408 = arith.constant 0 : i32
        %dma_start3A_409 = tpu.memref_slice %arg7[%add3A_402, %dma_start3A_408] : memref<80x128xi32, #tpu.memory_space<vmem>> -> memref<1x128xi32, #tpu.memory_space<vmem>>
        %dma_start3A_410 = tpu.memref_squeeze %dma_start3A_409 : memref<1x128xi32, #tpu.memory_space<vmem>> -> memref<128xi32, #tpu.memory_space<vmem>>
        %dma_start3A_411 = arith.constant 0 : i32
        %dma_start3A_412 = arith.constant 0 : i32
        %dma_start3A_413 = tpu.memref_slice %arg11[%dma_start3A_411, %dma_start3A_412] : memref<10240x32xf32, #tpu.memory_space<vmem_shared>> -> memref<10240x32xf32, #tpu.memory_space<vmem_shared>>
        tpu.enqueue_indirect_dma source(%dma_start3A_413 : memref<10240x32xf32, #tpu.memory_space<vmem_shared>>) target(%dma_start3A_407 : memref<128x32xf32, #tpu.memory_space<vmem>>) offsets(%dma_start3A_410 : memref<128xi32, #tpu.memory_space<vmem>>) semaphore(%arg13 : memref<!tpu.dma_semaphore, #tpu.memory_space<semaphore_mem>>)
      } else {
      }
      %add3A_329 = arith.constant 6 : i32
      %add3A_330 = arith.addi %add3A_116, %add3A_329 : i32
      %dma_wait3A_331 = arith.constant 6 : i32
      %dma_wait3A_332 = arith.constant 0 : i32
      %dma_wait3A_333 = arith.constant 0 : i32
      %dma_wait3A_334 = tpu.memref_slice %arg9[%dma_wait3A_331, %dma_wait3A_332, %dma_wait3A_333] : memref<8x128x32xf32, #tpu.memory_space<vmem>> -> memref<1x128x32xf32, #tpu.memory_space<vmem>>
      %dma_wait3A_335 = tpu.memref_squeeze %dma_wait3A_334 : memref<1x128x32xf32, #tpu.memory_space<vmem>> -> memref<128x32xf32, #tpu.memory_space<vmem>>
      %dma_wait3A_336 = arith.constant 0 : i32
      %dma_wait3A_337 = tpu.memref_slice %arg7[%add3A_330, %dma_wait3A_336] : memref<80x128xi32, #tpu.memory_space<vmem>> -> memref<1x128xi32, #tpu.memory_space<vmem>>
      %dma_wait3A_338 = tpu.memref_squeeze %dma_wait3A_337 : memref<1x128xi32, #tpu.memory_space<vmem>> -> memref<128xi32, #tpu.memory_space<vmem>>
      %dma_wait3A_339 = arith.constant 0 : i32
      %dma_wait3A_340 = arith.constant 0 : i32
      %dma_wait3A_341 = tpu.memref_slice %arg11[%dma_wait3A_339, %dma_wait3A_340] : memref<10240x32xf32, #tpu.memory_space<vmem_shared>> -> memref<10240x32xf32, #tpu.memory_space<vmem_shared>>
      tpu.wait_indirect_dma semaphore(%arg18 : memref<!tpu.dma_semaphore, #tpu.memory_space<semaphore_mem>>) src(%dma_wait3A_341 : memref<10240x32xf32, #tpu.memory_space<vmem_shared>>) dst(%dma_wait3A_335 : memref<128x32xf32, #tpu.memory_space<vmem>>)
      %dma_start3A_342 = arith.constant 6 : i32
      %dma_start3A_343 = arith.constant 0 : i32
      %dma_start3A_344 = arith.constant 0 : i32
      %dma_start3A_345 = tpu.memref_slice %arg9[%dma_start3A_342, %dma_start3A_343, %dma_start3A_344] : memref<8x128x32xf32, #tpu.memory_space<vmem>> -> memref<1x128x32xf32, #tpu.memory_space<vmem>>
      %dma_start3A_346 = tpu.memref_squeeze %dma_start3A_345 : memref<1x128x32xf32, #tpu.memory_space<vmem>> -> memref<128x32xf32, #tpu.memory_space<vmem>>
      %dma_start3A_347 = arith.constant 0 : i32
      %dma_start3A_348 = tpu.memref_slice %arg8[%add3A_330, %dma_start3A_347] : memref<80x128xi32, #tpu.memory_space<vmem>> -> memref<1x128xi32, #tpu.memory_space<vmem>>
      %dma_start3A_349 = tpu.memref_squeeze %dma_start3A_348 : memref<1x128xi32, #tpu.memory_space<vmem>> -> memref<128xi32, #tpu.memory_space<vmem>>
      %dma_start3A_350 = arith.constant 0 : i32
      %dma_start3A_351 = arith.constant 0 : i32
      %dma_start3A_352 = tpu.memref_slice %arg10[%dma_start3A_350, %dma_start3A_351] : memref<10240x32xf32, #tpu.memory_space<vmem_shared>> -> memref<10240x32xf32, #tpu.memory_space<vmem_shared>>
      tpu.enqueue_indirect_dma source(%dma_start3A_346 : memref<128x32xf32, #tpu.memory_space<vmem>>) target(%dma_start3A_352 : memref<10240x32xf32, #tpu.memory_space<vmem_shared>>) offsets(%dma_start3A_349 : memref<128xi32, #tpu.memory_space<vmem>>) semaphore(%arg26 : memref<!tpu.dma_semaphore, #tpu.memory_space<semaphore_mem>>) {add = true}
      %ge3A_353 = arith.constant 4 : i32
      %ge3A_354 = arith.cmpi sge, %add3A_330, %ge3A_353 : i32
      %convert_element_type3A_355 = arith.extui %ge3A_354 : i1 to i32
      %cond3A_356 = arith.constant 0 : i32
      %cond3A_357 = arith.cmpi ne, %convert_element_type3A_355, %cond3A_356 : i32
      scf.if %cond3A_357 {
        %sub3A = arith.constant 4 : i32
        %sub3A_401 = arith.subi %add3A_330, %sub3A : i32
        %dma_wait3A_402 = arith.constant 2 : i32
        %dma_wait3A_403 = arith.constant 0 : i32
        %dma_wait3A_404 = arith.constant 0 : i32
        %dma_wait3A_405 = tpu.memref_slice %arg9[%dma_wait3A_402, %dma_wait3A_403, %dma_wait3A_404] : memref<8x128x32xf32, #tpu.memory_space<vmem>> -> memref<1x128x32xf32, #tpu.memory_space<vmem>>
        %dma_wait3A_406 = tpu.memref_squeeze %dma_wait3A_405 : memref<1x128x32xf32, #tpu.memory_space<vmem>> -> memref<128x32xf32, #tpu.memory_space<vmem>>
        %dma_wait3A_407 = arith.constant 0 : i32
        %dma_wait3A_408 = tpu.memref_slice %arg8[%sub3A_401, %dma_wait3A_407] : memref<80x128xi32, #tpu.memory_space<vmem>> -> memref<1x128xi32, #tpu.memory_space<vmem>>
        %dma_wait3A_409 = tpu.memref_squeeze %dma_wait3A_408 : memref<1x128xi32, #tpu.memory_space<vmem>> -> memref<128xi32, #tpu.memory_space<vmem>>
        %dma_wait3A_410 = arith.constant 0 : i32
        %dma_wait3A_411 = arith.constant 0 : i32
        %dma_wait3A_412 = tpu.memref_slice %arg10[%dma_wait3A_410, %dma_wait3A_411] : memref<10240x32xf32, #tpu.memory_space<vmem_shared>> -> memref<10240x32xf32, #tpu.memory_space<vmem_shared>>
        tpu.wait_indirect_dma semaphore(%arg22 : memref<!tpu.dma_semaphore, #tpu.memory_space<semaphore_mem>>) src(%dma_wait3A_406 : memref<128x32xf32, #tpu.memory_space<vmem>>) dst(%dma_wait3A_412 : memref<10240x32xf32, #tpu.memory_space<vmem_shared>>)
      } else {
      }
      %add3A_358 = arith.constant 4 : i32
      %add3A_359 = arith.addi %add3A_330, %add3A_358 : i32
      %lt3A_360 = arith.constant 80 : i32
      %lt3A_361 = arith.cmpi slt, %add3A_359, %lt3A_360 : i32
      %convert_element_type3A_362 = arith.extui %lt3A_361 : i1 to i32
      %cond3A_363 = arith.constant 0 : i32
      %cond3A_364 = arith.cmpi ne, %convert_element_type3A_362, %cond3A_363 : i32
      scf.if %cond3A_364 {
        %add3A_401 = arith.constant 4 : i32
        %add3A_402 = arith.addi %add3A_330, %add3A_401 : i32
        %dma_start3A_403 = arith.constant 2 : i32
        %dma_start3A_404 = arith.constant 0 : i32
        %dma_start3A_405 = arith.constant 0 : i32
        %dma_start3A_406 = tpu.memref_slice %arg9[%dma_start3A_403, %dma_start3A_404, %dma_start3A_405] : memref<8x128x32xf32, #tpu.memory_space<vmem>> -> memref<1x128x32xf32, #tpu.memory_space<vmem>>
        %dma_start3A_407 = tpu.memref_squeeze %dma_start3A_406 : memref<1x128x32xf32, #tpu.memory_space<vmem>> -> memref<128x32xf32, #tpu.memory_space<vmem>>
        %dma_start3A_408 = arith.constant 0 : i32
        %dma_start3A_409 = tpu.memref_slice %arg7[%add3A_402, %dma_start3A_408] : memref<80x128xi32, #tpu.memory_space<vmem>> -> memref<1x128xi32, #tpu.memory_space<vmem>>
        %dma_start3A_410 = tpu.memref_squeeze %dma_start3A_409 : memref<1x128xi32, #tpu.memory_space<vmem>> -> memref<128xi32, #tpu.memory_space<vmem>>
        %dma_start3A_411 = arith.constant 0 : i32
        %dma_start3A_412 = arith.constant 0 : i32
        %dma_start3A_413 = tpu.memref_slice %arg11[%dma_start3A_411, %dma_start3A_412] : memref<10240x32xf32, #tpu.memory_space<vmem_shared>> -> memref<10240x32xf32, #tpu.memory_space<vmem_shared>>
        tpu.enqueue_indirect_dma source(%dma_start3A_413 : memref<10240x32xf32, #tpu.memory_space<vmem_shared>>) target(%dma_start3A_407 : memref<128x32xf32, #tpu.memory_space<vmem>>) offsets(%dma_start3A_410 : memref<128xi32, #tpu.memory_space<vmem>>) semaphore(%arg14 : memref<!tpu.dma_semaphore, #tpu.memory_space<semaphore_mem>>)
      } else {
      }
      %add3A_365 = arith.constant 7 : i32
      %add3A_366 = arith.addi %add3A_116, %add3A_365 : i32
      %dma_wait3A_367 = arith.constant 7 : i32
      %dma_wait3A_368 = arith.constant 0 : i32
      %dma_wait3A_369 = arith.constant 0 : i32
      %dma_wait3A_370 = tpu.memref_slice %arg9[%dma_wait3A_367, %dma_wait3A_368, %dma_wait3A_369] : memref<8x128x32xf32, #tpu.memory_space<vmem>> -> memref<1x128x32xf32, #tpu.memory_space<vmem>>
      %dma_wait3A_371 = tpu.memref_squeeze %dma_wait3A_370 : memref<1x128x32xf32, #tpu.memory_space<vmem>> -> memref<128x32xf32, #tpu.memory_space<vmem>>
      %dma_wait3A_372 = arith.constant 0 : i32
      %dma_wait3A_373 = tpu.memref_slice %arg7[%add3A_366, %dma_wait3A_372] : memref<80x128xi32, #tpu.memory_space<vmem>> -> memref<1x128xi32, #tpu.memory_space<vmem>>
      %dma_wait3A_374 = tpu.memref_squeeze %dma_wait3A_373 : memref<1x128xi32, #tpu.memory_space<vmem>> -> memref<128xi32, #tpu.memory_space<vmem>>
      %dma_wait3A_375 = arith.constant 0 : i32
      %dma_wait3A_376 = arith.constant 0 : i32
      %dma_wait3A_377 = tpu.memref_slice %arg11[%dma_wait3A_375, %dma_wait3A_376] : memref<10240x32xf32, #tpu.memory_space<vmem_shared>> -> memref<10240x32xf32, #tpu.memory_space<vmem_shared>>
      tpu.wait_indirect_dma semaphore(%arg19 : memref<!tpu.dma_semaphore, #tpu.memory_space<semaphore_mem>>) src(%dma_wait3A_377 : memref<10240x32xf32, #tpu.memory_space<vmem_shared>>) dst(%dma_wait3A_371 : memref<128x32xf32, #tpu.memory_space<vmem>>)
      %dma_start3A_378 = arith.constant 7 : i32
      %dma_start3A_379 = arith.constant 0 : i32
      %dma_start3A_380 = arith.constant 0 : i32
      %dma_start3A_381 = tpu.memref_slice %arg9[%dma_start3A_378, %dma_start3A_379, %dma_start3A_380] : memref<8x128x32xf32, #tpu.memory_space<vmem>> -> memref<1x128x32xf32, #tpu.memory_space<vmem>>
      %dma_start3A_382 = tpu.memref_squeeze %dma_start3A_381 : memref<1x128x32xf32, #tpu.memory_space<vmem>> -> memref<128x32xf32, #tpu.memory_space<vmem>>
      %dma_start3A_383 = arith.constant 0 : i32
      %dma_start3A_384 = tpu.memref_slice %arg8[%add3A_366, %dma_start3A_383] : memref<80x128xi32, #tpu.memory_space<vmem>> -> memref<1x128xi32, #tpu.memory_space<vmem>>
      %dma_start3A_385 = tpu.memref_squeeze %dma_start3A_384 : memref<1x128xi32, #tpu.memory_space<vmem>> -> memref<128xi32, #tpu.memory_space<vmem>>
      %dma_start3A_386 = arith.constant 0 : i32
      %dma_start3A_387 = arith.constant 0 : i32
      %dma_start3A_388 = tpu.memref_slice %arg10[%dma_start3A_386, %dma_start3A_387] : memref<10240x32xf32, #tpu.memory_space<vmem_shared>> -> memref<10240x32xf32, #tpu.memory_space<vmem_shared>>
      tpu.enqueue_indirect_dma source(%dma_start3A_382 : memref<128x32xf32, #tpu.memory_space<vmem>>) target(%dma_start3A_388 : memref<10240x32xf32, #tpu.memory_space<vmem_shared>>) offsets(%dma_start3A_385 : memref<128xi32, #tpu.memory_space<vmem>>) semaphore(%arg27 : memref<!tpu.dma_semaphore, #tpu.memory_space<semaphore_mem>>) {add = true}
      %ge3A_389 = arith.constant 4 : i32
      %ge3A_390 = arith.cmpi sge, %add3A_366, %ge3A_389 : i32
      %convert_element_type3A_391 = arith.extui %ge3A_390 : i1 to i32
      %cond3A_392 = arith.constant 0 : i32
      %cond3A_393 = arith.cmpi ne, %convert_element_type3A_391, %cond3A_392 : i32
      scf.if %cond3A_393 {
        %sub3A = arith.constant 4 : i32
        %sub3A_401 = arith.subi %add3A_366, %sub3A : i32
        %dma_wait3A_402 = arith.constant 3 : i32
        %dma_wait3A_403 = arith.constant 0 : i32
        %dma_wait3A_404 = arith.constant 0 : i32
        %dma_wait3A_405 = tpu.memref_slice %arg9[%dma_wait3A_402, %dma_wait3A_403, %dma_wait3A_404] : memref<8x128x32xf32, #tpu.memory_space<vmem>> -> memref<1x128x32xf32, #tpu.memory_space<vmem>>
        %dma_wait3A_406 = tpu.memref_squeeze %dma_wait3A_405 : memref<1x128x32xf32, #tpu.memory_space<vmem>> -> memref<128x32xf32, #tpu.memory_space<vmem>>
        %dma_wait3A_407 = arith.constant 0 : i32
        %dma_wait3A_408 = tpu.memref_slice %arg8[%sub3A_401, %dma_wait3A_407] : memref<80x128xi32, #tpu.memory_space<vmem>> -> memref<1x128xi32, #tpu.memory_space<vmem>>
        %dma_wait3A_409 = tpu.memref_squeeze %dma_wait3A_408 : memref<1x128xi32, #tpu.memory_space<vmem>> -> memref<128xi32, #tpu.memory_space<vmem>>
        %dma_wait3A_410 = arith.constant 0 : i32
        %dma_wait3A_411 = arith.constant 0 : i32
        %dma_wait3A_412 = tpu.memref_slice %arg10[%dma_wait3A_410, %dma_wait3A_411] : memref<10240x32xf32, #tpu.memory_space<vmem_shared>> -> memref<10240x32xf32, #tpu.memory_space<vmem_shared>>
        tpu.wait_indirect_dma semaphore(%arg23 : memref<!tpu.dma_semaphore, #tpu.memory_space<semaphore_mem>>) src(%dma_wait3A_406 : memref<128x32xf32, #tpu.memory_space<vmem>>) dst(%dma_wait3A_412 : memref<10240x32xf32, #tpu.memory_space<vmem_shared>>)
      } else {
      }
      %add3A_394 = arith.constant 4 : i32
      %add3A_395 = arith.addi %add3A_366, %add3A_394 : i32
      %lt3A_396 = arith.constant 80 : i32
      %lt3A_397 = arith.cmpi slt, %add3A_395, %lt3A_396 : i32
      %convert_element_type3A_398 = arith.extui %lt3A_397 : i1 to i32
      %cond3A_399 = arith.constant 0 : i32
      %cond3A_400 = arith.cmpi ne, %convert_element_type3A_398, %cond3A_399 : i32
      scf.if %cond3A_400 {
        %add3A_401 = arith.constant 4 : i32
        %add3A_402 = arith.addi %add3A_366, %add3A_401 : i32
        %dma_start3A_403 = arith.constant 3 : i32
        %dma_start3A_404 = arith.constant 0 : i32
        %dma_start3A_405 = arith.constant 0 : i32
        %dma_start3A_406 = tpu.memref_slice %arg9[%dma_start3A_403, %dma_start3A_404, %dma_start3A_405] : memref<8x128x32xf32, #tpu.memory_space<vmem>> -> memref<1x128x32xf32, #tpu.memory_space<vmem>>
        %dma_start3A_407 = tpu.memref_squeeze %dma_start3A_406 : memref<1x128x32xf32, #tpu.memory_space<vmem>> -> memref<128x32xf32, #tpu.memory_space<vmem>>
        %dma_start3A_408 = arith.constant 0 : i32
        %dma_start3A_409 = tpu.memref_slice %arg7[%add3A_402, %dma_start3A_408] : memref<80x128xi32, #tpu.memory_space<vmem>> -> memref<1x128xi32, #tpu.memory_space<vmem>>
        %dma_start3A_410 = tpu.memref_squeeze %dma_start3A_409 : memref<1x128xi32, #tpu.memory_space<vmem>> -> memref<128xi32, #tpu.memory_space<vmem>>
        %dma_start3A_411 = arith.constant 0 : i32
        %dma_start3A_412 = arith.constant 0 : i32
        %dma_start3A_413 = tpu.memref_slice %arg11[%dma_start3A_411, %dma_start3A_412] : memref<10240x32xf32, #tpu.memory_space<vmem_shared>> -> memref<10240x32xf32, #tpu.memory_space<vmem_shared>>
        tpu.enqueue_indirect_dma source(%dma_start3A_413 : memref<10240x32xf32, #tpu.memory_space<vmem_shared>>) target(%dma_start3A_407 : memref<128x32xf32, #tpu.memory_space<vmem>>) offsets(%dma_start3A_410 : memref<128xi32, #tpu.memory_space<vmem>>) semaphore(%arg15 : memref<!tpu.dma_semaphore, #tpu.memory_space<semaphore_mem>>)
      } else {
      }
    }
    %scan3A_59 = arith.constant 10 : i32
    %dma_wait3A = arith.constant 4 : i32
    %dma_wait3A_60 = arith.constant 76 : i32
    %dma_wait3A_61 = arith.constant 0 : i32
    %dma_wait3A_62 = arith.constant 0 : i32
    %dma_wait3A_63 = tpu.memref_slice %arg9[%dma_wait3A, %dma_wait3A_61, %dma_wait3A_62] : memref<8x128x32xf32, #tpu.memory_space<vmem>> -> memref<1x128x32xf32, #tpu.memory_space<vmem>>
    %dma_wait3A_64 = tpu.memref_squeeze %dma_wait3A_63 : memref<1x128x32xf32, #tpu.memory_space<vmem>> -> memref<128x32xf32, #tpu.memory_space<vmem>>
    %dma_wait3A_65 = arith.constant 0 : i32
    %dma_wait3A_66 = tpu.memref_slice %arg8[%dma_wait3A_60, %dma_wait3A_65] : memref<80x128xi32, #tpu.memory_space<vmem>> -> memref<1x128xi32, #tpu.memory_space<vmem>>
    %dma_wait3A_67 = tpu.memref_squeeze %dma_wait3A_66 : memref<1x128xi32, #tpu.memory_space<vmem>> -> memref<128xi32, #tpu.memory_space<vmem>>
    %dma_wait3A_68 = arith.constant 0 : i32
    %dma_wait3A_69 = arith.constant 0 : i32
    %dma_wait3A_70 = tpu.memref_slice %arg10[%dma_wait3A_68, %dma_wait3A_69] : memref<10240x32xf32, #tpu.memory_space<vmem_shared>> -> memref<10240x32xf32, #tpu.memory_space<vmem_shared>>
    tpu.wait_indirect_dma semaphore(%arg24 : memref<!tpu.dma_semaphore, #tpu.memory_space<semaphore_mem>>) src(%dma_wait3A_64 : memref<128x32xf32, #tpu.memory_space<vmem>>) dst(%dma_wait3A_70 : memref<10240x32xf32, #tpu.memory_space<vmem_shared>>)
    %dma_wait3A_71 = arith.constant 5 : i32
    %dma_wait3A_72 = arith.constant 77 : i32
    %dma_wait3A_73 = arith.constant 0 : i32
    %dma_wait3A_74 = arith.constant 0 : i32
    %dma_wait3A_75 = tpu.memref_slice %arg9[%dma_wait3A_71, %dma_wait3A_73, %dma_wait3A_74] : memref<8x128x32xf32, #tpu.memory_space<vmem>> -> memref<1x128x32xf32, #tpu.memory_space<vmem>>
    %dma_wait3A_76 = tpu.memref_squeeze %dma_wait3A_75 : memref<1x128x32xf32, #tpu.memory_space<vmem>> -> memref<128x32xf32, #tpu.memory_space<vmem>>
    %dma_wait3A_77 = arith.constant 0 : i32
    %dma_wait3A_78 = tpu.memref_slice %arg8[%dma_wait3A_72, %dma_wait3A_77] : memref<80x128xi32, #tpu.memory_space<vmem>> -> memref<1x128xi32, #tpu.memory_space<vmem>>
    %dma_wait3A_79 = tpu.memref_squeeze %dma_wait3A_78 : memref<1x128xi32, #tpu.memory_space<vmem>> -> memref<128xi32, #tpu.memory_space<vmem>>
    %dma_wait3A_80 = arith.constant 0 : i32
    %dma_wait3A_81 = arith.constant 0 : i32
    %dma_wait3A_82 = tpu.memref_slice %arg10[%dma_wait3A_80, %dma_wait3A_81] : memref<10240x32xf32, #tpu.memory_space<vmem_shared>> -> memref<10240x32xf32, #tpu.memory_space<vmem_shared>>
    tpu.wait_indirect_dma semaphore(%arg25 : memref<!tpu.dma_semaphore, #tpu.memory_space<semaphore_mem>>) src(%dma_wait3A_76 : memref<128x32xf32, #tpu.memory_space<vmem>>) dst(%dma_wait3A_82 : memref<10240x32xf32, #tpu.memory_space<vmem_shared>>)
    %dma_wait3A_83 = arith.constant 6 : i32
    %dma_wait3A_84 = arith.constant 78 : i32
    %dma_wait3A_85 = arith.constant 0 : i32
    %dma_wait3A_86 = arith.constant 0 : i32
    %dma_wait3A_87 = tpu.memref_slice %arg9[%dma_wait3A_83, %dma_wait3A_85, %dma_wait3A_86] : memref<8x128x32xf32, #tpu.memory_space<vmem>> -> memref<1x128x32xf32, #tpu.memory_space<vmem>>
    %dma_wait3A_88 = tpu.memref_squeeze %dma_wait3A_87 : memref<1x128x32xf32, #tpu.memory_space<vmem>> -> memref<128x32xf32, #tpu.memory_space<vmem>>
    %dma_wait3A_89 = arith.constant 0 : i32
    %dma_wait3A_90 = tpu.memref_slice %arg8[%dma_wait3A_84, %dma_wait3A_89] : memref<80x128xi32, #tpu.memory_space<vmem>> -> memref<1x128xi32, #tpu.memory_space<vmem>>
    %dma_wait3A_91 = tpu.memref_squeeze %dma_wait3A_90 : memref<1x128xi32, #tpu.memory_space<vmem>> -> memref<128xi32, #tpu.memory_space<vmem>>
    %dma_wait3A_92 = arith.constant 0 : i32
    %dma_wait3A_93 = arith.constant 0 : i32
    %dma_wait3A_94 = tpu.memref_slice %arg10[%dma_wait3A_92, %dma_wait3A_93] : memref<10240x32xf32, #tpu.memory_space<vmem_shared>> -> memref<10240x32xf32, #tpu.memory_space<vmem_shared>>
    tpu.wait_indirect_dma semaphore(%arg26 : memref<!tpu.dma_semaphore, #tpu.memory_space<semaphore_mem>>) src(%dma_wait3A_88 : memref<128x32xf32, #tpu.memory_space<vmem>>) dst(%dma_wait3A_94 : memref<10240x32xf32, #tpu.memory_space<vmem_shared>>)
    %dma_wait3A_95 = arith.constant 7 : i32
    %dma_wait3A_96 = arith.constant 79 : i32
    %dma_wait3A_97 = arith.constant 0 : i32
    %dma_wait3A_98 = arith.constant 0 : i32
    %dma_wait3A_99 = tpu.memref_slice %arg9[%dma_wait3A_95, %dma_wait3A_97, %dma_wait3A_98] : memref<8x128x32xf32, #tpu.memory_space<vmem>> -> memref<1x128x32xf32, #tpu.memory_space<vmem>>
    %dma_wait3A_100 = tpu.memref_squeeze %dma_wait3A_99 : memref<1x128x32xf32, #tpu.memory_space<vmem>> -> memref<128x32xf32, #tpu.memory_space<vmem>>
    %dma_wait3A_101 = arith.constant 0 : i32
    %dma_wait3A_102 = tpu.memref_slice %arg8[%dma_wait3A_96, %dma_wait3A_101] : memref<80x128xi32, #tpu.memory_space<vmem>> -> memref<1x128xi32, #tpu.memory_space<vmem>>
    %dma_wait3A_103 = tpu.memref_squeeze %dma_wait3A_102 : memref<1x128xi32, #tpu.memory_space<vmem>> -> memref<128xi32, #tpu.memory_space<vmem>>
    %dma_wait3A_104 = arith.constant 0 : i32
    %dma_wait3A_105 = arith.constant 0 : i32
    %dma_wait3A_106 = tpu.memref_slice %arg10[%dma_wait3A_104, %dma_wait3A_105] : memref<10240x32xf32, #tpu.memory_space<vmem_shared>> -> memref<10240x32xf32, #tpu.memory_space<vmem_shared>>
    tpu.wait_indirect_dma semaphore(%arg27 : memref<!tpu.dma_semaphore, #tpu.memory_space<semaphore_mem>>) src(%dma_wait3A_100 : memref<128x32xf32, #tpu.memory_space<vmem>>) dst(%dma_wait3A_106 : memref<10240x32xf32, #tpu.memory_space<vmem_shared>>)
    %barrier3A_107 = arith.constant 0 : index
    tpu.barrier barrier_id(%barrier3A_107)
    %mul3A_108 = arith.constant 640 : i32
    %mul3A_109 = arith.muli %arg1, %mul3A_108 : i32
    %mul3A_110 = arith.constant 640 : i32
    %mul3A_111 = arith.muli %arg1, %mul3A_110 : i32
    "tpu.region"() ({
      %run_scoped3A = tpu.sem_alloc : memref<!tpu.dma_semaphore, #tpu.memory_space<semaphore_mem>>
      %dma_start3A_112 = arith.constant 0 : i32
      %dma_start3A_113 = tpu.memref_slice %arg6[%arg0, %mul3A_111, %dma_start3A_112] : memref<2x10240x32xf32, #tpu.memory_space<hbm>> -> memref<1x640x32xf32, #tpu.memory_space<hbm>>
      %dma_start3A_114 = tpu.memref_squeeze %dma_start3A_113 : memref<1x640x32xf32, #tpu.memory_space<hbm>> -> memref<640x32xf32, #tpu.memory_space<hbm>>
      %dma_start3A_115 = arith.constant 0 : i32
      %dma_start3A_116 = tpu.memref_slice %arg10[%mul3A_109, %dma_start3A_115] : memref<10240x32xf32, #tpu.memory_space<vmem_shared>> -> memref<640x32xf32, #tpu.memory_space<vmem_shared>>
      tpu.enqueue_dma source(%dma_start3A_116 : memref<640x32xf32, #tpu.memory_space<vmem_shared>>) target(%dma_start3A_114 : memref<640x32xf32, #tpu.memory_space<hbm>>) target_semaphore(%run_scoped3A : memref<!tpu.dma_semaphore, #tpu.memory_space<semaphore_mem>>)
      %dma_wait3A_117 = arith.constant 0 : i32
      %dma_wait3A_118 = tpu.memref_slice %arg6[%arg0, %mul3A_111, %dma_wait3A_117] : memref<2x10240x32xf32, #tpu.memory_space<hbm>> -> memref<1x640x32xf32, #tpu.memory_space<hbm>>
      %dma_wait3A_119 = tpu.memref_squeeze %dma_wait3A_118 : memref<1x640x32xf32, #tpu.memory_space<hbm>> -> memref<640x32xf32, #tpu.memory_space<hbm>>
      %dma_wait3A_120 = arith.constant 0 : i32
      %dma_wait3A_121 = tpu.memref_slice %arg10[%mul3A_109, %dma_wait3A_120] : memref<10240x32xf32, #tpu.memory_space<vmem_shared>> -> memref<640x32xf32, #tpu.memory_space<vmem_shared>>
      tpu.wait_dma2 semaphore(%run_scoped3A : memref<!tpu.dma_semaphore, #tpu.memory_space<semaphore_mem>>) src(%dma_wait3A_121 : memref<640x32xf32, #tpu.memory_space<vmem_shared>>) dst(%dma_wait3A_119 : memref<640x32xf32, #tpu.memory_space<hbm>>)
      tpu.yield
    }) : () -> ()
    return
  }
}

module attributes {stable_mosaic.version = 14 : i64} {
  func.func @_tc1a_body(%arg0: memref<10000x128xf32, #tpu.memory_space<vmem>>, %arg1: memref<128x32xf32, #tpu.memory_space<vmem>>, %arg2: memref<128x32xf32, #tpu.memory_space<vmem>>, %arg3: memref<1x32xf32, #tpu.memory_space<vmem>>, %arg4: memref<10000x32xf32, #tpu.memory_space<vmem>>, %arg5: memref<10000x32xf32, #tpu.memory_space<vmem>>) attributes {dimension_semantics = [], scalar_prefetch = 0 : i64, scratch_operands = 0 : i64, tpu.core_type = #tpu.core_type<tc>} {
    %get3A = arith.constant 0 : index
    %get3A_0 = arith.constant 0 : index
    %get3A_1 = vector.load %arg0[%get3A, %get3A_0] : memref<10000x128xf32, #tpu.memory_space<vmem>>, vector<10000x128xf32>
    %get3A_2 = arith.constant 0 : index
    %get3A_3 = arith.constant 0 : index
    %get3A_4 = vector.load %arg1[%get3A_2, %get3A_3] : memref<128x32xf32, #tpu.memory_space<vmem>>, vector<128x32xf32>
    %dot_general3A = arith.constant dense<0.000000e+00> : vector<10000x32xf32>
    %dot_general3A_5 = tpu.matmul %get3A_1, %get3A_4, %dot_general3A {dimension_numbers = #tpu.dot_dimension_numbers<[1], [0], [0], [1], [0, 0, 1, 1], [], []>, transpose_lhs_hint = false} : vector<10000x128xf32>, vector<128x32xf32>, vector<10000x32xf32> -> vector<10000x32xf32>
    %get3A_6 = arith.constant 0 : index
    %get3A_7 = arith.constant 0 : index
    %get3A_8 = vector.load %arg3[%get3A_6, %get3A_7] : memref<1x32xf32, #tpu.memory_space<vmem>>, vector<1x32xf32>
    %add3A = vector.broadcast %get3A_8 : vector<1x32xf32> to vector<10000x32xf32>
    %add3A_9 = arith.addf %dot_general3A_5, %add3A : vector<10000x32xf32>
    %swap3A = arith.constant 0 : index
    %swap3A_10 = arith.constant 0 : index
    %swap3A_11 = vector.load %arg4[%swap3A, %swap3A_10] : memref<10000x32xf32, #tpu.memory_space<vmem>>, vector<10000x32xf32>
    tpu.vector_store %arg4[%swap3A, %swap3A_10], %add3A_9 {strides = array<i32>} : memref<10000x32xf32, #tpu.memory_space<vmem>>, vector<10000x32xf32>,
    %get3A_12 = arith.constant 0 : index
    %get3A_13 = arith.constant 0 : index
    %get3A_14 = vector.load %arg2[%get3A_12, %get3A_13] : memref<128x32xf32, #tpu.memory_space<vmem>>, vector<128x32xf32>
    %dot_general3A_15 = arith.constant dense<0.000000e+00> : vector<10000x32xf32>
    %dot_general3A_16 = tpu.matmul %get3A_1, %get3A_14, %dot_general3A_15 {dimension_numbers = #tpu.dot_dimension_numbers<[1], [0], [0], [1], [0, 0, 1, 1], [], []>, transpose_lhs_hint = false} : vector<10000x128xf32>, vector<128x32xf32>, vector<10000x32xf32> -> vector<10000x32xf32>
    %swap3A_17 = arith.constant 0 : index
    %swap3A_18 = arith.constant 0 : index
    %swap3A_19 = vector.load %arg5[%swap3A_17, %swap3A_18] : memref<10000x32xf32, #tpu.memory_space<vmem>>, vector<10000x32xf32>
    tpu.vector_store %arg5[%swap3A_17, %swap3A_18], %dot_general3A_16 {strides = array<i32>} : memref<10000x32xf32, #tpu.memory_space<vmem>>, vector<10000x32xf32>,
    return
  }
}

module attributes {stable_mosaic.version = 14 : i64} {
  func.func @_tc1b_body(%arg0: memref<10000x32xf32, #tpu.memory_space<vmem>>, %arg1: memref<20480xf32, #tpu.memory_space<vmem>>, %arg2: memref<10240x32xf32, #tpu.memory_space<vmem>>, %arg3: memref<10240x1xf32, #tpu.memory_space<vmem>>) attributes {dimension_semantics = [], scalar_prefetch = 0 : i64, scratch_operands = 0 : i64, tpu.core_type = #tpu.core_type<tc>} {
    %get3A = arith.constant 0 : index
    %get3A_0 = vector.load %arg1[%get3A] : memref<20480xf32, #tpu.memory_space<vmem>>, vector<10240xf32>
    %get3A_1 = arith.constant 10240 : index
    %get3A_2 = vector.load %arg1[%get3A_1] : memref<20480xf32, #tpu.memory_space<vmem>>, vector<10240xf32>
    %add3A = arith.addf %get3A_0, %get3A_2 : vector<10240xf32>
    %gt3A = arith.constant 0.000000e+00 : f32
    %gt3A_3 = vector.broadcast %gt3A : f32 to vector<10240xf32>
    %gt3A_4 = arith.cmpf ogt, %add3A, %gt3A_3 : vector<10240xf32>
    %max3A = arith.constant 9.99999996E-13 : f32
    %max3A_5 = vector.broadcast %max3A : f32 to vector<10240xf32>
    %max3A_6 = arith.maximumf %add3A, %max3A_5 : vector<10240xf32>
    %rsqrt3A = math.rsqrt %max3A_6 : vector<10240xf32>
    %jit3A = arith.constant 0.000000e+00 : f32
    %broadcast_in_dim3A = vector.broadcast %jit3A : f32 to vector<10240xf32>
    %select_n3A = arith.select %gt3A_4, %rsqrt3A, %broadcast_in_dim3A : vector<10240xi1>, vector<10240xf32>
    %reshape3A = vector.shape_cast %select_n3A : vector<10240xf32> to vector<10240x1xf32>
    %swap3A = arith.constant 0 : index
    %swap3A_7 = arith.constant 0 : index
    %swap3A_8 = vector.load %arg3[%swap3A, %swap3A_7] : memref<10240x1xf32, #tpu.memory_space<vmem>>, vector<10240x1xf32>
    tpu.vector_store %arg3[%swap3A, %swap3A_7], %reshape3A {strides = array<i32>} : memref<10240x1xf32, #tpu.memory_space<vmem>>, vector<10240x1xf32>,
    %slice3A = vector.extract_strided_slice %reshape3A {offsets = [0, 0], sizes = [10000, 1], strides = [1, 1]} : vector<10240x1xf32> to vector<10000x1xf32>
    %get3A_9 = arith.constant 0 : index
    %get3A_10 = arith.constant 0 : index
    %get3A_11 = vector.load %arg0[%get3A_9, %get3A_10] : memref<10000x32xf32, #tpu.memory_space<vmem>>, vector<10000x32xf32>
    %mul3A = vector.broadcast %slice3A : vector<10000x1xf32> to vector<10000x32xf32>
    %mul3A_12 = arith.mulf %mul3A, %get3A_11 : vector<10000x32xf32>
    %jit3A_13 = arith.constant 0 : i32
    %convert_element_type3A = arith.sitofp %jit3A_13 : i32 to f32
    %pad3A = vector.broadcast %convert_element_type3A : f32 to vector<240x32xf32>
    %pad3A_14 = tpu.concatenate %mul3A_12, %pad3A in 0 : vector<10000x32xf32>, vector<240x32xf32> -> vector<10240x32xf32>
    %swap3A_15 = arith.constant 0 : index
    %swap3A_16 = arith.constant 0 : index
    %swap3A_17 = vector.load %arg2[%swap3A_15, %swap3A_16] : memref<10240x32xf32, #tpu.memory_space<vmem>>, vector<10240x32xf32>
    tpu.vector_store %arg2[%swap3A_15, %swap3A_16], %pad3A_14 {strides = array<i32>} : memref<10240x32xf32, #tpu.memory_space<vmem>>, vector<10240x32xf32>,
    return
  }
}

module attributes {stable_mosaic.version = 14 : i64} {
  func.func @_tc2_body(%arg0: memref<10000x32xf32, #tpu.memory_space<vmem>>, %arg1: memref<2x10240x32xf32, #tpu.memory_space<vmem>>, %arg2: memref<10240x1xf32, #tpu.memory_space<vmem>>, %arg3: memref<32x40xf32, #tpu.memory_space<vmem>>, %arg4: memref<1x40xf32, #tpu.memory_space<vmem>>, %arg5: memref<10000x32xf32, #tpu.memory_space<vmem>>, %arg6: memref<10240x32xf32, #tpu.memory_space<vmem>>, %arg7: memref<10000x40xf32, #tpu.memory_space<vmem>>) attributes {dimension_semantics = [], scalar_prefetch = 0 : i64, scratch_operands = 0 : i64, tpu.core_type = #tpu.core_type<tc>} {
    %get3A = arith.constant 0 : index
    %get3A_0 = arith.constant 0 : index
    %get3A_1 = vector.load %arg2[%get3A, %get3A_0] : memref<10240x1xf32, #tpu.memory_space<vmem>>, vector<10240x1xf32>
    %get3A_2 = arith.constant 0 : index
    %get3A_3 = arith.constant 0 : index
    %get3A_4 = arith.constant 0 : index
    %get3A_5 = vector.load %arg1[%get3A_2, %get3A_3, %get3A_4] : memref<2x10240x32xf32, #tpu.memory_space<vmem>>, vector<1x10240x32xf32>
    %get3A_6 = vector.shape_cast %get3A_5 : vector<1x10240x32xf32> to vector<10240x32xf32>
    %get3A_7 = arith.constant 1 : index
    %get3A_8 = arith.constant 0 : index
    %get3A_9 = arith.constant 0 : index
    %get3A_10 = vector.load %arg1[%get3A_7, %get3A_8, %get3A_9] : memref<2x10240x32xf32, #tpu.memory_space<vmem>>, vector<1x10240x32xf32>
    %get3A_11 = vector.shape_cast %get3A_10 : vector<1x10240x32xf32> to vector<10240x32xf32>
    %add3A = arith.addf %get3A_6, %get3A_11 : vector<10240x32xf32>
    %get3A_12 = arith.constant 0 : index
    %get3A_13 = arith.constant 0 : index
    %get3A_14 = vector.load %arg0[%get3A_12, %get3A_13] : memref<10000x32xf32, #tpu.memory_space<vmem>>, vector<10000x32xf32>
    %mul3A = vector.broadcast %get3A_1 : vector<10240x1xf32> to vector<10240x32xf32>
    %mul3A_15 = arith.mulf %mul3A, %add3A : vector<10240x32xf32>
    %slice3A = vector.extract_strided_slice %mul3A_15 {offsets = [0, 0], sizes = [10000, 32], strides = [1, 1]} : vector<10240x32xf32> to vector<10000x32xf32>
    %sub3A = arith.subf %get3A_14, %slice3A : vector<10000x32xf32>
    %max3A = arith.constant 0.000000e+00 : f32
    %max3A_16 = vector.broadcast %max3A : f32 to vector<10000x32xf32>
    %max3A_17 = arith.maximumf %sub3A, %max3A_16 : vector<10000x32xf32>
    %swap3A = arith.constant 0 : index
    %swap3A_18 = arith.constant 0 : index
    %swap3A_19 = vector.load %arg5[%swap3A, %swap3A_18] : memref<10000x32xf32, #tpu.memory_space<vmem>>, vector<10000x32xf32>
    tpu.vector_store %arg5[%swap3A, %swap3A_18], %max3A_17 {strides = array<i32>} : memref<10000x32xf32, #tpu.memory_space<vmem>>, vector<10000x32xf32>,
    %slice3A_20 = vector.extract_strided_slice %get3A_1 {offsets = [0, 0], sizes = [10000, 1], strides = [1, 1]} : vector<10240x1xf32> to vector<10000x1xf32>
    %mul3A_21 = vector.broadcast %slice3A_20 : vector<10000x1xf32> to vector<10000x32xf32>
    %mul3A_22 = arith.mulf %mul3A_21, %max3A_17 : vector<10000x32xf32>
    %jit3A = arith.constant 0 : i32
    %convert_element_type3A = arith.sitofp %jit3A : i32 to f32
    %pad3A = vector.broadcast %convert_element_type3A : f32 to vector<240x32xf32>
    %pad3A_23 = tpu.concatenate %mul3A_22, %pad3A in 0 : vector<10000x32xf32>, vector<240x32xf32> -> vector<10240x32xf32>
    %swap3A_24 = arith.constant 0 : index
    %swap3A_25 = arith.constant 0 : index
    %swap3A_26 = vector.load %arg6[%swap3A_24, %swap3A_25] : memref<10240x32xf32, #tpu.memory_space<vmem>>, vector<10240x32xf32>
    tpu.vector_store %arg6[%swap3A_24, %swap3A_25], %pad3A_23 {strides = array<i32>} : memref<10240x32xf32, #tpu.memory_space<vmem>>, vector<10240x32xf32>,
    %get3A_27 = arith.constant 0 : index
    %get3A_28 = arith.constant 0 : index
    %get3A_29 = vector.load %arg3[%get3A_27, %get3A_28] : memref<32x40xf32, #tpu.memory_space<vmem>>, vector<32x40xf32>
    %dot_general3A = arith.constant dense<0.000000e+00> : vector<10000x40xf32>
    %dot_general3A_30 = tpu.matmul %max3A_17, %get3A_29, %dot_general3A {dimension_numbers = #tpu.dot_dimension_numbers<[1], [0], [0], [1], [0, 0, 1, 1], [], []>, transpose_lhs_hint = false} : vector<10000x32xf32>, vector<32x40xf32>, vector<10000x40xf32> -> vector<10000x40xf32>
    %get3A_31 = arith.constant 0 : index
    %get3A_32 = arith.constant 0 : index
    %get3A_33 = vector.load %arg4[%get3A_31, %get3A_32] : memref<1x40xf32, #tpu.memory_space<vmem>>, vector<1x40xf32>
    %add3A_34 = vector.broadcast %get3A_33 : vector<1x40xf32> to vector<10000x40xf32>
    %add3A_35 = arith.addf %dot_general3A_30, %add3A_34 : vector<10000x40xf32>
    %swap3A_36 = arith.constant 0 : index
    %swap3A_37 = arith.constant 0 : index
    %swap3A_38 = vector.load %arg7[%swap3A_36, %swap3A_37] : memref<10000x40xf32, #tpu.memory_space<vmem>>, vector<10000x40xf32>
    tpu.vector_store %arg7[%swap3A_36, %swap3A_37], %add3A_35 {strides = array<i32>} : memref<10000x40xf32, #tpu.memory_space<vmem>>, vector<10000x40xf32>,
    return
  }
}

module attributes {stable_mosaic.version = 14 : i64} {
  func.func @_tc3_body(%arg0: memref<10000x40xf32, #tpu.memory_space<vmem>>, %arg1: memref<2x10240x32xf32, #tpu.memory_space<vmem>>, %arg2: memref<10240x1xf32, #tpu.memory_space<vmem>>, %arg3: memref<32x40xf32, #tpu.memory_space<vmem>>, %arg4: memref<10000x40xf32, #tpu.memory_space<vmem>>) attributes {dimension_semantics = [], scalar_prefetch = 0 : i64, scratch_operands = 0 : i64, tpu.core_type = #tpu.core_type<tc>} {
    %get3A = arith.constant 0 : index
    %get3A_0 = arith.constant 0 : index
    %get3A_1 = vector.load %arg2[%get3A, %get3A_0] : memref<10240x1xf32, #tpu.memory_space<vmem>>, vector<10240x1xf32>
    %get3A_2 = arith.constant 0 : index
    %get3A_3 = arith.constant 0 : index
    %get3A_4 = arith.constant 0 : index
    %get3A_5 = vector.load %arg1[%get3A_2, %get3A_3, %get3A_4] : memref<2x10240x32xf32, #tpu.memory_space<vmem>>, vector<1x10240x32xf32>
    %get3A_6 = vector.shape_cast %get3A_5 : vector<1x10240x32xf32> to vector<10240x32xf32>
    %get3A_7 = arith.constant 1 : index
    %get3A_8 = arith.constant 0 : index
    %get3A_9 = arith.constant 0 : index
    %get3A_10 = vector.load %arg1[%get3A_7, %get3A_8, %get3A_9] : memref<2x10240x32xf32, #tpu.memory_space<vmem>>, vector<1x10240x32xf32>
    %get3A_11 = vector.shape_cast %get3A_10 : vector<1x10240x32xf32> to vector<10240x32xf32>
    %add3A = arith.addf %get3A_6, %get3A_11 : vector<10240x32xf32>
    %get3A_12 = arith.constant 0 : index
    %get3A_13 = arith.constant 0 : index
    %get3A_14 = vector.load %arg0[%get3A_12, %get3A_13] : memref<10000x40xf32, #tpu.memory_space<vmem>>, vector<10000x40xf32>
    %mul3A = vector.broadcast %get3A_1 : vector<10240x1xf32> to vector<10240x32xf32>
    %mul3A_15 = arith.mulf %mul3A, %add3A : vector<10240x32xf32>
    %slice3A = vector.extract_strided_slice %mul3A_15 {offsets = [0, 0], sizes = [10000, 32], strides = [1, 1]} : vector<10240x32xf32> to vector<10000x32xf32>
    %get3A_16 = arith.constant 0 : index
    %get3A_17 = arith.constant 0 : index
    %get3A_18 = vector.load %arg3[%get3A_16, %get3A_17] : memref<32x40xf32, #tpu.memory_space<vmem>>, vector<32x40xf32>
    %dot_general3A = arith.constant dense<0.000000e+00> : vector<10000x40xf32>
    %dot_general3A_19 = tpu.matmul %slice3A, %get3A_18, %dot_general3A {dimension_numbers = #tpu.dot_dimension_numbers<[1], [0], [0], [1], [0, 0, 1, 1], [], []>, transpose_lhs_hint = false} : vector<10000x32xf32>, vector<32x40xf32>, vector<10000x40xf32> -> vector<10000x40xf32>
    %sub3A = arith.subf %get3A_14, %dot_general3A_19 : vector<10000x40xf32>
    %reduce_max3A = arith.constant dense<0xFF800000> : vector<10000xf32>
    %reduce_max3A_20 = vector.multi_reduction <maximumf>, %sub3A, %reduce_max3A [1] : vector<10000x40xf32> to vector<10000xf32>
    %broadcast_in_dim3A = vector.shape_cast %reduce_max3A_20 : vector<10000xf32> to vector<10000x1xf32>
    %sub3A_21 = vector.broadcast %broadcast_in_dim3A : vector<10000x1xf32> to vector<10000x40xf32>
    %sub3A_22 = arith.subf %sub3A, %sub3A_21 : vector<10000x40xf32>
    %exp3A = math.exp %sub3A_22 : vector<10000x40xf32>
    %reduce_sum3A = arith.constant dense<0.000000e+00> : vector<10000xf32>
    %reduce_sum3A_23 = vector.multi_reduction <add>, %exp3A, %reduce_sum3A [1] : vector<10000x40xf32> to vector<10000xf32>
    %broadcast_in_dim3A_24 = vector.shape_cast %reduce_sum3A_23 : vector<10000xf32> to vector<10000x1xf32>
    %log3A = math.log %broadcast_in_dim3A_24 : vector<10000x1xf32>
    %add3A_25 = arith.addf %broadcast_in_dim3A, %log3A : vector<10000x1xf32>
    %sub3A_26 = vector.broadcast %add3A_25 : vector<10000x1xf32> to vector<10000x40xf32>
    %sub3A_27 = arith.subf %sub3A, %sub3A_26 : vector<10000x40xf32>
    %swap3A = arith.constant 0 : index
    %swap3A_28 = arith.constant 0 : index
    %swap3A_29 = vector.load %arg4[%swap3A, %swap3A_28] : memref<10000x40xf32, #tpu.memory_space<vmem>>, vector<10000x40xf32>
    tpu.vector_store %arg4[%swap3A, %swap3A_28], %sub3A_27 {strides = array<i32>} : memref<10000x40xf32, #tpu.memory_space<vmem>>, vector<10000x40xf32>,
    return
  }
}

</mosaic_0001>

<sc_bundles>
// kernel: kernel.12.cloned.1.call-start
scs
__scs_entry_jumppad:
0x0: {  	(pc) =	sbr.rel $0x88, $3  }
0x1: {  	(tag) =	ssettag $0x0;
	lr =	simm.s32 $0x1  }
0x2: {  	[smem:$0x3F99] =	sst lr;
	_ =	strace $0xD0000000  }
0x3: {  	_ = 	snop  }
0x4: {  	_ = 	snop  }
0x5: {  	_ = 	snop  }
0x6: {  	_ = 	snop  }
0x7: {  	_ = 	snop  }
__scs_overlays_trampoline_lowered:
0x8: {  	[smem:$0x3FA8] =	sst s0  }
0x9: {  	[smem:$0x3FA9] =	sst s1  }
0xa: {  	[smem:$0x3FAA] =	sst s2  }
0xb: {  	[smem:$0x3FAB] =	sst s3  }
0xc: {  	[smem:$0x3FAC] =	sst s4  }
0xd: {  	[smem:$0x3FAD] =	sst s5  }
0xe: {  	[smem:$0x3FAE] =	sst s6  }
0xf: {  	[smem:$0x3FAF] =	sst s7  }
0x10: {  	[smem:$0x3FB0] =	sst s8  }
0x11: {  	[smem:$0x3FB1] =	sst s9;
	s0 =	simm.s32 @!p0 $0x0  }
0x12: {  	s1 =	sld [smem:$0x3F97];
	s0 =	simm.s32 @p0 $0x1  }
0x13: {  	[smem:$0x3FB2] =	sst s0;
	s0 =	simm.s32 @!p1 $0x0  }
0x14: {  	s2 =	sld [smem:$0x3F96];
	s0 =	simm.s32 @p1 $0x1  }
0x15: {  	[smem:$0x3FB3] =	sst s0;
	s0 =	simm.s32 @!p2 $0x0  }
0x16: {  	s3 =	sld [smem:$0x3FDB];
	s0 =	simm.s32 @p2 $0x1  }
0x17: {  	s4 =	simm.s32 $0x1BF5;
	[smem:$0x3FB5] =	sst s0  }
0x18: {  	s0 =	sld [smem:$0x3F98];
	_ =	swait.ge [sflag:s4], $0x0  }
0x19: {  	s7 =	sld [smem:$0x3F99]  }
0x1a: {  	s8 =	sadd.s32 $0xFFFFE003, lr  }
0x1b: {  	s9 =	sadd.s32 $0xFFFFFEF7, lr;
	s5 =	simm.s32 $0xFFFFFFFF;
	p2 =	slt.u32 s8, $0xFFFFF086  }
0x1c: {  	p1 =	slt.u32 s9, $0xF7A;
	s5 =	simm.s32 @!p2 $0x0  }
0x1d: {  	s5 =	simm.s32 @p1 $0x1;
	p0 =	seq.s32 s7, s2  }
0x1e: {  	s7 =	smul.u32 @!p0 $0xF7A, s2;
	p2 =	seq.s32 @!p0 s5, $0x0  }
0x1f: {  	s9 =	smul.u32 $0xF7A, s1;
	s8 =	simm.s32 @!p0 $0x1BF5;
	p2 =	por !p2, p0  }
0x20: {  	[sflag:s8] =	ssyncset.s32 @!p0 $0xFFFFF086;
	s6 =	sadd.s32 @!p0 s3, s7;
	s7 =	simm.s32 @!p0 $0x108  }
0x21: {  	s3 =	sadd.s32 s3, s9;
	s6 =	sadd.s32 @!p0 $0x88, s6;
	s7 =	simm.s32 @p2 $0x1082  }
0x22: {  	[simem:s7], [sflag:s8] =	dma.local @!p0 [hbm:s6], $0xF7A  }
0x23: {  	s9 =	sor.u32 $0xD0000000, s2;
	s6 =	simm.s32 $0x108;
	_ =	swait.ge @!p0 [sflag:s8], $0x0  }
0x24: {  	s3 =	sadd.s32 $0x88, s3;
	s6 =	simm.s32 @!p1 $0x1082;
	[sflag:s4] =	ssyncset.s32 $0xFFFFF086  }
0x25: {  	[simem:s6], [sflag:s4] =	dma.local [hbm:s3], $0xF7A  }
0x26: {  	[smem:$0x3F99] =	sst s1;
	(tag) =	ssettag s2;
	_ =	strace s9  }
0x27: {  	s1 =	sld [smem:$0x3FA9]  }
0x28: {  	s2 =	sld [smem:$0x3FAA]  }
0x29: {  	s4 =	sld [smem:$0x3FAC]  }
0x2a: {  	p0 =	seq.s32 s5, $0x0;
	s5 =	sld [smem:$0x3FAD]  }
0x2b: {  	s6 =	sld [smem:$0x3FAE]  }
0x2c: {  	s7 =	sld [smem:$0x3FAF]  }
0x2d: {  	s3 =	simm.s32 $0x108;
	s8 =	sld [smem:$0x3FB0]  }
0x2e: {  	s3 =	simm.s32 @!p0 $0x1082;
	s9 =	sld [smem:$0x3FB1]  }
0x2f: {  	lr =	sadd.s32 s0, s3;
	s0 =	sld [smem:$0x3FA8]  }
0x30: {  	s3 =	sld [smem:$0x3FAB]  }
0x31: {  	[smem:$0x3FB4] =	sst s10  }
0x32: {  	s10 =	sld [smem:$0x3FB2];
	_ =	sdelay $0x3  }
0x33: {  	p0 =	seq.s32 s10, $0x1;
	s10 =	sld [smem:$0x3FB4];
	_ =	sdelay $0x3  }
0x34: {  	[smem:$0x3FB4] =	sst s10  }
0x35: {  	s10 =	sld [smem:$0x3FB3];
	_ =	sdelay $0x3  }
0x36: {  	p1 =	seq.s32 s10, $0x1;
	s10 =	sld [smem:$0x3FB4];
	_ =	sdelay $0x3  }
0x37: {  	[smem:$0x3FB4] =	sst s10  }
0x38: {  	s10 =	sld [smem:$0x3FB5]  }
0x39: {  	_ = 	snop;
	(pc) =	sbr.ind lr, $3  }
0x3a: {  	_ = 	snop  }
0x3b: {  	_ = 	snop  }
0x3c: {  	p2 =	seq.s32 s10, $0x1;
	s10 =	sld [smem:$0x3FB4]  }
0x3d: {  	_ =	shalt  }
0x3e: {  	_ =	shalt  }
0x3f: {  	_ =	shalt  }
0x40: {  	_ =	shalt  }
0x41: {  	_ =	shalt  }
0x42: {  	_ =	shalt  }
0x43: {  	_ =	shalt  }
0x44: {  	_ =	shalt  }
0x45: {  	_ =	shalt  }
0x46: {  	_ =	shalt  }
0x47: {  	_ =	shalt  }
0x48: {  	_ =	shalt  }
0x49: {  	_ =	shalt  }
0x4a: {  	_ =	shalt  }
0x4b: {  	_ =	shalt  }
0x4c: {  	_ =	shalt  }
0x4d: {  	_ =	shalt  }
0x4e: {  	_ =	shalt  }
0x4f: {  	_ =	shalt  }
0x50: {  	_ =	shalt  }
0x51: {  	_ =	shalt  }
0x52: {  	_ =	shalt  }
0x53: {  	_ =	shalt  }
0x54: {  	_ =	shalt  }
0x55: {  	_ =	shalt  }
0x56: {  	_ =	shalt  }
0x57: {  	_ =	shalt  }
0x58: {  	_ =	shalt  }
0x59: {  	_ =	shalt  }
0x5a: {  	_ =	shalt  }
0x5b: {  	_ =	shalt  }
0x5c: {  	_ =	shalt  }
0x5d: {  	_ =	shalt  }
0x5e: {  	_ =	shalt  }
0x5f: {  	_ =	shalt  }
0x60: {  	_ =	shalt  }
0x61: {  	_ =	shalt  }
0x62: {  	_ =	shalt  }
0x63: {  	_ =	shalt  }
0x64: {  	_ =	shalt  }
0x65: {  	_ =	shalt  }
0x66: {  	_ =	shalt  }
0x67: {  	_ =	shalt  }
0x68: {  	_ =	shalt  }
0x69: {  	_ =	shalt  }
0x6a: {  	_ =	shalt  }
0x6b: {  	_ =	shalt  }
0x6c: {  	_ =	shalt  }
0x6d: {  	_ =	shalt  }
0x6e: {  	_ =	shalt  }
0x6f: {  	_ =	shalt  }
0x70: {  	_ =	shalt  }
0x71: {  	_ =	shalt  }
0x72: {  	_ =	shalt  }
0x73: {  	_ =	shalt  }
0x74: {  	_ =	shalt  }
0x75: {  	_ =	shalt  }
0x76: {  	_ =	shalt  }
0x77: {  	_ =	shalt  }
0x78: {  	_ =	shalt  }
0x79: {  	_ =	shalt  }
0x7a: {  	_ =	shalt  }
0x7b: {  	_ =	shalt  }
0x7c: {  	_ =	shalt  }
0x7d: {  	_ =	shalt  }
0x7e: {  	_ =	shalt  }
0x7f: {  	_ =	shalt  }
0x80: {  	_ =	shalt  }
0x81: {  	_ =	shalt  }
0x82: {  	_ =	shalt  }
0x83: {  	_ =	shalt  }
0x84: {  	_ =	shalt  }
0x85: {  	_ =	shalt  }
0x86: {  	_ =	shalt  }
0x87: {  	_ =	shalt  }
.Lfunc_end0:
.L_simem_size_0:
called_computation.1_lowered:
.L_overlay_start_0:
0x88: {  	s2 =	sld [smem:$0x3FD9]  }
0x89: {  	s3 =	sld [smem:$0x3FFE];
	_ =	sdelay $0x1  }
0x8a: {  	s1 =	srdreg.scid  }
0x8b: {  	s0 =	sand.u32 $0x1, s1  }
0x8c: {  	s14 =	sshll.u32 s0, $0xA;
	s2 =	sadd.s32 s3, s2  }
0x8d: {  	s2 =	sadd.s32 s2, s14  }
0x8e: {  	[smem:$0x3FC0] =	sst s2  }
0x8f: {  	_ = 	snop  }
0x90: {  	s2 =	sld [smem:$0x3FD0];
	_ =	sdelay $0x2  }
0x91: {  	s15 =	simm.s32 $0xA;
	s4 =	simm.s32 $0x10  }
0x92: {  	[smem:s4], [sflag:s15] =	dma.local [hbm:s2], $0x1  }
0x93: {  	_ =	swait.eq [sflag:s15], $0x1  }
0x94: {  	[sflag:s15] =	ssyncset.done $0x0  }
0x95: {  	[sflag:s15] =	ssyncadd.s32 $0xFFFFFFFF  }
0x96: {  	s16 =	sld [smem:$0x10];
	(tm) =	ssettm $0x1  }
0x97: {  	s17 =	sld [smem:$0x3FFB];
	_ =	sdelay $0x3  }
0x98: {  	_ =	strace s17  }
0x99: {  	s3 =	sld [smem:$0x3FFC];
	_ =	sdelay $0x3  }
0x9a: {  	_ =	strace s3  }
0x9b: {  	s3 =	sld [smem:$0x3FFD];
	_ =	sdelay $0x3  }
0x9c: {  	_ =	strace s3  }
0x9d: {  	_ =	strace $0x8FFFFFFF  }
0x9e: {  	s18 =	sld [smem:$0x3FDB];
	_ =	sdelay $0x1  }
0x9f: {  	s19 =	simm.s32 $_scs_section_size  }
0xa0: {  	s5 =	simm.s32 $_size__tile_overlayer_lowered;
	s6 =	simm.s32 $_tile_overlayer_lowered  }
0xa1: {  	s22 =	simm.s32 $0x1BFF;
	s21 =	sshll.u32 s6, $0x1;
	s3 =	sadd.s32 s19, s18  }
0xa2: {  	s7 =	simm.s32 $0x0;
	s20 =	sshll.u32 s5, $0x1;
	s5 =	sadd.s32 s21, s3  }
0xa3: {  	[timem:s7], [sflag:s22] =	dma.local [hbm:s5], s20  }
0xa4: {  	_ =	swait.ge [sflag:s22], s20  }
0xa5: {  	s4 =	ssub.s32 $0x0, s20;
	[sflag:s22] =	ssyncset.done $0x0  }
0xa6: {  	[sflag:s22] =	ssyncadd.s32 s4;
	_ =	sdelay $0x1  }
0xa7: {  	s23 =	simm.s32 $0x1B8B  }
0xa8: {  	_ =	swait.ge [sflag:s23], $0x1  }
0xa9: {  	[sflag:s23] =	ssyncset.done $0x0  }
0xaa: {  	s25 =	simm.s32 $0x1B8E;
	s24 =	sld [smem:$0x3FFE];
	[sflag:s23] =	ssyncadd.s32 $0xFFFFFFFF  }
0xab: {  	s26 =	simm.s32 $execute0_lowered;
	[smem:$0x3FD2] =	sst s25  }
0xac: {  	s5 =	sshll.u32 s26, $0x1;
	_ =	strace $0x80000049;
	[dreg:$0x1] =	wrdreg $0xFFFFFFFF  }
0xad: {  	s28 =	simm.s32 $_size_execute0_lowered;
	s3 =	sadd.s32 s3, s5;
	[dreg:$0x0] =	wrdreg $0x0  }
0xae: {  	s5 =	sshll.u32 s28, $0x1;
	[dreg:$0x2] =	wrdreg s3  }
0xaf: {  	[dreg:$0x3] =	wrdreg s5  }
0xb0: {  	[dreg:$0x4] =	wrdreg $0xC0  }
0xb1: {  	_ =	task [dreg:s7], $0x5FFFF  }
0xb2: {  	[dreg:$0x1] =	wrdreg $0xFFFFFFFF  }
0xb3: {  	[dreg:$0x0] =	wrdreg $0x60  }
0xb4: {  	[dreg:$0x2] =	wrdreg s24  }
0xb5: {  	[dreg:$0x3] =	wrdreg s16  }
0xb6: {  	[dreg:$0x4] =	wrdreg $0xD0000  }
0xb7: {  	[dreg:$0x5] =	wrdreg $0x120000  }
0xb8: {  	[dreg:$0x6] =	wrdreg $0x9  }
0xb9: {  	_ =	task.clear_ibuf [dreg:s7], $0x7FFFF;
	_ =	strace $0x90000049  }
0xba: {  	s29 =	simm.s32 $0x9;
	_ =	strace $0x8000004B  }
0xbb: {  	_ =	swait.ge [sflag:s29], $0x1  }
0xbc: {  	[sflag:s29] =	ssyncadd.s32 $0xFFFFFFFF  }
0xbd: {  	_ =	strace $0x9000004B  }
0xbe: {  	_ =	sfence  }
0xbf: {  	s30 =	sld [smem:$0x0];
	_ =	sdelay $0x2  }
0xc0: {  	s31 =	sshll.u32 s1, $0xD;
	s1 =	sshrl.u32 s1, $0x2  }
0xc1: {  	s3 =	sand.u32 $0x4000, s31;
	s1 =	sadd.s32 s1, s30  }
0xc2: {  	s0 =	sor.u32 s3, s0;
	s1 =	sshll.u32 s1, $0x11  }
0xc3: {  	s0 =	sor.u32 s1, s0  }
0xc4: {  	s0 =	sadd.s32 $0x8F2B, s0  }
0xc5: {  	[sflag:s0] =	ssyncadd.remote.s32 $0x1  }
0xc6: {  	_ =	sfence.sel $0xFFFF  }
0xc7: {  	[dreg:$0x0] =	wrdreg $0xFFFFFFFF;
	(pc) =	sbr.abs _section_cstart, $3  }
0xc8: {  	[dreg:$0x1] =	wrdreg $0xFFFFFFFF  }
0xc9: {  	_ =	task.clear_ibuf [dreg:s7], $0x2FFFF;
	_ =	strace $0x9FFFFFFF  }
0xca: {  	(tm) =	ssettm $0x7FFFFFFF  }
0xcb: {  	_ =	shalt  }
tec
execute0_lowered:
.L_overlay_start_1:
0x0: {  	(tag) =	ssettag $0x1  }
0x1: {  	s0 =	rddreg [dreg:$0x0]  }
0x2: {  	s1 =	rddreg [dreg:$0x1]  }
0x3: {  	s2 =	rddreg [dreg:$0x2]  }
0x4: {  	s3 =	rddreg [dreg:$0x3];
	s7 =	simm.s32 $0x0  }
0x5: {  	s12 =	stileid.u32;
	s4 =	srdreg.scid;
	s11 =	simm.s32 $0x11  }
0x6: {  	s16 =	simm.s32 $0x80;
	s17 =	simm.s32 $0x5000;
	s18 =	simm.s32 $0x6000  }
0x7: {  	s28 =	simm.s32 $0x3;
	s29 =	simm.s32 $0xB000;
	s30 =	simm.s32 $0x4  }
0x8: {  	s31 =	simm.s32 $0xC000;
	s5 =	smul.u32 $0x5000, s12;
	s4 =	sand.u32 $0x1, s4  }
0x9: {  	s6 =	sshll.u32 s12, $0x1;
	[smem:$0x7FF] =	sst s7;
	s25 =	sshll.u32 s12, $0x6  }
0xa: {  	s12 =	simm.s32 $0x7;
	s6 =	sor.u32 s4, s6;
	s19 =	smul.u32 $0x50000, s4  }
0xb: {  	_ =	strace $0x8000004A;
	s4 =	ssub.s32 $0x2, s4;
	s13 =	sor.u32 $0x1C11, s25  }
0xc: {  	s25 =	simm.s32 $0x2;
	s8 =	sshrl.u32 s5, $0x3;
	s6 =	smul.u32 $0x500, s6  }
0xd: {  	s10 =	sshrl.u32 s4, $0x1;
	s21 =	sadd.s32 s5, s2;
	s8 =	sadd.s32 s8, s0  }
0xe: {  	s7 =	sadd.s32 s5, s19;
	s4 =	ssub.s32 s4, s10;
	s5 =	sadd.s32 s5, s3  }
0xf: {  	s14 =	sshrl.u32 s21, $0x3;
	s19 =	simm.s32 $0xB;
	s21 =	simm.s32 $0x8  }
0x10: {  	s10 =	simm.s32 $0x0;
	s9 =	sadd.s32 s6, s0;
	s1 =	sadd.s32 s1, s6  }
0x11: {  	s7 =	sshrl.u32 s7, $0x3;
	s22 =	sadd.s32 $0x3F200, s8;
	[dreg:$0x5] =	wrdreg s1  }
0x12: {  	s23 =	sadd.s32 $0x35200, s8;
	s24 =	smax.u32 s4, $0x1;
	[dreg:$0x7] =	wrdreg s22  }
0x13: {  	s26 =	sshrl.u32 s5, $0x3;
	s5 =	simm.s32 $0xC;
	[dreg:$0x8] =	wrdreg s23  }
.Ltmp0:
0x14: {  	s0 =	sadd.s32 s7, s0;
	[dreg:$0xa] =	wrdreg s24;
	(pc) =	sbr.rel .LBB2_1-.Ltmp0, $4  }
0x15: {  	s20 =	sadd.s32 $0x3200, s9;
	[dreg:$0xb] =	wrdreg s26;
	s22 =	simm.s32 $0x8000  }
0x16: {  	s23 =	simm.s32 $0x1;
	s24 =	simm.s32 $0x9000;
	s26 =	simm.s32 $0xA000  }
0x17: {  	s1 =	simm.s32 $0x9;
	[dreg:$0x6] =	wrdreg s20;
	s0 =	sadd.s32 $0x49200, s0  }
0x18: {  	s20 =	simm.s32 $0x7000;
	[dreg:$0x9] =	wrdreg s0;
	s0 =	simm.s32 $0x5  }
.LBB2_4:
0x19: {  	_ =	swait.ge [sflag:s21], $0x1000  }
0x1a: {  	[sflag:s21] =	ssyncset.done $0x0  }
0x1b: {  	[sflag:s21] =	ssyncadd.s32 $0xFFFFF000  }
0x1c: {  	[spmem:s2] =	stream.indirect.scatter.add.f32 [tilespmem:s31], [sflag:$0x10], $0x20, s6, s16, $0xb8;
	[tilespmem:$0x17000] =	vst v63  }
0x1d: {  	_ =	swait.ge [sflag:s5], $0x1000  }
0x1e: {  	[sflag:s5] =	ssyncset.done $0x0  }
0x1f: {  	s4 =	simm.s32 $0xD;
	[sflag:s5] =	ssyncadd.s32 $0xFFFFF000  }
0x20: {  	_ =	swait.ge [sflag:s4], $0x1000  }
0x21: {  	[sflag:s4] =	ssyncset.done $0x0  }
0x22: {  	s6 =	simm.s32 $0xE;
	[sflag:s4] =	ssyncadd.s32 $0xFFFFF000  }
0x23: {  	_ =	swait.ge [sflag:s6], $0x1000  }
0x24: {  	[sflag:s6] =	ssyncset.done $0x0  }
0x25: {  	s7 =	simm.s32 $0xF;
	[sflag:s6] =	ssyncadd.s32 $0xFFFFF000  }
0x26: {  	_ =	swait.ge [sflag:s7], $0x1000  }
0x27: {  	[sflag:s7] =	ssyncset.done $0x0  }
0x28: {  	s8 =	simm.s32 $0x10;
	[sflag:s7] =	ssyncadd.s32 $0xFFFFF000  }
0x29: {  	_ =	swait.ge [sflag:s8], $0x1000  }
0x2a: {  	[sflag:s8] =	ssyncset.done $0x0  }
0x2b: {  	[sflag:s8] =	ssyncadd.s32 $0xFFFFF000  }
0x2c: {  	[bflag:$0x0] =	sbarrier.arrive $0xFFFF  }
0x2d: {  	s9 =	rddreg [dreg:$0x9]  }
0x2e: {  	[hbm:s9], [sflag:s13] =	dma.local [spmem:s14], $0xA00  }
0x2f: {  	_ =	swait.ge [sflag:s11], $0xA00  }
0x30: {  	s10 =	sadd.s32 $0x1, s10;
	s15 =	rddreg [dreg:$0xa]  }
0x31: {  	p0 =	sne.s32 s10, s15  }
.Ltmp1:
0x32: {  	_ = 	snop;
	(pc) =	sbr.rel @!p0 .LBB2_5-.Ltmp1, $3  }
0x33: {  	_ =	sdelay $0x1  }
0x34: {  	[sflag:s11] =	ssyncset.done $0x0  }
0x35: {  	[sflag:s11] =	ssyncadd.s32 $0xFFFFF600  }
.LBB2_1:
0x36: {  	s4 =	simm.s32 $0x0;
	s6 =	rddreg [dreg:$0x5]  }
0x37: {  	[tilespmem:s4], [sflag:$0x11] =	stream.linear.gather [hbm4b:s6+s4], $0x2800, $0x38;
	[tilespmem:$0x17000] =	vst v63  }
0x38: {  	_ =	swait.ge [sflag:s11], $0x2800  }
0x39: {  	[sflag:s11] =	ssyncset.done $0x0  }
0x3a: {  	s7 =	simm.s32 $0x2800;
	s9 =	rddreg [dreg:$0x6];
	[sflag:s11] =	ssyncadd.s32 $0xFFFFD800  }
0x3b: {  	[tilespmem:s7], [sflag:$0x11] =	stream.linear.gather [hbm4b:s9+s4], $0x2800, $0x38;
	[tilespmem:$0x17000] =	vst v63  }
0x3c: {  	_ =	swait.ge [sflag:s11], $0x2800  }
0x3d: {  	[sflag:s11] =	ssyncset.done $0x0  }
0x3e: {  	s15 =	rddreg [dreg:$0x7];
	[sflag:s11] =	ssyncadd.s32 $0xFFFFD800  }
0x3f: {  	[spmem:s14], [sflag:s13] =	dma.local [hbm:s15], $0xA00  }
0x40: {  	_ =	swait.ge [sflag:s11], $0xA00  }
0x41: {  	[sflag:s11] =	ssyncset.done $0x0;
	s7 =	rddreg [dreg:$0x8]  }
0x42: {  	s8 =	rddreg [dreg:$0xb];
	[sflag:s11] =	ssyncadd.s32 $0xFFFFF600  }
0x43: {  	[spmem:s8], [sflag:s13] =	dma.local [hbm:s7], $0xA00  }
0x44: {  	_ =	swait.ge [sflag:s11], $0xA00  }
0x45: {  	[sflag:s11] =	ssyncset.done $0x0  }
0x46: {  	[sflag:s11] =	ssyncadd.s32 $0xFFFFF600  }
0x47: {  	[bflag:$0x0] =	sbarrier.arrive $0xFFFF  }
0x48: {  	[tilespmem:s17], [sflag:$0x1] =	stream.indirect.gather [spmem:s3], $0x20, s4, s16, $0xb8;
	[tilespmem:$0x17000] =	vst v63  }
0x49: {  	_ = 	snop  }
0x4a: {  	[tilespmem:s18], [sflag:$0x2] =	stream.indirect.gather [spmem:s3], $0x20, s16, s16, $0xb8;
	[tilespmem:$0x17000] =	vst v63  }
0x4b: {  	s9 =	simm.s32 $0x100  }
0x4c: {  	[tilespmem:s20], [sflag:$0x3] =	stream.indirect.gather [spmem:s3], $0x20, s9, s16, $0xb8;
	[tilespmem:$0x17000] =	vst v63  }
0x4d: {  	s15 =	simm.s32 $0x180  }
0x4e: {  	[tilespmem:s22], [sflag:$0x4] =	stream.indirect.gather [spmem:s3], $0x20, s15, s16, $0xb8;
	[tilespmem:$0x17000] =	vst v63  }
0x4f: {  	s15 =	simm.s32 $0x0  }
.LBB2_2:
0x50: {  	_ =	swait.ge [sflag:s23], $0x1000  }
0x51: {  	s4 =	sshra.s32 s15, $0x2;
	[sflag:s23] =	ssyncset.done $0x0  }
0x52: {  	p0 =	seq.s32 s15, $0x0;
	s6 =	sadd.s32 $0x2800, s4;
	[sflag:s23] =	ssyncadd.s32 $0xFFFFF000  }
0x53: {  	[spmem:s2] =	stream.indirect.scatter.add.f32 [tilespmem:s17], [sflag:$0x9], $0x20, s6, s16, $0xb8;
	[tilespmem:$0x17000] =	vst v63  }
0x54: {  	s6 =	simm.s32 @!p0 $0xD  }
0x55: {  	_ =	swait.ge @!p0 [sflag:s6], $0x1000  }
0x56: {  	[sflag:s6] =	ssyncset.done @!p0 $0x0  }
0x57: {  	s7 =	sadd.s32 $0x200, s4;
	[sflag:s6] =	ssyncadd.s32 @!p0 $0xFFFFF000  }
0x58: {  	[tilespmem:s24], [sflag:$0x5] =	stream.indirect.gather [spmem:s3], $0x20, s7, s16, $0xb8;
	[tilespmem:$0x17000] =	vst v63  }
0x59: {  	_ =	swait.ge [sflag:s25], $0x1000  }
0x5a: {  	[sflag:s25] =	ssyncset.done $0x0  }
0x5b: {  	s8 =	sadd.s32 $0x2880, s4;
	s6 =	simm.s32 @!p0 $0xE;
	[sflag:s25] =	ssyncadd.s32 $0xFFFFF000  }
0x5c: {  	[spmem:s2] =	stream.indirect.scatter.add.f32 [tilespmem:s18], [sflag:$0xA], $0x20, s8, s16, $0xb8;
	[tilespmem:$0x17000] =	vst v63  }
0x5d: {  	_ =	swait.ge @!p0 [sflag:s6], $0x1000  }
0x5e: {  	[sflag:s6] =	ssyncset.done @!p0 $0x0  }
0x5f: {  	s9 =	sadd.s32 $0x280, s4;
	[sflag:s6] =	ssyncadd.s32 @!p0 $0xFFFFF000  }
0x60: {  	[tilespmem:s26], [sflag:$0x6] =	stream.indirect.gather [spmem:s3], $0x20, s9, s16, $0xb8;
	[tilespmem:$0x17000] =	vst v63  }
0x61: {  	_ =	swait.ge [sflag:s28], $0x1000  }
0x62: {  	[sflag:s28] =	ssyncset.done $0x0  }
0x63: {  	s7 =	sadd.s32 $0x2900, s4;
	s6 =	simm.s32 @!p0 $0xF;
	[sflag:s28] =	ssyncadd.s32 $0xFFFFF000  }
0x64: {  	[spmem:s2] =	stream.indirect.scatter.add.f32 [tilespmem:s20], [sflag:$0xB], $0x20, s7, s16, $0xb8;
	[tilespmem:$0x17000] =	vst v63  }
0x65: {  	_ =	swait.ge @!p0 [sflag:s6], $0x1000  }
0x66: {  	[sflag:s6] =	ssyncset.done @!p0 $0x0  }
0x67: {  	s8 =	sadd.s32 $0x300, s4;
	[sflag:s6] =	ssyncadd.s32 @!p0 $0xFFFFF000  }
0x68: {  	[tilespmem:s29], [sflag:$0x7] =	stream.indirect.gather [spmem:s3], $0x20, s8, s16, $0xb8;
	[tilespmem:$0x17000] =	vst v63  }
0x69: {  	_ =	swait.ge [sflag:s30], $0x1000  }
0x6a: {  	[sflag:s30] =	ssyncset.done $0x0  }
0x6b: {  	s9 =	sadd.s32 $0x2980, s4;
	s6 =	simm.s32 @!p0 $0x10;
	[sflag:s30] =	ssyncadd.s32 $0xFFFFF000  }
0x6c: {  	[spmem:s2] =	stream.indirect.scatter.add.f32 [tilespmem:s22], [sflag:$0xC], $0x20, s9, s16, $0xb8;
	[tilespmem:$0x17000] =	vst v63  }
0x6d: {  	_ =	swait.ge @!p0 [sflag:s6], $0x1000  }
0x6e: {  	[sflag:s6] =	ssyncset.done @!p0 $0x0  }
0x6f: {  	s7 =	sadd.s32 $0x380, s4;
	[sflag:s6] =	ssyncadd.s32 @!p0 $0xFFFFF000  }
0x70: {  	[tilespmem:s31], [sflag:$0x8] =	stream.indirect.gather [spmem:s3], $0x20, s7, s16, $0xb8;
	[tilespmem:$0x17000] =	vst v63  }
0x71: {  	_ =	swait.ge [sflag:s0], $0x1000  }
0x72: {  	[sflag:s0] =	ssyncset.done $0x0  }
0x73: {  	s8 =	sadd.s32 $0x2A00, s4;
	[sflag:s0] =	ssyncadd.s32 $0xFFFFF000  }
0x74: {  	[spmem:s2] =	stream.indirect.scatter.add.f32 [tilespmem:s24], [sflag:$0xD], $0x20, s8, s16, $0xb8;
	[tilespmem:$0x17000] =	vst v63  }
0x75: {  	_ =	swait.ge [sflag:s1], $0x1000  }
0x76: {  	p0 =	seq.s32 s15, $0x9000;
	[sflag:s1] =	ssyncset.done $0x0  }
0x77: {  	s6 =	simm.s32 @p0 $0x6;
	[sflag:s1] =	ssyncadd.s32 $0xFFFFF000  }
0x78: {  	_ =	swait.ge @p0 [sflag:s6], $0x1000  }
0x79: {  	[sflag:s6] =	ssyncset.done @p0 $0x0  }
0x7a: {  	[sflag:s6] =	ssyncadd.s32 @p0 $0xFFFFF000;
	s6 =	sshra.s32 @p0 s15, $0x2  }
0x7b: {  	s7 =	simm.s32 @p0 $0x80;
	s8 =	simm.s32 @p0 $0xA000;
	s6 =	sadd.s32 @p0 $0x2A80, s6  }
0x7c: {  	[spmem:s2] =	stream.indirect.scatter.add.f32 @p0 [tilespmem:s8], [sflag:$0xE], $0x20, s6, s7, $0xb8;
	[tilespmem:$0x17000] =	vst v63  }
0x7d: {  	s6 =	simm.s32 @p0 $0xA  }
0x7e: {  	_ =	swait.ge @p0 [sflag:s6], $0x1000  }
0x7f: {  	[sflag:s6] =	ssyncset.done @p0 $0x0  }
0x80: {  	[sflag:s6] =	ssyncadd.s32 @p0 $0xFFFFF000;
	s6 =	sshra.s32 @!p0 s15, $0x2  }
0x81: {  	s9 =	simm.s32 @!p0 $0x5000;
	s8 =	simm.s32 @!p0 $0x80;
	s7 =	sadd.s32 @!p0 $0x400, s6  }
0x82: {  	[tilespmem:s9], [sflag:$0x1] =	stream.indirect.gather @!p0 [spmem:s3], $0x20, s7, s8, $0xb8;
	[tilespmem:$0x17000] =	vst v63  }
0x83: {  	s7 =	simm.s32 @!p0 $0x6  }
0x84: {  	_ =	swait.ge @!p0 [sflag:s7], $0x1000  }
0x85: {  	[sflag:s7] =	ssyncset.done @!p0 $0x0  }
0x86: {  	s9 =	simm.s32 @!p0 $0xA000;
	[sflag:s7] =	ssyncadd.s32 @!p0 $0xFFFFF000;
	s7 =	sadd.s32 @!p0 $0x2A80, s6  }
0x87: {  	[spmem:s2] =	stream.indirect.scatter.add.f32 @!p0 [tilespmem:s9], [sflag:$0xE], $0x20, s7, s8, $0xb8;
	[tilespmem:$0x17000] =	vst v63  }
0x88: {  	s7 =	simm.s32 @!p0 $0xA  }
0x89: {  	_ =	swait.ge @!p0 [sflag:s7], $0x1000  }
0x8a: {  	[sflag:s7] =	ssyncset.done @!p0 $0x0  }
0x8b: {  	s6 =	sadd.s32 @!p0 $0x480, s6;
	[sflag:s7] =	ssyncadd.s32 @!p0 $0xFFFFF000;
	s7 =	simm.s32 @!p0 $0x6000  }
0x8c: {  	[tilespmem:s7], [sflag:$0x2] =	stream.indirect.gather @!p0 [spmem:s3], $0x20, s6, s8, $0xb8;
	[tilespmem:$0x17000] =	vst v63  }
0x8d: {  	_ =	swait.ge [sflag:s12], $0x1000  }
0x8e: {  	[sflag:s12] =	ssyncset.done $0x0  }
.Ltmp2:
0x8f: {  	s9 =	sadd.s32 $0x2B00, s4;
	[sflag:s12] =	ssyncadd.s32 $0xFFFFF000;
	(pc) =	sbr.rel @p0 .LBB2_4-.Ltmp2, $4  }
0x90: {  	[spmem:s2] =	stream.indirect.scatter.add.f32 [tilespmem:s29], [sflag:$0xF], $0x20, s9, s16, $0xb8;
	[tilespmem:$0x17000] =	vst v63  }
0x91: {  	_ =	swait.ge [sflag:s19], $0x1000  }
0x92: {  	[sflag:s19] =	ssyncset.done $0x0  }
0x93: {  	s6 =	sadd.s32 $0x2B80, s4;
	[sflag:s19] =	ssyncadd.s32 $0xFFFFF000  }
0x94: {  	s7 =	sadd.s32 $0x500, s4  }
0x95: {  	[tilespmem:s20], [sflag:$0x3] =	stream.indirect.gather [spmem:s3], $0x20, s7, s16, $0xb8;
	[tilespmem:$0x17000] =	vst v63  }
0x96: {  	_ =	swait.ge [sflag:s21], $0x1000  }
0x97: {  	[sflag:s21] =	ssyncset.done $0x0  }
0x98: {  	[sflag:s21] =	ssyncadd.s32 $0xFFFFF000  }
0x99: {  	[spmem:s2] =	stream.indirect.scatter.add.f32 [tilespmem:s31], [sflag:$0x10], $0x20, s6, s16, $0xb8;
	[tilespmem:$0x17000] =	vst v63  }
.Ltmp3:
0x9a: {  	_ = 	snop;
	(pc) =	sbr.rel .LBB2_2-.Ltmp3, $4  }
0x9b: {  	_ =	swait.ge [sflag:s5], $0x1000  }
0x9c: {  	[sflag:s5] =	ssyncset.done $0x0  }
0x9d: {  	s9 =	sadd.s32 $0x580, s4;
	s15 =	sadd.s32 $0x1000, s15;
	[sflag:s5] =	ssyncadd.s32 $0xFFFFF000  }
0x9e: {  	[tilespmem:s22], [sflag:$0x4] =	stream.indirect.gather [spmem:s3], $0x20, s9, s16, $0xb8;
	[tilespmem:$0x17000] =	vst v63  }
.LBB2_5:
0x9f: {  	_ =	sfence.sel $0x180000  }
0xa0: {  	[bflag:$0x0] =	sbarrier.arrive $0xFFFF  }
0xa1: {  	_ =	strace $0x9000004A  }
0xa2: {  	s0 =	stileid.u32;
	[bflag:$0x2] =	sbarrier.arrive $0xFFFF  }
0xa3: {  	p0 =	sne.s32 s0, $0x0;
	s0 =	rddreg [dreg:$0x4]  }
0xa4: {  	s0 =	sadd.s32 @!p0 $0x100000, s0  }
0xa5: {  	[sflag:s0] =	ssyncadd.tile.s32 @!p0 $0x1;
	_ =	shalt  }
.Lfunc_end2:
_tile_overlayer_lowered:
.L_overlay_start_2:
0xa6: {  	(tag) =	ssettag $0x2  }
0xa7: {  	s0 =	rddreg [dreg:$0x0];
	s2 =	stileid.u32  }
0xa8: {  	s1 =	rddreg [dreg:$0x1];
	p0 =	sne.s32 s2, $0x0  }
0xa9: {  	s3 =	rddreg [dreg:$0x2];
	[bflag:$0x3] =	sbarrier.arrive $0xFFFF;
	s2 =	simm.s32 @!p0 $0x1C11  }
0xaa: {  	[timem:s3], [sflag:s2] =	dma.local @!p0 [hbm:s0], s1  }
0xab: {  	s0 =	simm.s32 @!p0 $0x11  }
0xac: {  	_ =	swait.ge @!p0 [sflag:s0], s1  }
0xad: {  	s1 =	ssub.s32 @!p0 $0x0, s1;
	[sflag:s0] =	ssyncset.done @!p0 $0x0  }
0xae: {  	[sflag:s0] =	ssyncadd.s32 @!p0 s1  }
0xaf: {  	[bflag:$0x3] =	sbarrier.arrive $0xFFFF  }
0xb0: {  	_ =	shalt  }

// kernel: kernel.15.cloned.1.call-start
scs
__scs_entry_jumppad:
0x0: {  	(pc) =	sbr.rel $0x88, $3  }
0x1: {  	(tag) =	ssettag $0x0;
	lr =	simm.s32 $0x1  }
0x2: {  	[smem:$0x3F99] =	sst lr;
	_ =	strace $0xD0000000  }
0x3: {  	_ = 	snop  }
0x4: {  	_ = 	snop  }
0x5: {  	_ = 	snop  }
0x6: {  	_ = 	snop  }
0x7: {  	_ = 	snop  }
__scs_overlays_trampoline_lowered:
0x8: {  	[smem:$0x3FA8] =	sst s0  }
0x9: {  	[smem:$0x3FA9] =	sst s1  }
0xa: {  	[smem:$0x3FAA] =	sst s2  }
0xb: {  	[smem:$0x3FAB] =	sst s3  }
0xc: {  	[smem:$0x3FAC] =	sst s4  }
0xd: {  	[smem:$0x3FAD] =	sst s5  }
0xe: {  	[smem:$0x3FAE] =	sst s6  }
0xf: {  	[smem:$0x3FAF] =	sst s7  }
0x10: {  	[smem:$0x3FB0] =	sst s8  }
0x11: {  	[smem:$0x3FB1] =	sst s9;
	s0 =	simm.s32 @!p0 $0x0  }
0x12: {  	s1 =	sld [smem:$0x3F97];
	s0 =	simm.s32 @p0 $0x1  }
0x13: {  	[smem:$0x3FB2] =	sst s0;
	s0 =	simm.s32 @!p1 $0x0  }
0x14: {  	s2 =	sld [smem:$0x3F96];
	s0 =	simm.s32 @p1 $0x1  }
0x15: {  	[smem:$0x3FB3] =	sst s0;
	s0 =	simm.s32 @!p2 $0x0  }
0x16: {  	s3 =	sld [smem:$0x3FDB];
	s0 =	simm.s32 @p2 $0x1  }
0x17: {  	s4 =	simm.s32 $0x1BF5;
	[smem:$0x3FB5] =	sst s0  }
0x18: {  	s0 =	sld [smem:$0x3F98];
	_ =	swait.ge [sflag:s4], $0x0  }
0x19: {  	s7 =	sld [smem:$0x3F99]  }
0x1a: {  	s8 =	sadd.s32 $0xFFFFE003, lr  }
0x1b: {  	s9 =	sadd.s32 $0xFFFFFEF7, lr;
	s5 =	simm.s32 $0xFFFFFFFF;
	p2 =	slt.u32 s8, $0xFFFFF086  }
0x1c: {  	p1 =	slt.u32 s9, $0xF7A;
	s5 =	simm.s32 @!p2 $0x0  }
0x1d: {  	s5 =	simm.s32 @p1 $0x1;
	p0 =	seq.s32 s7, s2  }
0x1e: {  	s7 =	smul.u32 @!p0 $0xF7A, s2;
	p2 =	seq.s32 @!p0 s5, $0x0  }
0x1f: {  	s9 =	smul.u32 $0xF7A, s1;
	s8 =	simm.s32 @!p0 $0x1BF5;
	p2 =	por !p2, p0  }
0x20: {  	[sflag:s8] =	ssyncset.s32 @!p0 $0xFFFFF086;
	s6 =	sadd.s32 @!p0 s3, s7;
	s7 =	simm.s32 @!p0 $0x108  }
0x21: {  	s3 =	sadd.s32 s3, s9;
	s6 =	sadd.s32 @!p0 $0x88, s6;
	s7 =	simm.s32 @p2 $0x1082  }
0x22: {  	[simem:s7], [sflag:s8] =	dma.local @!p0 [hbm:s6], $0xF7A  }
0x23: {  	s9 =	sor.u32 $0xD0000000, s2;
	s6 =	simm.s32 $0x108;
	_ =	swait.ge @!p0 [sflag:s8], $0x0  }
0x24: {  	s3 =	sadd.s32 $0x88, s3;
	s6 =	simm.s32 @!p1 $0x1082;
	[sflag:s4] =	ssyncset.s32 $0xFFFFF086  }
0x25: {  	[simem:s6], [sflag:s4] =	dma.local [hbm:s3], $0xF7A  }
0x26: {  	[smem:$0x3F99] =	sst s1;
	(tag) =	ssettag s2;
	_ =	strace s9  }
0x27: {  	s1 =	sld [smem:$0x3FA9]  }
0x28: {  	s2 =	sld [smem:$0x3FAA]  }
0x29: {  	s4 =	sld [smem:$0x3FAC]  }
0x2a: {  	p0 =	seq.s32 s5, $0x0;
	s5 =	sld [smem:$0x3FAD]  }
0x2b: {  	s6 =	sld [smem:$0x3FAE]  }
0x2c: {  	s7 =	sld [smem:$0x3FAF]  }
0x2d: {  	s3 =	simm.s32 $0x108;
	s8 =	sld [smem:$0x3FB0]  }
0x2e: {  	s3 =	simm.s32 @!p0 $0x1082;
	s9 =	sld [smem:$0x3FB1]  }
0x2f: {  	lr =	sadd.s32 s0, s3;
	s0 =	sld [smem:$0x3FA8]  }
0x30: {  	s3 =	sld [smem:$0x3FAB]  }
0x31: {  	[smem:$0x3FB4] =	sst s10  }
0x32: {  	s10 =	sld [smem:$0x3FB2];
	_ =	sdelay $0x3  }
0x33: {  	p0 =	seq.s32 s10, $0x1;
	s10 =	sld [smem:$0x3FB4];
	_ =	sdelay $0x3  }
0x34: {  	[smem:$0x3FB4] =	sst s10  }
0x35: {  	s10 =	sld [smem:$0x3FB3];
	_ =	sdelay $0x3  }
0x36: {  	p1 =	seq.s32 s10, $0x1;
	s10 =	sld [smem:$0x3FB4];
	_ =	sdelay $0x3  }
0x37: {  	[smem:$0x3FB4] =	sst s10  }
0x38: {  	s10 =	sld [smem:$0x3FB5]  }
0x39: {  	_ = 	snop;
	(pc) =	sbr.ind lr, $3  }
0x3a: {  	_ = 	snop  }
0x3b: {  	_ = 	snop  }
0x3c: {  	p2 =	seq.s32 s10, $0x1;
	s10 =	sld [smem:$0x3FB4]  }
0x3d: {  	_ =	shalt  }
0x3e: {  	_ =	shalt  }
0x3f: {  	_ =	shalt  }
0x40: {  	_ =	shalt  }
0x41: {  	_ =	shalt  }
0x42: {  	_ =	shalt  }
0x43: {  	_ =	shalt  }
0x44: {  	_ =	shalt  }
0x45: {  	_ =	shalt  }
0x46: {  	_ =	shalt  }
0x47: {  	_ =	shalt  }
0x48: {  	_ =	shalt  }
0x49: {  	_ =	shalt  }
0x4a: {  	_ =	shalt  }
0x4b: {  	_ =	shalt  }
0x4c: {  	_ =	shalt  }
0x4d: {  	_ =	shalt  }
0x4e: {  	_ =	shalt  }
0x4f: {  	_ =	shalt  }
0x50: {  	_ =	shalt  }
0x51: {  	_ =	shalt  }
0x52: {  	_ =	shalt  }
0x53: {  	_ =	shalt  }
0x54: {  	_ =	shalt  }
0x55: {  	_ =	shalt  }
0x56: {  	_ =	shalt  }
0x57: {  	_ =	shalt  }
0x58: {  	_ =	shalt  }
0x59: {  	_ =	shalt  }
0x5a: {  	_ =	shalt  }
0x5b: {  	_ =	shalt  }
0x5c: {  	_ =	shalt  }
0x5d: {  	_ =	shalt  }
0x5e: {  	_ =	shalt  }
0x5f: {  	_ =	shalt  }
0x60: {  	_ =	shalt  }
0x61: {  	_ =	shalt  }
0x62: {  	_ =	shalt  }
0x63: {  	_ =	shalt  }
0x64: {  	_ =	shalt  }
0x65: {  	_ =	shalt  }
0x66: {  	_ =	shalt  }
0x67: {  	_ =	shalt  }
0x68: {  	_ =	shalt  }
0x69: {  	_ =	shalt  }
0x6a: {  	_ =	shalt  }
0x6b: {  	_ =	shalt  }
0x6c: {  	_ =	shalt  }
0x6d: {  	_ =	shalt  }
0x6e: {  	_ =	shalt  }
0x6f: {  	_ =	shalt  }
0x70: {  	_ =	shalt  }
0x71: {  	_ =	shalt  }
0x72: {  	_ =	shalt  }
0x73: {  	_ =	shalt  }
0x74: {  	_ =	shalt  }
0x75: {  	_ =	shalt  }
0x76: {  	_ =	shalt  }
0x77: {  	_ =	shalt  }
0x78: {  	_ =	shalt  }
0x79: {  	_ =	shalt  }
0x7a: {  	_ =	shalt  }
0x7b: {  	_ =	shalt  }
0x7c: {  	_ =	shalt  }
0x7d: {  	_ =	shalt  }
0x7e: {  	_ =	shalt  }
0x7f: {  	_ =	shalt  }
0x80: {  	_ =	shalt  }
0x81: {  	_ =	shalt  }
0x82: {  	_ =	shalt  }
0x83: {  	_ =	shalt  }
0x84: {  	_ =	shalt  }
0x85: {  	_ =	shalt  }
0x86: {  	_ =	shalt  }
0x87: {  	_ =	shalt  }
.Lfunc_end0:
.L_simem_size_0:
called_computation.2_lowered:
.L_overlay_start_0:
0x88: {  	s2 =	sld [smem:$0x3FD9]  }
0x89: {  	s3 =	sld [smem:$0x3FFE];
	_ =	sdelay $0x1  }
0x8a: {  	s1 =	srdreg.scid  }
0x8b: {  	s0 =	sand.u32 $0x1, s1  }
0x8c: {  	s14 =	sshll.u32 s0, $0xA;
	s2 =	sadd.s32 s3, s2  }
0x8d: {  	s2 =	sadd.s32 s2, s14  }
0x8e: {  	[smem:$0x3FC0] =	sst s2  }
0x8f: {  	_ = 	snop  }
0x90: {  	s2 =	sld [smem:$0x3FD0];
	_ =	sdelay $0x2  }
0x91: {  	s15 =	simm.s32 $0xA;
	s4 =	simm.s32 $0x10  }
0x92: {  	[smem:s4], [sflag:s15] =	dma.local [hbm:s2], $0x1  }
0x93: {  	_ =	swait.eq [sflag:s15], $0x1  }
0x94: {  	[sflag:s15] =	ssyncset.done $0x0  }
0x95: {  	[sflag:s15] =	ssyncadd.s32 $0xFFFFFFFF  }
0x96: {  	s16 =	sld [smem:$0x10];
	(tm) =	ssettm $0x1  }
0x97: {  	s17 =	sld [smem:$0x3FFB];
	_ =	sdelay $0x3  }
0x98: {  	_ =	strace s17  }
0x99: {  	s3 =	sld [smem:$0x3FFC];
	_ =	sdelay $0x3  }
0x9a: {  	_ =	strace s3  }
0x9b: {  	s3 =	sld [smem:$0x3FFD];
	_ =	sdelay $0x3  }
0x9c: {  	_ =	strace s3  }
0x9d: {  	_ =	strace $0x8FFFFFFF  }
0x9e: {  	s18 =	sld [smem:$0x3FDB];
	_ =	sdelay $0x1  }
0x9f: {  	s19 =	simm.s32 $_scs_section_size  }
0xa0: {  	s5 =	simm.s32 $_size__tile_overlayer_lowered;
	s6 =	simm.s32 $_tile_overlayer_lowered  }
0xa1: {  	s22 =	simm.s32 $0x1BFF;
	s21 =	sshll.u32 s6, $0x1;
	s3 =	sadd.s32 s19, s18  }
0xa2: {  	s7 =	simm.s32 $0x0;
	s20 =	sshll.u32 s5, $0x1;
	s5 =	sadd.s32 s21, s3  }
0xa3: {  	[timem:s7], [sflag:s22] =	dma.local [hbm:s5], s20  }
0xa4: {  	_ =	swait.ge [sflag:s22], s20  }
0xa5: {  	s4 =	ssub.s32 $0x0, s20;
	[sflag:s22] =	ssyncset.done $0x0  }
0xa6: {  	[sflag:s22] =	ssyncadd.s32 s4;
	_ =	sdelay $0x1  }
0xa7: {  	s23 =	simm.s32 $0x1B8B  }
0xa8: {  	_ =	swait.ge [sflag:s23], $0x1  }
0xa9: {  	[sflag:s23] =	ssyncset.done $0x0  }
0xaa: {  	s25 =	simm.s32 $0x1B8E;
	s24 =	sld [smem:$0x3FFE];
	[sflag:s23] =	ssyncadd.s32 $0xFFFFFFFF  }
0xab: {  	s26 =	simm.s32 $execute0_lowered;
	[smem:$0x3FD2] =	sst s25  }
0xac: {  	s5 =	sshll.u32 s26, $0x1;
	_ =	strace $0x8000004C;
	[dreg:$0x1] =	wrdreg $0xFFFFFFFF  }
0xad: {  	s28 =	simm.s32 $_size_execute0_lowered;
	s3 =	sadd.s32 s3, s5;
	[dreg:$0x0] =	wrdreg $0x0  }
0xae: {  	s5 =	sshll.u32 s28, $0x1;
	[dreg:$0x2] =	wrdreg s3  }
0xaf: {  	[dreg:$0x3] =	wrdreg s5  }
0xb0: {  	[dreg:$0x4] =	wrdreg $0xC0  }
0xb1: {  	_ =	task [dreg:s7], $0x5FFFF  }
0xb2: {  	[dreg:$0x1] =	wrdreg $0xFFFFFFFF  }
0xb3: {  	[dreg:$0x0] =	wrdreg $0x60  }
0xb4: {  	[dreg:$0x2] =	wrdreg s24  }
0xb5: {  	[dreg:$0x3] =	wrdreg s16  }
0xb6: {  	[dreg:$0x4] =	wrdreg $0xD0000  }
0xb7: {  	[dreg:$0x5] =	wrdreg $0x120000  }
0xb8: {  	[dreg:$0x6] =	wrdreg $0x9  }
0xb9: {  	_ =	task.clear_ibuf [dreg:s7], $0x7FFFF;
	_ =	strace $0x9000004C  }
0xba: {  	s29 =	simm.s32 $0x9;
	_ =	strace $0x8000004E  }
0xbb: {  	_ =	swait.ge [sflag:s29], $0x1  }
0xbc: {  	[sflag:s29] =	ssyncadd.s32 $0xFFFFFFFF  }
0xbd: {  	_ =	strace $0x9000004E  }
0xbe: {  	_ =	sfence  }
0xbf: {  	s30 =	sld [smem:$0x0];
	_ =	sdelay $0x2  }
0xc0: {  	s31 =	sshll.u32 s1, $0xD;
	s1 =	sshrl.u32 s1, $0x2  }
0xc1: {  	s3 =	sand.u32 $0x4000, s31;
	s1 =	sadd.s32 s1, s30  }
0xc2: {  	s0 =	sor.u32 s3, s0;
	s1 =	sshll.u32 s1, $0x11  }
0xc3: {  	s0 =	sor.u32 s1, s0  }
0xc4: {  	s0 =	sadd.s32 $0x8F2B, s0  }
0xc5: {  	[sflag:s0] =	ssyncadd.remote.s32 $0x1  }
0xc6: {  	_ =	sfence.sel $0xFFFF  }
0xc7: {  	[dreg:$0x0] =	wrdreg $0xFFFFFFFF;
	(pc) =	sbr.abs _section_cstart, $3  }
0xc8: {  	[dreg:$0x1] =	wrdreg $0xFFFFFFFF  }
0xc9: {  	_ =	task.clear_ibuf [dreg:s7], $0x2FFFF;
	_ =	strace $0x9FFFFFFF  }
0xca: {  	(tm) =	ssettm $0x7FFFFFFF  }
0xcb: {  	_ =	shalt  }
tec
execute0_lowered:
.L_overlay_start_1:
0x0: {  	(tag) =	ssettag $0x1  }
0x1: {  	s0 =	rddreg [dreg:$0x0]  }
0x2: {  	s1 =	rddreg [dreg:$0x1]  }
0x3: {  	s2 =	rddreg [dreg:$0x2]  }
0x4: {  	s3 =	rddreg [dreg:$0x3];
	s7 =	simm.s32 $0x0  }
0x5: {  	s12 =	stileid.u32;
	s4 =	srdreg.scid;
	s11 =	simm.s32 $0x11  }
0x6: {  	s16 =	simm.s32 $0x80;
	s17 =	simm.s32 $0x5000;
	s18 =	simm.s32 $0x6000  }
0x7: {  	s28 =	simm.s32 $0x3;
	s29 =	simm.s32 $0xB000;
	s30 =	simm.s32 $0x4  }
0x8: {  	s31 =	simm.s32 $0xC000;
	s5 =	smul.u32 $0x5000, s12;
	s4 =	sand.u32 $0x1, s4  }
0x9: {  	s6 =	sshll.u32 s12, $0x1;
	[smem:$0x7FF] =	sst s7;
	s25 =	sshll.u32 s12, $0x6  }
0xa: {  	s12 =	simm.s32 $0x7;
	s6 =	sor.u32 s4, s6;
	s19 =	smul.u32 $0x50000, s4  }
0xb: {  	_ =	strace $0x8000004D;
	s4 =	ssub.s32 $0x2, s4;
	s13 =	sor.u32 $0x1C11, s25  }
0xc: {  	s25 =	simm.s32 $0x2;
	s8 =	sshrl.u32 s5, $0x3;
	s6 =	smul.u32 $0x500, s6  }
0xd: {  	s10 =	sshrl.u32 s4, $0x1;
	s21 =	sadd.s32 s5, s2;
	s8 =	sadd.s32 s8, s0  }
0xe: {  	s7 =	sadd.s32 s5, s19;
	s4 =	ssub.s32 s4, s10;
	s5 =	sadd.s32 s5, s3  }
0xf: {  	s14 =	sshrl.u32 s21, $0x3;
	s19 =	simm.s32 $0xB;
	s21 =	simm.s32 $0x8  }
0x10: {  	s10 =	simm.s32 $0x0;
	s9 =	sadd.s32 s6, s0;
	s1 =	sadd.s32 s1, s6  }
0x11: {  	s7 =	sshrl.u32 s7, $0x3;
	s22 =	sadd.s32 $0x3F200, s8;
	[dreg:$0x5] =	wrdreg s1  }
0x12: {  	s23 =	sadd.s32 $0x35200, s8;
	s24 =	smax.u32 s4, $0x1;
	[dreg:$0x7] =	wrdreg s22  }
0x13: {  	s26 =	sshrl.u32 s5, $0x3;
	s5 =	simm.s32 $0xC;
	[dreg:$0x8] =	wrdreg s23  }
.Ltmp0:
0x14: {  	s0 =	sadd.s32 s7, s0;
	[dreg:$0xa] =	wrdreg s24;
	(pc) =	sbr.rel .LBB2_1-.Ltmp0, $4  }
0x15: {  	s20 =	sadd.s32 $0x3200, s9;
	[dreg:$0xb] =	wrdreg s26;
	s22 =	simm.s32 $0x8000  }
0x16: {  	s23 =	simm.s32 $0x1;
	s24 =	simm.s32 $0x9000;
	s26 =	simm.s32 $0xA000  }
0x17: {  	s1 =	simm.s32 $0x9;
	[dreg:$0x6] =	wrdreg s20;
	s0 =	sadd.s32 $0x49200, s0  }
0x18: {  	s20 =	simm.s32 $0x7000;
	[dreg:$0x9] =	wrdreg s0;
	s0 =	simm.s32 $0x5  }
.LBB2_4:
0x19: {  	_ =	swait.ge [sflag:s21], $0x1000  }
0x1a: {  	[sflag:s21] =	ssyncset.done $0x0  }
0x1b: {  	[sflag:s21] =	ssyncadd.s32 $0xFFFFF000  }
0x1c: {  	[spmem:s2] =	stream.indirect.scatter.add.f32 [tilespmem:s31], [sflag:$0x10], $0x20, s6, s16, $0xb8;
	[tilespmem:$0x17000] =	vst v63  }
0x1d: {  	_ =	swait.ge [sflag:s5], $0x1000  }
0x1e: {  	[sflag:s5] =	ssyncset.done $0x0  }
0x1f: {  	s4 =	simm.s32 $0xD;
	[sflag:s5] =	ssyncadd.s32 $0xFFFFF000  }
0x20: {  	_ =	swait.ge [sflag:s4], $0x1000  }
0x21: {  	[sflag:s4] =	ssyncset.done $0x0  }
0x22: {  	s6 =	simm.s32 $0xE;
	[sflag:s4] =	ssyncadd.s32 $0xFFFFF000  }
0x23: {  	_ =	swait.ge [sflag:s6], $0x1000  }
0x24: {  	[sflag:s6] =	ssyncset.done $0x0  }
0x25: {  	s7 =	simm.s32 $0xF;
	[sflag:s6] =	ssyncadd.s32 $0xFFFFF000  }
0x26: {  	_ =	swait.ge [sflag:s7], $0x1000  }
0x27: {  	[sflag:s7] =	ssyncset.done $0x0  }
0x28: {  	s8 =	simm.s32 $0x10;
	[sflag:s7] =	ssyncadd.s32 $0xFFFFF000  }
0x29: {  	_ =	swait.ge [sflag:s8], $0x1000  }
0x2a: {  	[sflag:s8] =	ssyncset.done $0x0  }
0x2b: {  	[sflag:s8] =	ssyncadd.s32 $0xFFFFF000  }
0x2c: {  	[bflag:$0x0] =	sbarrier.arrive $0xFFFF  }
0x2d: {  	s9 =	rddreg [dreg:$0x9]  }
0x2e: {  	[hbm:s9], [sflag:s13] =	dma.local [spmem:s14], $0xA00  }
0x2f: {  	_ =	swait.ge [sflag:s11], $0xA00  }
0x30: {  	s10 =	sadd.s32 $0x1, s10;
	s15 =	rddreg [dreg:$0xa]  }
0x31: {  	p0 =	sne.s32 s10, s15  }
.Ltmp1:
0x32: {  	_ = 	snop;
	(pc) =	sbr.rel @!p0 .LBB2_5-.Ltmp1, $3  }
0x33: {  	_ =	sdelay $0x1  }
0x34: {  	[sflag:s11] =	ssyncset.done $0x0  }
0x35: {  	[sflag:s11] =	ssyncadd.s32 $0xFFFFF600  }
.LBB2_1:
0x36: {  	s4 =	simm.s32 $0x0;
	s6 =	rddreg [dreg:$0x5]  }
0x37: {  	[tilespmem:s4], [sflag:$0x11] =	stream.linear.gather [hbm4b:s6+s4], $0x2800, $0x38;
	[tilespmem:$0x17000] =	vst v63  }
0x38: {  	_ =	swait.ge [sflag:s11], $0x2800  }
0x39: {  	[sflag:s11] =	ssyncset.done $0x0  }
0x3a: {  	s7 =	simm.s32 $0x2800;
	s9 =	rddreg [dreg:$0x6];
	[sflag:s11] =	ssyncadd.s32 $0xFFFFD800  }
0x3b: {  	[tilespmem:s7], [sflag:$0x11] =	stream.linear.gather [hbm4b:s9+s4], $0x2800, $0x38;
	[tilespmem:$0x17000] =	vst v63  }
0x3c: {  	_ =	swait.ge [sflag:s11], $0x2800  }
0x3d: {  	[sflag:s11] =	ssyncset.done $0x0  }
0x3e: {  	s15 =	rddreg [dreg:$0x7];
	[sflag:s11] =	ssyncadd.s32 $0xFFFFD800  }
0x3f: {  	[spmem:s14], [sflag:s13] =	dma.local [hbm:s15], $0xA00  }
0x40: {  	_ =	swait.ge [sflag:s11], $0xA00  }
0x41: {  	[sflag:s11] =	ssyncset.done $0x0;
	s7 =	rddreg [dreg:$0x8]  }
0x42: {  	s8 =	rddreg [dreg:$0xb];
	[sflag:s11] =	ssyncadd.s32 $0xFFFFF600  }
0x43: {  	[spmem:s8], [sflag:s13] =	dma.local [hbm:s7], $0xA00  }
0x44: {  	_ =	swait.ge [sflag:s11], $0xA00  }
0x45: {  	[sflag:s11] =	ssyncset.done $0x0  }
0x46: {  	[sflag:s11] =	ssyncadd.s32 $0xFFFFF600  }
0x47: {  	[bflag:$0x0] =	sbarrier.arrive $0xFFFF  }
0x48: {  	[tilespmem:s17], [sflag:$0x1] =	stream.indirect.gather [spmem:s3], $0x20, s4, s16, $0xb8;
	[tilespmem:$0x17000] =	vst v63  }
0x49: {  	_ = 	snop  }
0x4a: {  	[tilespmem:s18], [sflag:$0x2] =	stream.indirect.gather [spmem:s3], $0x20, s16, s16, $0xb8;
	[tilespmem:$0x17000] =	vst v63  }
0x4b: {  	s9 =	simm.s32 $0x100  }
0x4c: {  	[tilespmem:s20], [sflag:$0x3] =	stream.indirect.gather [spmem:s3], $0x20, s9, s16, $0xb8;
	[tilespmem:$0x17000] =	vst v63  }
0x4d: {  	s15 =	simm.s32 $0x180  }
0x4e: {  	[tilespmem:s22], [sflag:$0x4] =	stream.indirect.gather [spmem:s3], $0x20, s15, s16, $0xb8;
	[tilespmem:$0x17000] =	vst v63  }
0x4f: {  	s15 =	simm.s32 $0x0  }
.LBB2_2:
0x50: {  	_ =	swait.ge [sflag:s23], $0x1000  }
0x51: {  	s4 =	sshra.s32 s15, $0x2;
	[sflag:s23] =	ssyncset.done $0x0  }
0x52: {  	p0 =	seq.s32 s15, $0x0;
	s6 =	sadd.s32 $0x2800, s4;
	[sflag:s23] =	ssyncadd.s32 $0xFFFFF000  }
0x53: {  	[spmem:s2] =	stream.indirect.scatter.add.f32 [tilespmem:s17], [sflag:$0x9], $0x20, s6, s16, $0xb8;
	[tilespmem:$0x17000] =	vst v63  }
0x54: {  	s6 =	simm.s32 @!p0 $0xD  }
0x55: {  	_ =	swait.ge @!p0 [sflag:s6], $0x1000  }
0x56: {  	[sflag:s6] =	ssyncset.done @!p0 $0x0  }
0x57: {  	s7 =	sadd.s32 $0x200, s4;
	[sflag:s6] =	ssyncadd.s32 @!p0 $0xFFFFF000  }
0x58: {  	[tilespmem:s24], [sflag:$0x5] =	stream.indirect.gather [spmem:s3], $0x20, s7, s16, $0xb8;
	[tilespmem:$0x17000] =	vst v63  }
0x59: {  	_ =	swait.ge [sflag:s25], $0x1000  }
0x5a: {  	[sflag:s25] =	ssyncset.done $0x0  }
0x5b: {  	s8 =	sadd.s32 $0x2880, s4;
	s6 =	simm.s32 @!p0 $0xE;
	[sflag:s25] =	ssyncadd.s32 $0xFFFFF000  }
0x5c: {  	[spmem:s2] =	stream.indirect.scatter.add.f32 [tilespmem:s18], [sflag:$0xA], $0x20, s8, s16, $0xb8;
	[tilespmem:$0x17000] =	vst v63  }
0x5d: {  	_ =	swait.ge @!p0 [sflag:s6], $0x1000  }
0x5e: {  	[sflag:s6] =	ssyncset.done @!p0 $0x0  }
0x5f: {  	s9 =	sadd.s32 $0x280, s4;
	[sflag:s6] =	ssyncadd.s32 @!p0 $0xFFFFF000  }
0x60: {  	[tilespmem:s26], [sflag:$0x6] =	stream.indirect.gather [spmem:s3], $0x20, s9, s16, $0xb8;
	[tilespmem:$0x17000] =	vst v63  }
0x61: {  	_ =	swait.ge [sflag:s28], $0x1000  }
0x62: {  	[sflag:s28] =	ssyncset.done $0x0  }
0x63: {  	s7 =	sadd.s32 $0x2900, s4;
	s6 =	simm.s32 @!p0 $0xF;
	[sflag:s28] =	ssyncadd.s32 $0xFFFFF000  }
0x64: {  	[spmem:s2] =	stream.indirect.scatter.add.f32 [tilespmem:s20], [sflag:$0xB], $0x20, s7, s16, $0xb8;
	[tilespmem:$0x17000] =	vst v63  }
0x65: {  	_ =	swait.ge @!p0 [sflag:s6], $0x1000  }
0x66: {  	[sflag:s6] =	ssyncset.done @!p0 $0x0  }
0x67: {  	s8 =	sadd.s32 $0x300, s4;
	[sflag:s6] =	ssyncadd.s32 @!p0 $0xFFFFF000  }
0x68: {  	[tilespmem:s29], [sflag:$0x7] =	stream.indirect.gather [spmem:s3], $0x20, s8, s16, $0xb8;
	[tilespmem:$0x17000] =	vst v63  }
0x69: {  	_ =	swait.ge [sflag:s30], $0x1000  }
0x6a: {  	[sflag:s30] =	ssyncset.done $0x0  }
0x6b: {  	s9 =	sadd.s32 $0x2980, s4;
	s6 =	simm.s32 @!p0 $0x10;
	[sflag:s30] =	ssyncadd.s32 $0xFFFFF000  }
0x6c: {  	[spmem:s2] =	stream.indirect.scatter.add.f32 [tilespmem:s22], [sflag:$0xC], $0x20, s9, s16, $0xb8;
	[tilespmem:$0x17000] =	vst v63  }
0x6d: {  	_ =	swait.ge @!p0 [sflag:s6], $0x1000  }
0x6e: {  	[sflag:s6] =	ssyncset.done @!p0 $0x0  }
0x6f: {  	s7 =	sadd.s32 $0x380, s4;
	[sflag:s6] =	ssyncadd.s32 @!p0 $0xFFFFF000  }
0x70: {  	[tilespmem:s31], [sflag:$0x8] =	stream.indirect.gather [spmem:s3], $0x20, s7, s16, $0xb8;
	[tilespmem:$0x17000] =	vst v63  }
0x71: {  	_ =	swait.ge [sflag:s0], $0x1000  }
0x72: {  	[sflag:s0] =	ssyncset.done $0x0  }
0x73: {  	s8 =	sadd.s32 $0x2A00, s4;
	[sflag:s0] =	ssyncadd.s32 $0xFFFFF000  }
0x74: {  	[spmem:s2] =	stream.indirect.scatter.add.f32 [tilespmem:s24], [sflag:$0xD], $0x20, s8, s16, $0xb8;
	[tilespmem:$0x17000] =	vst v63  }
0x75: {  	_ =	swait.ge [sflag:s1], $0x1000  }
0x76: {  	p0 =	seq.s32 s15, $0x9000;
	[sflag:s1] =	ssyncset.done $0x0  }
0x77: {  	s6 =	simm.s32 @p0 $0x6;
	[sflag:s1] =	ssyncadd.s32 $0xFFFFF000  }
0x78: {  	_ =	swait.ge @p0 [sflag:s6], $0x1000  }
0x79: {  	[sflag:s6] =	ssyncset.done @p0 $0x0  }
0x7a: {  	[sflag:s6] =	ssyncadd.s32 @p0 $0xFFFFF000;
	s6 =	sshra.s32 @p0 s15, $0x2  }
0x7b: {  	s7 =	simm.s32 @p0 $0x80;
	s8 =	simm.s32 @p0 $0xA000;
	s6 =	sadd.s32 @p0 $0x2A80, s6  }
0x7c: {  	[spmem:s2] =	stream.indirect.scatter.add.f32 @p0 [tilespmem:s8], [sflag:$0xE], $0x20, s6, s7, $0xb8;
	[tilespmem:$0x17000] =	vst v63  }
0x7d: {  	s6 =	simm.s32 @p0 $0xA  }
0x7e: {  	_ =	swait.ge @p0 [sflag:s6], $0x1000  }
0x7f: {  	[sflag:s6] =	ssyncset.done @p0 $0x0  }
0x80: {  	[sflag:s6] =	ssyncadd.s32 @p0 $0xFFFFF000;
	s6 =	sshra.s32 @!p0 s15, $0x2  }
0x81: {  	s9 =	simm.s32 @!p0 $0x5000;
	s8 =	simm.s32 @!p0 $0x80;
	s7 =	sadd.s32 @!p0 $0x400, s6  }
0x82: {  	[tilespmem:s9], [sflag:$0x1] =	stream.indirect.gather @!p0 [spmem:s3], $0x20, s7, s8, $0xb8;
	[tilespmem:$0x17000] =	vst v63  }
0x83: {  	s7 =	simm.s32 @!p0 $0x6  }
0x84: {  	_ =	swait.ge @!p0 [sflag:s7], $0x1000  }
0x85: {  	[sflag:s7] =	ssyncset.done @!p0 $0x0  }
0x86: {  	s9 =	simm.s32 @!p0 $0xA000;
	[sflag:s7] =	ssyncadd.s32 @!p0 $0xFFFFF000;
	s7 =	sadd.s32 @!p0 $0x2A80, s6  }
0x87: {  	[spmem:s2] =	stream.indirect.scatter.add.f32 @!p0 [tilespmem:s9], [sflag:$0xE], $0x20, s7, s8, $0xb8;
	[tilespmem:$0x17000] =	vst v63  }
0x88: {  	s7 =	simm.s32 @!p0 $0xA  }
0x89: {  	_ =	swait.ge @!p0 [sflag:s7], $0x1000  }
0x8a: {  	[sflag:s7] =	ssyncset.done @!p0 $0x0  }
0x8b: {  	s6 =	sadd.s32 @!p0 $0x480, s6;
	[sflag:s7] =	ssyncadd.s32 @!p0 $0xFFFFF000;
	s7 =	simm.s32 @!p0 $0x6000  }
0x8c: {  	[tilespmem:s7], [sflag:$0x2] =	stream.indirect.gather @!p0 [spmem:s3], $0x20, s6, s8, $0xb8;
	[tilespmem:$0x17000] =	vst v63  }
0x8d: {  	_ =	swait.ge [sflag:s12], $0x1000  }
0x8e: {  	[sflag:s12] =	ssyncset.done $0x0  }
.Ltmp2:
0x8f: {  	s9 =	sadd.s32 $0x2B00, s4;
	[sflag:s12] =	ssyncadd.s32 $0xFFFFF000;
	(pc) =	sbr.rel @p0 .LBB2_4-.Ltmp2, $4  }
0x90: {  	[spmem:s2] =	stream.indirect.scatter.add.f32 [tilespmem:s29], [sflag:$0xF], $0x20, s9, s16, $0xb8;
	[tilespmem:$0x17000] =	vst v63  }
0x91: {  	_ =	swait.ge [sflag:s19], $0x1000  }
0x92: {  	[sflag:s19] =	ssyncset.done $0x0  }
0x93: {  	s6 =	sadd.s32 $0x2B80, s4;
	[sflag:s19] =	ssyncadd.s32 $0xFFFFF000  }
0x94: {  	s7 =	sadd.s32 $0x500, s4  }
0x95: {  	[tilespmem:s20], [sflag:$0x3] =	stream.indirect.gather [spmem:s3], $0x20, s7, s16, $0xb8;
	[tilespmem:$0x17000] =	vst v63  }
0x96: {  	_ =	swait.ge [sflag:s21], $0x1000  }
0x97: {  	[sflag:s21] =	ssyncset.done $0x0  }
0x98: {  	[sflag:s21] =	ssyncadd.s32 $0xFFFFF000  }
0x99: {  	[spmem:s2] =	stream.indirect.scatter.add.f32 [tilespmem:s31], [sflag:$0x10], $0x20, s6, s16, $0xb8;
	[tilespmem:$0x17000] =	vst v63  }
.Ltmp3:
0x9a: {  	_ = 	snop;
	(pc) =	sbr.rel .LBB2_2-.Ltmp3, $4  }
0x9b: {  	_ =	swait.ge [sflag:s5], $0x1000  }
0x9c: {  	[sflag:s5] =	ssyncset.done $0x0  }
0x9d: {  	s9 =	sadd.s32 $0x580, s4;
	s15 =	sadd.s32 $0x1000, s15;
	[sflag:s5] =	ssyncadd.s32 $0xFFFFF000  }
0x9e: {  	[tilespmem:s22], [sflag:$0x4] =	stream.indirect.gather [spmem:s3], $0x20, s9, s16, $0xb8;
	[tilespmem:$0x17000] =	vst v63  }
.LBB2_5:
0x9f: {  	_ =	sfence.sel $0x180000  }
0xa0: {  	[bflag:$0x0] =	sbarrier.arrive $0xFFFF  }
0xa1: {  	_ =	strace $0x9000004D  }
0xa2: {  	s0 =	stileid.u32;
	[bflag:$0x2] =	sbarrier.arrive $0xFFFF  }
0xa3: {  	p0 =	sne.s32 s0, $0x0;
	s0 =	rddreg [dreg:$0x4]  }
0xa4: {  	s0 =	sadd.s32 @!p0 $0x100000, s0  }
0xa5: {  	[sflag:s0] =	ssyncadd.tile.s32 @!p0 $0x1;
	_ =	shalt  }
.Lfunc_end2:
_tile_overlayer_lowered:
.L_overlay_start_2:
0xa6: {  	(tag) =	ssettag $0x2  }
0xa7: {  	s0 =	rddreg [dreg:$0x0];
	s2 =	stileid.u32  }
0xa8: {  	s1 =	rddreg [dreg:$0x1];
	p0 =	sne.s32 s2, $0x0  }
0xa9: {  	s3 =	rddreg [dreg:$0x2];
	[bflag:$0x3] =	sbarrier.arrive $0xFFFF;
	s2 =	simm.s32 @!p0 $0x1C11  }
0xaa: {  	[timem:s3], [sflag:s2] =	dma.local @!p0 [hbm:s0], s1  }
0xab: {  	s0 =	simm.s32 @!p0 $0x11  }
0xac: {  	_ =	swait.ge @!p0 [sflag:s0], s1  }
0xad: {  	s1 =	ssub.s32 @!p0 $0x0, s1;
	[sflag:s0] =	ssyncset.done @!p0 $0x0  }
0xae: {  	[sflag:s0] =	ssyncadd.s32 @!p0 s1  }
0xaf: {  	[bflag:$0x3] =	sbarrier.arrive $0xFFFF  }
0xb0: {  	_ =	shalt  }

// kernel: kernel.9.cloned.1.call-start
scs
__scs_entry_jumppad:
0x0: {  	(pc) =	sbr.rel $0x88, $3  }
0x1: {  	(tag) =	ssettag $0x0;
	lr =	simm.s32 $0x1  }
0x2: {  	[smem:$0x3F99] =	sst lr;
	_ =	strace $0xD0000000  }
0x3: {  	_ = 	snop  }
0x4: {  	_ = 	snop  }
0x5: {  	_ = 	snop  }
0x6: {  	_ = 	snop  }
0x7: {  	_ = 	snop  }
__scs_overlays_trampoline_lowered:
0x8: {  	[smem:$0x3FA8] =	sst s0  }
0x9: {  	[smem:$0x3FA9] =	sst s1  }
0xa: {  	[smem:$0x3FAA] =	sst s2  }
0xb: {  	[smem:$0x3FAB] =	sst s3  }
0xc: {  	[smem:$0x3FAC] =	sst s4  }
0xd: {  	[smem:$0x3FAD] =	sst s5  }
0xe: {  	[smem:$0x3FAE] =	sst s6  }
0xf: {  	[smem:$0x3FAF] =	sst s7  }
0x10: {  	[smem:$0x3FB0] =	sst s8  }
0x11: {  	[smem:$0x3FB1] =	sst s9;
	s0 =	simm.s32 @!p0 $0x0  }
0x12: {  	s1 =	sld [smem:$0x3F97];
	s0 =	simm.s32 @p0 $0x1  }
0x13: {  	[smem:$0x3FB2] =	sst s0;
	s0 =	simm.s32 @!p1 $0x0  }
0x14: {  	s2 =	sld [smem:$0x3F96];
	s0 =	simm.s32 @p1 $0x1  }
0x15: {  	[smem:$0x3FB3] =	sst s0;
	s0 =	simm.s32 @!p2 $0x0  }
0x16: {  	s3 =	sld [smem:$0x3FDB];
	s0 =	simm.s32 @p2 $0x1  }
0x17: {  	s4 =	simm.s32 $0x1BF5;
	[smem:$0x3FB5] =	sst s0  }
0x18: {  	s0 =	sld [smem:$0x3F98];
	_ =	swait.ge [sflag:s4], $0x0  }
0x19: {  	s7 =	sld [smem:$0x3F99]  }
0x1a: {  	s8 =	sadd.s32 $0xFFFFE003, lr  }
0x1b: {  	s9 =	sadd.s32 $0xFFFFFEF7, lr;
	s5 =	simm.s32 $0xFFFFFFFF;
	p2 =	slt.u32 s8, $0xFFFFF086  }
0x1c: {  	p1 =	slt.u32 s9, $0xF7A;
	s5 =	simm.s32 @!p2 $0x0  }
0x1d: {  	s5 =	simm.s32 @p1 $0x1;
	p0 =	seq.s32 s7, s2  }
0x1e: {  	s7 =	smul.u32 @!p0 $0xF7A, s2;
	p2 =	seq.s32 @!p0 s5, $0x0  }
0x1f: {  	s9 =	smul.u32 $0xF7A, s1;
	s8 =	simm.s32 @!p0 $0x1BF5;
	p2 =	por !p2, p0  }
0x20: {  	[sflag:s8] =	ssyncset.s32 @!p0 $0xFFFFF086;
	s6 =	sadd.s32 @!p0 s3, s7;
	s7 =	simm.s32 @!p0 $0x108  }
0x21: {  	s3 =	sadd.s32 s3, s9;
	s6 =	sadd.s32 @!p0 $0x88, s6;
	s7 =	simm.s32 @p2 $0x1082  }
0x22: {  	[simem:s7], [sflag:s8] =	dma.local @!p0 [hbm:s6], $0xF7A  }
0x23: {  	s9 =	sor.u32 $0xD0000000, s2;
	s6 =	simm.s32 $0x108;
	_ =	swait.ge @!p0 [sflag:s8], $0x0  }
0x24: {  	s3 =	sadd.s32 $0x88, s3;
	s6 =	simm.s32 @!p1 $0x1082;
	[sflag:s4] =	ssyncset.s32 $0xFFFFF086  }
0x25: {  	[simem:s6], [sflag:s4] =	dma.local [hbm:s3], $0xF7A  }
0x26: {  	[smem:$0x3F99] =	sst s1;
	(tag) =	ssettag s2;
	_ =	strace s9  }
0x27: {  	s1 =	sld [smem:$0x3FA9]  }
0x28: {  	s2 =	sld [smem:$0x3FAA]  }
0x29: {  	s4 =	sld [smem:$0x3FAC]  }
0x2a: {  	p0 =	seq.s32 s5, $0x0;
	s5 =	sld [smem:$0x3FAD]  }
0x2b: {  	s6 =	sld [smem:$0x3FAE]  }
0x2c: {  	s7 =	sld [smem:$0x3FAF]  }
0x2d: {  	s3 =	simm.s32 $0x108;
	s8 =	sld [smem:$0x3FB0]  }
0x2e: {  	s3 =	simm.s32 @!p0 $0x1082;
	s9 =	sld [smem:$0x3FB1]  }
0x2f: {  	lr =	sadd.s32 s0, s3;
	s0 =	sld [smem:$0x3FA8]  }
0x30: {  	s3 =	sld [smem:$0x3FAB]  }
0x31: {  	[smem:$0x3FB4] =	sst s10  }
0x32: {  	s10 =	sld [smem:$0x3FB2];
	_ =	sdelay $0x3  }
0x33: {  	p0 =	seq.s32 s10, $0x1;
	s10 =	sld [smem:$0x3FB4];
	_ =	sdelay $0x3  }
0x34: {  	[smem:$0x3FB4] =	sst s10  }
0x35: {  	s10 =	sld [smem:$0x3FB3];
	_ =	sdelay $0x3  }
0x36: {  	p1 =	seq.s32 s10, $0x1;
	s10 =	sld [smem:$0x3FB4];
	_ =	sdelay $0x3  }
0x37: {  	[smem:$0x3FB4] =	sst s10  }
0x38: {  	s10 =	sld [smem:$0x3FB5]  }
0x39: {  	_ = 	snop;
	(pc) =	sbr.ind lr, $3  }
0x3a: {  	_ = 	snop  }
0x3b: {  	_ = 	snop  }
0x3c: {  	p2 =	seq.s32 s10, $0x1;
	s10 =	sld [smem:$0x3FB4]  }
0x3d: {  	_ =	shalt  }
0x3e: {  	_ =	shalt  }
0x3f: {  	_ =	shalt  }
0x40: {  	_ =	shalt  }
0x41: {  	_ =	shalt  }
0x42: {  	_ =	shalt  }
0x43: {  	_ =	shalt  }
0x44: {  	_ =	shalt  }
0x45: {  	_ =	shalt  }
0x46: {  	_ =	shalt  }
0x47: {  	_ =	shalt  }
0x48: {  	_ =	shalt  }
0x49: {  	_ =	shalt  }
0x4a: {  	_ =	shalt  }
0x4b: {  	_ =	shalt  }
0x4c: {  	_ =	shalt  }
0x4d: {  	_ =	shalt  }
0x4e: {  	_ =	shalt  }
0x4f: {  	_ =	shalt  }
0x50: {  	_ =	shalt  }
0x51: {  	_ =	shalt  }
0x52: {  	_ =	shalt  }
0x53: {  	_ =	shalt  }
0x54: {  	_ =	shalt  }
0x55: {  	_ =	shalt  }
0x56: {  	_ =	shalt  }
0x57: {  	_ =	shalt  }
0x58: {  	_ =	shalt  }
0x59: {  	_ =	shalt  }
0x5a: {  	_ =	shalt  }
0x5b: {  	_ =	shalt  }
0x5c: {  	_ =	shalt  }
0x5d: {  	_ =	shalt  }
0x5e: {  	_ =	shalt  }
0x5f: {  	_ =	shalt  }
0x60: {  	_ =	shalt  }
0x61: {  	_ =	shalt  }
0x62: {  	_ =	shalt  }
0x63: {  	_ =	shalt  }
0x64: {  	_ =	shalt  }
0x65: {  	_ =	shalt  }
0x66: {  	_ =	shalt  }
0x67: {  	_ =	shalt  }
0x68: {  	_ =	shalt  }
0x69: {  	_ =	shalt  }
0x6a: {  	_ =	shalt  }
0x6b: {  	_ =	shalt  }
0x6c: {  	_ =	shalt  }
0x6d: {  	_ =	shalt  }
0x6e: {  	_ =	shalt  }
0x6f: {  	_ =	shalt  }
0x70: {  	_ =	shalt  }
0x71: {  	_ =	shalt  }
0x72: {  	_ =	shalt  }
0x73: {  	_ =	shalt  }
0x74: {  	_ =	shalt  }
0x75: {  	_ =	shalt  }
0x76: {  	_ =	shalt  }
0x77: {  	_ =	shalt  }
0x78: {  	_ =	shalt  }
0x79: {  	_ =	shalt  }
0x7a: {  	_ =	shalt  }
0x7b: {  	_ =	shalt  }
0x7c: {  	_ =	shalt  }
0x7d: {  	_ =	shalt  }
0x7e: {  	_ =	shalt  }
0x7f: {  	_ =	shalt  }
0x80: {  	_ =	shalt  }
0x81: {  	_ =	shalt  }
0x82: {  	_ =	shalt  }
0x83: {  	_ =	shalt  }
0x84: {  	_ =	shalt  }
0x85: {  	_ =	shalt  }
0x86: {  	_ =	shalt  }
0x87: {  	_ =	shalt  }
.Lfunc_end0:
.L_simem_size_0:
called_computation_lowered:
.L_overlay_start_0:
0x88: {  	s2 =	sld [smem:$0x3FD9]  }
0x89: {  	s3 =	sld [smem:$0x3FFE];
	_ =	sdelay $0x1  }
0x8a: {  	s1 =	srdreg.scid  }
0x8b: {  	s0 =	sand.u32 $0x1, s1  }
0x8c: {  	s14 =	sshll.u32 s0, $0xA;
	s2 =	sadd.s32 s3, s2  }
0x8d: {  	s2 =	sadd.s32 s2, s14  }
0x8e: {  	[smem:$0x3FC0] =	sst s2  }
0x8f: {  	_ = 	snop  }
0x90: {  	s2 =	sld [smem:$0x3FD0];
	_ =	sdelay $0x2  }
0x91: {  	s15 =	simm.s32 $0xA;
	s4 =	simm.s32 $0x10  }
0x92: {  	[smem:s4], [sflag:s15] =	dma.local [hbm:s2], $0x1  }
0x93: {  	_ =	swait.eq [sflag:s15], $0x1  }
0x94: {  	[sflag:s15] =	ssyncset.done $0x0  }
0x95: {  	s16 =	sld [smem:$0x10];
	[sflag:s15] =	ssyncadd.s32 $0xFFFFFFFF  }
0x96: {  	s17 =	sld [smem:$0x11];
	(tm) =	ssettm $0x1  }
0x97: {  	s18 =	sld [smem:$0x3FFB];
	_ =	sdelay $0x3  }
0x98: {  	_ =	strace s18  }
0x99: {  	s4 =	sld [smem:$0x3FFC];
	_ =	sdelay $0x3  }
0x9a: {  	_ =	strace s4  }
0x9b: {  	s4 =	sld [smem:$0x3FFD];
	_ =	sdelay $0x3  }
0x9c: {  	_ =	strace s4  }
0x9d: {  	_ =	strace $0x8FFFFFFF  }
0x9e: {  	s19 =	sld [smem:$0x3FDB];
	_ =	sdelay $0x1  }
0x9f: {  	s5 =	simm.s32 $_scs_section_size  }
0xa0: {  	s6 =	simm.s32 $_size__tile_overlayer_lowered;
	s7 =	simm.s32 $_tile_overlayer_lowered  }
0xa1: {  	s22 =	simm.s32 $0x1BFF;
	s21 =	sshll.u32 s7, $0x1;
	s4 =	sadd.s32 s5, s19  }
0xa2: {  	s8 =	simm.s32 $0x0;
	s20 =	sshll.u32 s6, $0x1;
	s6 =	sadd.s32 s21, s4  }
0xa3: {  	[timem:s8], [sflag:s22] =	dma.local [hbm:s6], s20  }
0xa4: {  	_ =	swait.ge [sflag:s22], s20  }
0xa5: {  	s5 =	ssub.s32 $0x0, s20;
	[sflag:s22] =	ssyncset.done $0x0  }
0xa6: {  	[sflag:s22] =	ssyncadd.s32 s5;
	_ =	sdelay $0x1  }
0xa7: {  	s23 =	simm.s32 $0x1B8B  }
0xa8: {  	_ =	swait.ge [sflag:s23], $0x1  }
0xa9: {  	[sflag:s23] =	ssyncset.done $0x0  }
0xaa: {  	s25 =	simm.s32 $0x1B8E;
	s24 =	sld [smem:$0x3FFE];
	[sflag:s23] =	ssyncadd.s32 $0xFFFFFFFF  }
0xab: {  	s26 =	simm.s32 $execute0_lowered;
	[smem:$0x3FD2] =	sst s25  }
0xac: {  	s6 =	sshll.u32 s26, $0x1;
	_ =	strace $0x80000046;
	[dreg:$0x1] =	wrdreg $0xFFFFFFFF  }
0xad: {  	s28 =	simm.s32 $_size_execute0_lowered;
	s4 =	sadd.s32 s4, s6;
	[dreg:$0x0] =	wrdreg $0x0  }
0xae: {  	s6 =	sshll.u32 s28, $0x1;
	[dreg:$0x2] =	wrdreg s4  }
0xaf: {  	[dreg:$0x3] =	wrdreg s6  }
0xb0: {  	[dreg:$0x4] =	wrdreg $0xC0  }
0xb1: {  	_ =	task [dreg:s8], $0x5FFFF  }
0xb2: {  	[dreg:$0x1] =	wrdreg $0xFFFFFFFF  }
0xb3: {  	[dreg:$0x0] =	wrdreg $0x60  }
0xb4: {  	[dreg:$0x2] =	wrdreg s16  }
0xb5: {  	[dreg:$0x3] =	wrdreg s24  }
0xb6: {  	[dreg:$0x4] =	wrdreg s17  }
0xb7: {  	[dreg:$0x5] =	wrdreg $0x28800  }
0xb8: {  	[dreg:$0x6] =	wrdreg $0x9  }
0xb9: {  	_ =	task.clear_ibuf [dreg:s8], $0x7FFFF;
	_ =	strace $0x90000046  }
0xba: {  	s29 =	simm.s32 $0x9;
	_ =	strace $0x80000048  }
0xbb: {  	_ =	swait.ge [sflag:s29], $0x1  }
0xbc: {  	[sflag:s29] =	ssyncadd.s32 $0xFFFFFFFF  }
0xbd: {  	_ =	strace $0x90000048  }
0xbe: {  	_ =	sfence  }
0xbf: {  	s30 =	sld [smem:$0x0];
	_ =	sdelay $0x2  }
0xc0: {  	s31 =	sshll.u32 s1, $0xD;
	s1 =	sshrl.u32 s1, $0x2  }
0xc1: {  	s3 =	sand.u32 $0x4000, s31;
	s1 =	sadd.s32 s1, s30  }
0xc2: {  	s0 =	sor.u32 s3, s0;
	s1 =	sshll.u32 s1, $0x11  }
0xc3: {  	s0 =	sor.u32 s1, s0  }
0xc4: {  	s0 =	sadd.s32 $0x8F2B, s0  }
0xc5: {  	[sflag:s0] =	ssyncadd.remote.s32 $0x1  }
0xc6: {  	_ =	sfence.sel $0xFFFF  }
0xc7: {  	[dreg:$0x0] =	wrdreg $0xFFFFFFFF;
	(pc) =	sbr.abs _section_cstart, $3  }
0xc8: {  	[dreg:$0x1] =	wrdreg $0xFFFFFFFF  }
0xc9: {  	_ =	task.clear_ibuf [dreg:s8], $0x2FFFF;
	_ =	strace $0x9FFFFFFF  }
0xca: {  	(tm) =	ssettm $0x7FFFFFFF  }
0xcb: {  	_ =	shalt  }
tec
execute0_lowered:
.L_overlay_start_1:
0x0: {  	(tag) =	ssettag $0x1  }
0x1: {  	s5 =	rddreg [dreg:$0x0]  }
0x2: {  	s6 =	rddreg [dreg:$0x1]  }
0x3: {  	s7 =	rddreg [dreg:$0x2]  }
0x4: {  	s1 =	rddreg [dreg:$0x3]  }
0x5: {  	s0 =	rddreg [dreg:$0x4];
	s3 =	simm.s32 $0x0;
	s2 =	stileid.u32  }
0x6: {  	s4 =	srdreg.scid;
	s13 =	simm.s32 $0x80;
	s14 =	simm.s32 $0x1  }
0x7: {  	s15 =	simm.s32 $0x0;
	[smem:$0x7FF] =	sst s3;
	s8 =	smul.u32 $0x280, s2  }
0x8: {  	s9 =	sand.u32 $0x1, s4;
	s10 =	sshll.u32 s2, $0x1;
	s4 =	sadd.s32 $0x2A00, s6  }
0x9: {  	s31 =	sshll.u32 s2, $0x6;
	_ =	strace $0x80000047;
	s10 =	sor.u32 s9, s10  }
0xa: {  	s11 =	smul.u32 $0x2800, s9;
	s9 =	ssub.s32 $0x2, s9;
	s12 =	sshrl.u32 s8, $0x3  }
0xb: {  	s10 =	smul.u32 $0x500, s10;
	s28 =	sshrl.u32 s9, $0x1;
	s30 =	sadd.s32 s8, s1  }
0xc: {  	s6 =	sadd.s32 s12, s6;
	s11 =	sadd.s32 s8, s11;
	s9 =	ssub.s32 s9, s28  }
0xd: {  	s12 =	sshrl.u32 s30, $0x3;
	s5 =	sadd.s32 s5, s10;
	s29 =	sshrl.u32 s11, $0x3  }
0xe: {  	s6 =	sadd.s32 $0x2C00, s6;
	s8 =	smax.u32 s9, $0x1;
	s9 =	simm.s32 $0x2  }
0xf: {  	s10 =	simm.s32 $0x2800;
	s11 =	sor.u32 $0x1C02, s31;
	s7 =	sadd.s32 s7, s29  }
.LBB2_1:
0x10: {  	[tilespmem:s3], [sflag:$0x2] =	stream.linear.gather [hbm4b:s5+s3], $0x2800, $0x38;
	[tilespmem:$0x2B00] =	vst v63  }
0x11: {  	_ =	swait.ge [sflag:s9], $0x2800  }
0x12: {  	[sflag:s9] =	ssyncset.done $0x0  }
0x13: {  	[sflag:s9] =	ssyncadd.s32 $0xFFFFD800  }
0x14: {  	[tilespmem:s10], [sflag:$0x2] =	stream.linear.gather [hbm4b:s4+s3], $0x80, $0x38;
	[tilespmem:$0x2B00] =	vst v63  }
0x15: {  	_ =	swait.ge [sflag:s9], $0x80  }
0x16: {  	[sflag:s9] =	ssyncset.done $0x0  }
0x17: {  	[sflag:s9] =	ssyncadd.s32 $0xFFFFFF80  }
0x18: {  	[spmem:s12], [sflag:s11] =	dma.local [hbm:s6], $0x50  }
0x19: {  	_ =	swait.ge [sflag:s9], $0x50  }
0x1a: {  	[sflag:s9] =	ssyncset.done $0x0  }
0x1b: {  	[sflag:s9] =	ssyncadd.s32 $0xFFFFFFB0  }
0x1c: {  	s16 =	simm.s32 $0x0;
	[bflag:$0x0] =	sbarrier.arrive $0xFFFF  }
0x1d: {  	[spmem:s1] =	stream.indirect.scatter.add.f32 [tilespmem:s10], [sflag:$0x1], $0x1, s16, s13, $0xb8;
	[tilespmem:$0x2B00] =	vst v63  }
0x1e: {  	s29 =	simm.s32 $0x80  }
0x1f: {  	[spmem:s1] =	stream.indirect.scatter.add.f32 [tilespmem:s10], [sflag:$0x1], $0x1, s29, s13, $0xb8;
	[tilespmem:$0x2B00] =	vst v63  }
0x20: {  	s30 =	simm.s32 $0x100  }
0x21: {  	[spmem:s1] =	stream.indirect.scatter.add.f32 [tilespmem:s10], [sflag:$0x1], $0x1, s30, s13, $0xb8;
	[tilespmem:$0x2B00] =	vst v63  }
0x22: {  	s31 =	simm.s32 $0x180  }
0x23: {  	[spmem:s1] =	stream.indirect.scatter.add.f32 [tilespmem:s10], [sflag:$0x1], $0x1, s31, s13, $0xb8;
	[tilespmem:$0x2B00] =	vst v63  }
0x24: {  	_ =	swait.ge [sflag:s14], $0x80  }
0x25: {  	[sflag:s14] =	ssyncset.done $0x0  }
0x26: {  	[sflag:s14] =	ssyncadd.s32 $0xFFFFFF80  }
0x27: {  	_ =	swait.ge [sflag:s14], $0x80  }
0x28: {  	[sflag:s14] =	ssyncset.done $0x0  }
0x29: {  	[sflag:s14] =	ssyncadd.s32 $0xFFFFFF80  }
0x2a: {  	_ =	swait.ge [sflag:s14], $0x80  }
0x2b: {  	[sflag:s14] =	ssyncset.done $0x0  }
0x2c: {  	[sflag:s14] =	ssyncadd.s32 $0xFFFFFF80  }
0x2d: {  	_ =	swait.ge [sflag:s14], $0x80  }
0x2e: {  	s17 =	simm.s32 $0x1000;
	s16 =	simm.s32 $0x800;
	[sflag:s14] =	ssyncset.done $0x0  }
.LBB2_2:
0x2f: {  	s18 =	sshra.s32 s16, $0x2  }
0x30: {  	[sflag:s14] =	ssyncadd.s32 $0xFFFFFF80;
	s16 =	smov.u32 s17;
	s19 =	sadd.s32 $0x800, s17  }
0x31: {  	[spmem:s1] =	stream.indirect.scatter.add.f32 [tilespmem:s10], [sflag:$0x1], $0x1, s18, s13, $0xb8;
	[tilespmem:$0x2B00] =	vst v63  }
0x32: {  	p0 =	sne.s32 s17, $0x9800;
	s17 =	sadd.s32 $0x80, s18  }
0x33: {  	[spmem:s1] =	stream.indirect.scatter.add.f32 [tilespmem:s10], [sflag:$0x1], $0x1, s17, s13, $0xb8;
	[tilespmem:$0x2B00] =	vst v63  }
0x34: {  	s17 =	sadd.s32 $0x100, s18  }
0x35: {  	[spmem:s1] =	stream.indirect.scatter.add.f32 [tilespmem:s10], [sflag:$0x1], $0x1, s17, s13, $0xb8;
	[tilespmem:$0x2B00] =	vst v63  }
0x36: {  	s17 =	sadd.s32 $0x180, s18  }
0x37: {  	[spmem:s1] =	stream.indirect.scatter.add.f32 [tilespmem:s10], [sflag:$0x1], $0x1, s17, s13, $0xb8;
	[tilespmem:$0x2B00] =	vst v63  }
0x38: {  	_ =	swait.ge [sflag:s14], $0x80  }
0x39: {  	[sflag:s14] =	ssyncset.done $0x0  }
0x3a: {  	[sflag:s14] =	ssyncadd.s32 $0xFFFFFF80  }
0x3b: {  	_ =	swait.ge [sflag:s14], $0x80  }
0x3c: {  	[sflag:s14] =	ssyncset.done $0x0  }
0x3d: {  	[sflag:s14] =	ssyncadd.s32 $0xFFFFFF80  }
.Ltmp0:
0x3e: {  	_ =	swait.ge [sflag:s14], $0x80;
	(pc) =	sbr.rel @p0 .LBB2_2-.Ltmp0, $4  }
0x3f: {  	[sflag:s14] =	ssyncset.done $0x0  }
0x40: {  	[sflag:s14] =	ssyncadd.s32 $0xFFFFFF80  }
0x41: {  	_ =	swait.ge [sflag:s14], $0x80  }
0x42: {  	s17 =	smov.u32 s19;
	[sflag:s14] =	ssyncset.done $0x0  }
0x43: {  	s16 =	sshra.s32 s16, $0x2;
	[sflag:s14] =	ssyncadd.s32 $0xFFFFFF80  }
0x44: {  	[spmem:s1] =	stream.indirect.scatter.add.f32 [tilespmem:s10], [sflag:$0x1], $0x1, s16, s13, $0xb8;
	[tilespmem:$0x2B00] =	vst v63  }
0x45: {  	s17 =	sadd.s32 $0x80, s16  }
0x46: {  	[spmem:s1] =	stream.indirect.scatter.add.f32 [tilespmem:s10], [sflag:$0x1], $0x1, s17, s13, $0xb8;
	[tilespmem:$0x2B00] =	vst v63  }
0x47: {  	s31 =	sadd.s32 $0x100, s16  }
0x48: {  	[spmem:s1] =	stream.indirect.scatter.add.f32 [tilespmem:s10], [sflag:$0x1], $0x1, s31, s13, $0xb8;
	[tilespmem:$0x2B00] =	vst v63  }
0x49: {  	s16 =	sadd.s32 $0x180, s16  }
0x4a: {  	[spmem:s1] =	stream.indirect.scatter.add.f32 [tilespmem:s10], [sflag:$0x1], $0x1, s16, s13, $0xb8;
	[tilespmem:$0x2B00] =	vst v63  }
0x4b: {  	_ =	swait.ge [sflag:s14], $0x80  }
0x4c: {  	[sflag:s14] =	ssyncset.done $0x0  }
0x4d: {  	[sflag:s14] =	ssyncadd.s32 $0xFFFFFF80  }
0x4e: {  	_ =	swait.ge [sflag:s14], $0x80  }
0x4f: {  	[sflag:s14] =	ssyncset.done $0x0  }
0x50: {  	[sflag:s14] =	ssyncadd.s32 $0xFFFFFF80  }
0x51: {  	_ =	swait.ge [sflag:s14], $0x80  }
0x52: {  	[sflag:s14] =	ssyncset.done $0x0  }
0x53: {  	[sflag:s14] =	ssyncadd.s32 $0xFFFFFF80  }
0x54: {  	_ =	swait.ge [sflag:s14], $0x80  }
0x55: {  	s15 =	sadd.s32 $0x1, s15;
	[sflag:s14] =	ssyncset.done $0x0  }
0x56: {  	p0 =	sne.s32 s15, s8;
	[sflag:s14] =	ssyncadd.s32 $0xFFFFFF80  }
.Ltmp1:
0x57: {  	[bflag:$0x0] =	sbarrier.arrive $0xFFFF;
	(pc) =	sbr.rel @p0 .LBB2_1-.Ltmp1, $4  }
0x58: {  	[hbm:s7], [sflag:s11] =	dma.local [spmem:s12], $0x50  }
0x59: {  	_ =	swait.ge [sflag:s9], $0x50  }
0x5a: {  	[sflag:s9] =	ssyncset.done $0x0  }
0x5b: {  	[sflag:s9] =	ssyncadd.s32 $0xFFFFFFB0  }
0x5c: {  	_ =	sfence.sel $0x180000  }
0x5d: {  	[bflag:$0x0] =	sbarrier.arrive $0xFFFF  }
0x5e: {  	p0 =	sne.s32 s2, $0x0;
	_ =	strace $0x90000047  }
0x5f: {  	s0 =	sadd.s32 @!p0 $0x100000, s0;
	[bflag:$0x2] =	sbarrier.arrive $0xFFFF  }
0x60: {  	[sflag:s0] =	ssyncadd.tile.s32 @!p0 $0x1;
	_ =	shalt  }
.Lfunc_end2:
_tile_overlayer_lowered:
.L_overlay_start_2:
0x61: {  	(tag) =	ssettag $0x2  }
0x62: {  	s0 =	rddreg [dreg:$0x0];
	s2 =	stileid.u32  }
0x63: {  	s1 =	rddreg [dreg:$0x1];
	p0 =	sne.s32 s2, $0x0  }
0x64: {  	s3 =	rddreg [dreg:$0x2];
	[bflag:$0x3] =	sbarrier.arrive $0xFFFF;
	s2 =	simm.s32 @!p0 $0x1C02  }
0x65: {  	[timem:s3], [sflag:s2] =	dma.local @!p0 [hbm:s0], s1  }
0x66: {  	s0 =	simm.s32 @!p0 $0x2  }
0x67: {  	_ =	swait.ge @!p0 [sflag:s0], s1  }
0x68: {  	s1 =	ssub.s32 @!p0 $0x0, s1;
	[sflag:s0] =	ssyncset.done @!p0 $0x0  }
0x69: {  	[sflag:s0] =	ssyncadd.s32 @!p0 s1  }
0x6a: {  	[bflag:$0x3] =	sbarrier.arrive $0xFFFF  }
0x6b: {  	_ =	shalt  }

</sc_bundles>
